<compile_context>
chip_gen: v7x
topology: tpu7x:2x2x1
jax: 0.10.2.dev20260603
libtpu: 0.0.44.dev20260713+nightly
codegen_flags: <defaults>
</compile_context>

<pallas_src>
import functools

import jax
import jax.numpy as jnp
from jax import lax
from jax.experimental import pallas as pl
from jax.experimental.pallas import tpu as pltpu
from jax.experimental.pallas import tpu_sc as plsc

N = 10000
E = 160000
IN_FEATS = 256
HALF = 128
HIDDEN = 512
NUM_CLASSES = 128

CHUNK = 128
ROWS = E // CHUNK
NSUB = 16
LANES = 16
DEG_W = 128
ROWS_PC = ROWS // 2
RPW = (N // NSUB) // 8 * 8
LEFT_OUT = N - NSUB * RPW

_MESH = plsc.VectorSubcoreMesh(core_axis_name="c", subcore_axis_name="s")


GRP = 8
NGRP = ROWS // GRP
LEFT_ROWS = ROWS - NGRP * GRP
NB = 2
DEPTH = 2


def _sc_sum(xs, src2, dst2, zsum):

    @functools.partial(
        pl.kernel,
        out_type=jax.ShapeDtypeStruct((2 * N, HALF), jnp.float32),
        mesh=_MESH,
        scratch_types=[
            pltpu.VMEM((GRP, CHUNK), jnp.int32),
            pltpu.VMEM((GRP, CHUNK), jnp.int32),
            pltpu.VMEM((CHUNK, HALF), jnp.float32),
            pltpu.VMEM((CHUNK, HALF), jnp.float32),
            pltpu.SemaphoreType.DMA,
            pltpu.SemaphoreType.DMA,
            pltpu.SemaphoreType.DMA,
            pltpu.SemaphoreType.DMA,
            pltpu.VMEM_SHARED((N, HALF), jnp.float32),
        ],
    )
    def agg(xs_hbm, src_hbm, dst_hbm, zsum_hbm, out_hbm,
            src_g, dst_g, b0, b1, g0, g1, s0, s1, ssum):
        cid = lax.axis_index("c")
        sid = lax.axis_index("s")
        base = sid * RPW
        bufs = (b0, b1)
        gsem = (g0, g1)
        ssem = (s0, s1)

        pltpu.sync_copy(zsum_hbm.at[pl.ds(base, RPW)],
                        ssum.at[pl.ds(base, RPW)])

        @pl.when(sid == NSUB - 1)
        def _():
            pltpu.sync_copy(zsum_hbm.at[pl.ds(NSUB * RPW, LEFT_OUT)],
                            ssum.at[pl.ds(NSUB * RPW, LEFT_OUT)])

        plsc.subcore_barrier()

        off = cid

        def do_group(row0, nrows):
            pltpu.sync_copy(src_hbm.at[pl.ds(row0, nrows)],
                            src_g.at[pl.ds(0, nrows)])
            pltpu.sync_copy(dst_hbm.at[pl.ds(row0, nrows)],
                            dst_g.at[pl.ds(0, nrows)])
            for j in range(nrows):
                for k in range(CHUNK // LANES):
                    sl = pl.ds(k * LANES, LANES)
                    src_g[j, sl] = src_g[j, sl] + off

            gh = {}
            sh = {}
            waited = set()
            for j in range(min(DEPTH, nrows)):
                b = j % NB
                gh[j] = pltpu.async_copy(xs_hbm.at[src_g.at[j]],
                                         bufs[b], gsem[b])
            for j in range(nrows):
                b = j % NB
                gh[j].wait()
                sh[j] = pltpu.async_copy(bufs[b], ssum.at[dst_g.at[j]],
                                         ssem[b], add=True)
                nj = j + DEPTH
                if nj < nrows:
                    nb_ = nj % NB
                    if nj - NB >= 0:
                        sh[nj - NB].wait()
                        waited.add(nj - NB)
                    gh[nj] = pltpu.async_copy(xs_hbm.at[src_g.at[nj]],
                                              bufs[nb_], gsem[nb_])
            for j in range(nrows):
                if j not in waited:
                    sh[j].wait()

        @pl.loop(0, (NGRP + NSUB - 1) // NSUB)
        def _(i):
            g = sid + i * NSUB

            @pl.when(g < NGRP)
            def _():
                do_group(g * GRP, GRP)

        @pl.when(sid == NSUB - 1)
        def _():
            do_group(NGRP * GRP, LEFT_ROWS)

        plsc.subcore_barrier()

        out_off = cid * N
        pltpu.sync_copy(ssum.at[pl.ds(base, RPW)],
                        out_hbm.at[pl.ds(out_off + base, RPW)])

        @pl.when(sid == NSUB - 1)
        def _():
            pltpu.sync_copy(ssum.at[pl.ds(NSUB * RPW, LEFT_OUT)],
                            out_hbm.at[pl.ds(out_off + NSUB * RPW, LEFT_OUT)])

    return agg(xs, src2, dst2, zsum)


DGRP_PC = (ROWS // 2) // GRP
DLEFT = ROWS - 2 * DGRP_PC * GRP


def _sc_deg(dst2, zdeg, ones):

    @functools.partial(
        pl.kernel,
        out_type=jax.ShapeDtypeStruct((2 * N, DEG_W), jnp.float32),
        mesh=_MESH,
        scratch_types=[
            pltpu.VMEM((GRP, CHUNK), jnp.int32),
            pltpu.VMEM((CHUNK, DEG_W), jnp.float32),
            pltpu.SemaphoreType.DMA,
            pltpu.VMEM_SHARED((N, DEG_W), jnp.float32),
        ],
    )
    def agg(dst_hbm, zdeg_hbm, ones_hbm, out_hbm, dst_g, ones_v, ssem, sdeg):
        cid = lax.axis_index("c")
        sid = lax.axis_index("s")
        base = sid * RPW

        pltpu.sync_copy(zdeg_hbm.at[pl.ds(base, RPW)],
                        sdeg.at[pl.ds(base, RPW)])

        @pl.when(sid == NSUB - 1)
        def _():
            pltpu.sync_copy(zdeg_hbm.at[pl.ds(NSUB * RPW, LEFT_OUT)],
                            sdeg.at[pl.ds(NSUB * RPW, LEFT_OUT)])

        pltpu.sync_copy(ones_hbm, ones_v)
        plsc.subcore_barrier()

        row_base = cid * DGRP_PC * GRP

        def do_group(row0, nrows):
            pltpu.sync_copy(dst_hbm.at[pl.ds(row0, nrows)],
                            dst_g.at[pl.ds(0, nrows)])
            hs = [pltpu.async_copy(ones_v, sdeg.at[dst_g.at[j]],
                                   ssem, add=True) for j in range(nrows)]
            for h in hs:
                h.wait()

        @pl.loop(0, (DGRP_PC + NSUB - 1) // NSUB)
        def _(i):
            g = sid + i * NSUB

            @pl.when(g < DGRP_PC)
            def _():
                do_group(row_base + g * GRP, GRP)

        @pl.when((cid == 1) & (sid == NSUB - 1))
        def _():
            do_group(2 * DGRP_PC * GRP, DLEFT)

        plsc.subcore_barrier()

        obase = cid * N + base
        pltpu.sync_copy(sdeg.at[pl.ds(base, RPW)],
                        out_hbm.at[pl.ds(obase, RPW)])

        @pl.when(sid == NSUB - 1)
        def _():
            pltpu.sync_copy(sdeg.at[pl.ds(NSUB * RPW, LEFT_OUT)],
                            out_hbm.at[pl.ds(cid * N + NSUB * RPW, LEFT_OUT)])

    return agg(dst2, zdeg, ones)


BLK = 400


def _tc_dense(x, sums, degs, w_self, wn0, wn1, b_sage, w_fc, b_fc):
    def body(x_ref, s0_ref, s1_ref, d0_ref, d1_ref, ws_ref, wn0_ref,
             wn1_ref, bs_ref, wfc_ref, bfc_ref, o_ref):
        deg = d0_ref[:, 0:1] + d1_ref[:, 0:1]
        inv = 1.0 / jnp.maximum(deg, 1.0)
        h = (
            jnp.dot(x_ref[...].astype(jnp.bfloat16),
                    ws_ref[...].astype(jnp.bfloat16),
                    preferred_element_type=jnp.float32)
            + jnp.dot((s0_ref[...] * inv).astype(jnp.bfloat16),
                      wn0_ref[...].astype(jnp.bfloat16),
                      preferred_element_type=jnp.float32)
            + jnp.dot((s1_ref[...] * inv).astype(jnp.bfloat16),
                      wn1_ref[...].astype(jnp.bfloat16),
                      preferred_element_type=jnp.float32)
            + bs_ref[...]
        )
        h = jnp.maximum(h, 0.0)
        o_ref[...] = (
            jnp.dot(h.astype(jnp.bfloat16), wfc_ref[...].astype(jnp.bfloat16),
                    preferred_element_type=jnp.float32)
            + bfc_ref[...]
        )

    nblk = N // BLK
    return pl.pallas_call(
        body,
        grid=(nblk,),
        in_specs=[
            pl.BlockSpec((BLK, IN_FEATS), lambda i: (i, 0)),
            pl.BlockSpec((BLK, HALF), lambda i: (i, 0)),
            pl.BlockSpec((BLK, HALF), lambda i: (i + nblk, 0)),
            pl.BlockSpec((BLK, DEG_W), lambda i: (i, 0)),
            pl.BlockSpec((BLK, DEG_W), lambda i: (i + nblk, 0)),
            pl.BlockSpec((IN_FEATS, HIDDEN), lambda i: (0, 0)),
            pl.BlockSpec((HALF, HIDDEN), lambda i: (0, 0)),
            pl.BlockSpec((HALF, HIDDEN), lambda i: (0, 0)),
            pl.BlockSpec((1, HIDDEN), lambda i: (0, 0)),
            pl.BlockSpec((HIDDEN, NUM_CLASSES), lambda i: (0, 0)),
            pl.BlockSpec((1, NUM_CLASSES), lambda i: (0, 0)),
        ],
        out_specs=pl.BlockSpec((BLK, NUM_CLASSES), lambda i: (i, 0)),
        out_shape=jax.ShapeDtypeStruct((N, NUM_CLASSES), jnp.float32),
    )(x, sums, sums, degs, degs, w_self, wn0, wn1, b_sage, w_fc, b_fc)


def kernel(x, edge_index, W_self, W_neigh, b_sage, W_fc, b_fc):
    xv = x.reshape(2 * N, HALF)
    src2 = (edge_index[0] * 2).reshape(ROWS, CHUNK)
    dst2 = edge_index[1].reshape(ROWS, CHUNK)
    zsum = jnp.zeros((N, HALF), jnp.float32)
    zdeg = jnp.zeros((N, DEG_W), jnp.float32)
    ones = jnp.ones((CHUNK, DEG_W), jnp.float32)
    sums = _sc_sum(xv, src2, dst2, zsum)
    degs = _sc_deg(dst2, zdeg, ones)
    return _tc_dense(
        x, sums, degs,
        W_self, W_neigh[:HALF], W_neigh[HALF:],
        b_sage.reshape(1, HIDDEN), W_fc, b_fc.reshape(1, NUM_CLASSES),
    )

# --- scband reference (transcript-rebuilt; emitter-appended) ---
"""Pipeline reference for scband-graph-sagenet-15994458211102 (READ-ONLY COPY).

The authoritative reference and input builder live on the scoring server;
editing this copy changes nothing except your own understanding.
"""

import jax, jax.numpy as jnp
import numpy as np

N = 10000
E = 160000
IN_FEATS = 256
HIDDEN = 512
NUM_CLASSES = 128


def setup_inputs(seed: int = 0) -> dict:
    key = jax.random.key(seed)
    ks = jax.random.split(key, 8)
    x = jax.random.normal(ks[0], (N, IN_FEATS), dtype=jnp.float32)
    edge_index = jax.random.randint(ks[1], (2, E), 0, N, dtype=jnp.int32)
    # SAGEConv('mean') params: fc_self (no bias), fc_neigh (no bias), shared bias
    W_self = jax.random.normal(ks[2], (IN_FEATS, HIDDEN), dtype=jnp.float32) * 0.05
    W_neigh = jax.random.normal(ks[3], (IN_FEATS, HIDDEN), dtype=jnp.float32) * 0.05
    b_sage = jnp.zeros((HIDDEN,), dtype=jnp.float32)
    # final classifier Linear(hidden, num_classes)
    W_fc = jax.random.normal(ks[4], (HIDDEN, NUM_CLASSES), dtype=jnp.float32) * 0.05
    b_fc = jnp.zeros((NUM_CLASSES,), dtype=jnp.float32)
    return {"x": x, "edge_index": edge_index, "W_self": W_self, "W_neigh": W_neigh,
            "b_sage": b_sage, "W_fc": W_fc, "b_fc": b_fc}


def reference(x, edge_index, W_self, W_neigh, b_sage, W_fc, b_fc):
    # DGL SAGEConv with 'mean' aggregator:
    #   h_neigh[v] = mean_{u in in-neighbors(v)} x[u]
    #   rst = fc_self(x) + fc_neigh(h_neigh) + bias
    src = edge_index[0]
    dst = edge_index[1]
    msg = jnp.take(x, src, axis=0)                      # gather  [E, IN]
    summed = jax.ops.segment_sum(msg, dst, num_segments=N)  # scatter-add [N, IN]
    deg = jax.ops.segment_sum(jnp.ones((E,), dtype=jnp.float32), dst, num_segments=N)
    h_neigh = summed / jnp.maximum(deg, 1.0)[:, None]   # zero in-degree -> 0
    h = x @ W_self + h_neigh @ W_neigh + b_sage
    h = jax.nn.relu(h)
    out = h @ W_fc + b_fc
    return out

if __name__ == "__main__":
    import jax
    _d = setup_inputs()
    print(jax.jit(kernel)(*tuple(_d.values())))

</pallas_src>

<mosaic_0001>
#map = affine_map<(d0, d1) -> (0, 0)>
module attributes {stable_mosaic.version = 14 : i64} {
  func.func @agg(%arg0: i32, %arg1: i32, %arg2: memref<1250x128xi32, #tpu.memory_space<hbm>>, %arg3: memref<10000x128xf32, #tpu.memory_space<hbm>>, %arg4: memref<128x128xf32, #tpu.memory_space<hbm>>, %arg5: memref<20000x128xf32, #tpu.memory_space<hbm>>, %arg6: memref<8x128xi32, #tpu.memory_space<vmem>>, %arg7: memref<128x128xf32, #tpu.memory_space<vmem>>, %arg8: memref<!tpu.dma_semaphore, #tpu.memory_space<semaphore_mem>>, %arg9: memref<10000x128xf32, #tpu.memory_space<vmem_shared>>) attributes {dimension_semantics = [#tpu.dimension_semantics<core_parallel>, #tpu.dimension_semantics<subcore_parallel>], iteration_bounds = array<i64: 2, 16>, scalar_prefetch = 0 : i64, scratch_operands = 4 : i64, tpu.core_type = #tpu.core_type<sc_vector_subcore>, window_params = [{transform_indices = #map}, {transform_indices = #map}, {transform_indices = #map}, {transform_indices = #map}]} {
    %mul3A = arith.constant 624 : i32
    %mul3A_0 = arith.muli %arg1, %mul3A : i32
    "tpu.region"() ({
      %run_scoped3A = tpu.sem_alloc : memref<!tpu.dma_semaphore, #tpu.memory_space<semaphore_mem>>
      %dma_start3A = arith.constant 0 : i32
      %dma_start3A_26 = tpu.memref_slice %arg9[%mul3A_0, %dma_start3A] : memref<10000x128xf32, #tpu.memory_space<vmem_shared>> -> memref<624x128xf32, #tpu.memory_space<vmem_shared>>
      %dma_start3A_27 = arith.constant 0 : i32
      %dma_start3A_28 = tpu.memref_slice %arg3[%mul3A_0, %dma_start3A_27] : memref<10000x128xf32, #tpu.memory_space<hbm>> -> memref<624x128xf32, #tpu.memory_space<hbm>>
      tpu.enqueue_dma source(%dma_start3A_28 : memref<624x128xf32, #tpu.memory_space<hbm>>) target(%dma_start3A_26 : memref<624x128xf32, #tpu.memory_space<vmem_shared>>) target_semaphore(%run_scoped3A : memref<!tpu.dma_semaphore, #tpu.memory_space<semaphore_mem>>)
      %dma_wait3A = arith.constant 0 : i32
      %dma_wait3A_29 = tpu.memref_slice %arg9[%mul3A_0, %dma_wait3A] : memref<10000x128xf32, #tpu.memory_space<vmem_shared>> -> memref<624x128xf32, #tpu.memory_space<vmem_shared>>
      %dma_wait3A_30 = arith.constant 0 : i32
      %dma_wait3A_31 = tpu.memref_slice %arg3[%mul3A_0, %dma_wait3A_30] : memref<10000x128xf32, #tpu.memory_space<hbm>> -> memref<624x128xf32, #tpu.memory_space<hbm>>
      tpu.wait_dma2 semaphore(%run_scoped3A : memref<!tpu.dma_semaphore, #tpu.memory_space<semaphore_mem>>) src(%dma_wait3A_31 : memref<624x128xf32, #tpu.memory_space<hbm>>) dst(%dma_wait3A_29 : memref<624x128xf32, #tpu.memory_space<vmem_shared>>)
      tpu.yield
    }) : () -> ()
    %eq3A = arith.constant 15 : i32
    %eq3A_1 = arith.cmpi eq, %arg1, %eq3A : i32
    %convert_element_type3A = arith.extui %eq3A_1 : i1 to i32
    %cond3A = arith.constant 0 : i32
    %cond3A_2 = arith.cmpi ne, %convert_element_type3A, %cond3A : i32
    scf.if %cond3A_2 {
      "tpu.region"() ({
        %run_scoped3A = tpu.sem_alloc : memref<!tpu.dma_semaphore, #tpu.memory_space<semaphore_mem>>
        %dma_start3A = arith.constant 9984 : i32
        %dma_start3A_26 = arith.constant 0 : i32
        %dma_start3A_27 = tpu.memref_slice %arg9[%dma_start3A, %dma_start3A_26] : memref<10000x128xf32, #tpu.memory_space<vmem_shared>> -> memref<16x128xf32, #tpu.memory_space<vmem_shared>>
        %dma_start3A_28 = arith.constant 9984 : i32
        %dma_start3A_29 = arith.constant 0 : i32
        %dma_start3A_30 = tpu.memref_slice %arg3[%dma_start3A_28, %dma_start3A_29] : memref<10000x128xf32, #tpu.memory_space<hbm>> -> memref<16x128xf32, #tpu.memory_space<hbm>>
        tpu.enqueue_dma source(%dma_start3A_30 : memref<16x128xf32, #tpu.memory_space<hbm>>) target(%dma_start3A_27 : memref<16x128xf32, #tpu.memory_space<vmem_shared>>) target_semaphore(%run_scoped3A : memref<!tpu.dma_semaphore, #tpu.memory_space<semaphore_mem>>)
        %dma_wait3A = arith.constant 9984 : i32
        %dma_wait3A_31 = arith.constant 0 : i32
        %dma_wait3A_32 = tpu.memref_slice %arg9[%dma_wait3A, %dma_wait3A_31] : memref<10000x128xf32, #tpu.memory_space<vmem_shared>> -> memref<16x128xf32, #tpu.memory_space<vmem_shared>>
        %dma_wait3A_33 = arith.constant 9984 : i32
        %dma_wait3A_34 = arith.constant 0 : i32
        %dma_wait3A_35 = tpu.memref_slice %arg3[%dma_wait3A_33, %dma_wait3A_34] : memref<10000x128xf32, #tpu.memory_space<hbm>> -> memref<16x128xf32, #tpu.memory_space<hbm>>
        tpu.wait_dma2 semaphore(%run_scoped3A : memref<!tpu.dma_semaphore, #tpu.memory_space<semaphore_mem>>) src(%dma_wait3A_35 : memref<16x128xf32, #tpu.memory_space<hbm>>) dst(%dma_wait3A_32 : memref<16x128xf32, #tpu.memory_space<vmem_shared>>)
        tpu.yield
      }) : () -> ()
    } else {
    }
    "tpu.region"() ({
      %run_scoped3A = tpu.sem_alloc : memref<!tpu.dma_semaphore, #tpu.memory_space<semaphore_mem>>
      tpu.enqueue_dma source(%arg4 : memref<128x128xf32, #tpu.memory_space<hbm>>) target(%arg7 : memref<128x128xf32, #tpu.memory_space<vmem>>) target_semaphore(%run_scoped3A : memref<!tpu.dma_semaphore, #tpu.memory_space<semaphore_mem>>)
      tpu.wait_dma2 semaphore(%run_scoped3A : memref<!tpu.dma_semaphore, #tpu.memory_space<semaphore_mem>>) src(%arg4 : memref<128x128xf32, #tpu.memory_space<hbm>>) dst(%arg7 : memref<128x128xf32, #tpu.memory_space<vmem>>)
      tpu.yield
    }) : () -> ()
    %barrier3A = arith.constant 0 : index
    tpu.barrier barrier_id(%barrier3A)
    %mul3A_3 = arith.constant 78 : i32
    %mul3A_4 = arith.muli %arg0, %mul3A_3 : i32
    %mul3A_5 = arith.constant 8 : i32
    %mul3A_6 = arith.muli %mul3A_4, %mul3A_5 : i32
    %scan3A = arith.constant 0 : i32
    %scan3A_7 = arith.constant 5 : i32
    %scan3A_8 = arith.addi %scan3A, %scan3A_7 : i32
    %scan3A_9 = arith.constant 1 : i32
    scf.for %scan3A_26 = %scan3A to %scan3A_8 step %scan3A_9  : i32 {
      %mul3A_27 = arith.constant 1 : i32
      %mul3A_28 = arith.muli %scan3A_26, %mul3A_27 : i32
      %add3A_29 = arith.constant 0 : i32
      %add3A_30 = arith.addi %add3A_29, %mul3A_28 : i32
      %mul3A_31 = arith.constant 16 : i32
      %mul3A_32 = arith.muli %add3A_30, %mul3A_31 : i32
      %add3A_33 = arith.addi %arg1, %mul3A_32 : i32
      %lt3A = arith.constant 78 : i32
      %lt3A_34 = arith.cmpi slt, %add3A_33, %lt3A : i32
      %convert_element_type3A_35 = arith.extui %lt3A_34 : i1 to i32
      %cond3A_36 = arith.constant 0 : i32
      %cond3A_37 = arith.cmpi ne, %convert_element_type3A_35, %cond3A_36 : i32
      scf.if %cond3A_37 {
        %mul3A_38 = arith.constant 8 : i32
        %mul3A_39 = arith.muli %add3A_33, %mul3A_38 : i32
        %add3A_40 = arith.addi %mul3A_6, %mul3A_39 : i32
        "tpu.region"() ({
          %run_scoped3A = tpu.sem_alloc : memref<!tpu.dma_semaphore, #tpu.memory_space<semaphore_mem>>
          %dma_start3A_151 = arith.constant 0 : i32
          %dma_start3A_152 = arith.constant 0 : i32
          %dma_start3A_153 = tpu.memref_slice %arg6[%dma_start3A_151, %dma_start3A_152] : memref<8x128xi32, #tpu.memory_space<vmem>> -> memref<8x128xi32, #tpu.memory_space<vmem>>
          %dma_start3A_154 = arith.constant 0 : i32
          %dma_start3A_155 = tpu.memref_slice %arg2[%add3A_40, %dma_start3A_154] : memref<1250x128xi32, #tpu.memory_space<hbm>> -> memref<8x128xi32, #tpu.memory_space<hbm>>
          %dma_start3A_156 = arith.constant 0 : i32
          %dma_start3A_157 = arith.constant 0 : i32
          %dma_start3A_158 = tpu.memref_slice %arg6[%dma_start3A_156, %dma_start3A_157] : memref<8x128xi32, #tpu.memory_space<vmem>> -> memref<8x128xi32, #tpu.memory_space<vmem>>
          %dma_start3A_159 = arith.constant 0 : i32
          %dma_start3A_160 = tpu.memref_slice %arg2[%add3A_40, %dma_start3A_159] : memref<1250x128xi32, #tpu.memory_space<hbm>> -> memref<8x128xi32, #tpu.memory_space<hbm>>
          tpu.enqueue_dma source(%dma_start3A_160 : memref<8x128xi32, #tpu.memory_space<hbm>>) target(%dma_start3A_158 : memref<8x128xi32, #tpu.memory_space<vmem>>) target_semaphore(%run_scoped3A : memref<!tpu.dma_semaphore, #tpu.memory_space<semaphore_mem>>)
          %dma_wait3A_161 = arith.constant 0 : i32
          %dma_wait3A_162 = arith.constant 0 : i32
          %dma_wait3A_163 = tpu.memref_slice %arg6[%dma_wait3A_161, %dma_wait3A_162] : memref<8x128xi32, #tpu.memory_space<vmem>> -> memref<8x128xi32, #tpu.memory_space<vmem>>
          %dma_wait3A_164 = arith.constant 0 : i32
          %dma_wait3A_165 = tpu.memref_slice %arg2[%add3A_40, %dma_wait3A_164] : memref<1250x128xi32, #tpu.memory_space<hbm>> -> memref<8x128xi32, #tpu.memory_space<hbm>>
          %dma_wait3A_166 = arith.constant 0 : i32
          %dma_wait3A_167 = arith.constant 0 : i32
          %dma_wait3A_168 = tpu.memref_slice %arg6[%dma_wait3A_166, %dma_wait3A_167] : memref<8x128xi32, #tpu.memory_space<vmem>> -> memref<8x128xi32, #tpu.memory_space<vmem>>
          %dma_wait3A_169 = arith.constant 0 : i32
          %dma_wait3A_170 = tpu.memref_slice %arg2[%add3A_40, %dma_wait3A_169] : memref<1250x128xi32, #tpu.memory_space<hbm>> -> memref<8x128xi32, #tpu.memory_space<hbm>>
          tpu.wait_dma2 semaphore(%run_scoped3A : memref<!tpu.dma_semaphore, #tpu.memory_space<semaphore_mem>>) src(%dma_wait3A_170 : memref<8x128xi32, #tpu.memory_space<hbm>>) dst(%dma_wait3A_168 : memref<8x128xi32, #tpu.memory_space<vmem>>)
          tpu.yield
        }) : () -> ()
        %dma_start3A = arith.constant 0 : i32
        %dma_start3A_41 = arith.constant 0 : i32
        %dma_start3A_42 = tpu.memref_slice %arg6[%dma_start3A, %dma_start3A_41] : memref<8x128xi32, #tpu.memory_space<vmem>> -> memref<1x128xi32, #tpu.memory_space<vmem>>
        %dma_start3A_43 = tpu.memref_squeeze %dma_start3A_42 : memref<1x128xi32, #tpu.memory_space<vmem>> -> memref<128xi32, #tpu.memory_space<vmem>>
        %dma_start3A_44 = arith.constant 0 : i32
        %dma_start3A_45 = arith.constant 0 : i32
        %dma_start3A_46 = tpu.memref_slice %arg9[%dma_start3A_44, %dma_start3A_45] : memref<10000x128xf32, #tpu.memory_space<vmem_shared>> -> memref<10000x128xf32, #tpu.memory_space<vmem_shared>>
        tpu.enqueue_indirect_dma source(%arg7 : memref<128x128xf32, #tpu.memory_space<vmem>>) target(%dma_start3A_46 : memref<10000x128xf32, #tpu.memory_space<vmem_shared>>) offsets(%dma_start3A_43 : memref<128xi32, #tpu.memory_space<vmem>>) semaphore(%arg8 : memref<!tpu.dma_semaphore, #tpu.memory_space<semaphore_mem>>) {add = true}
        %dma_start3A_47 = arith.constant 1 : i32
        %dma_start3A_48 = arith.constant 0 : i32
        %dma_start3A_49 = tpu.memref_slice %arg6[%dma_start3A_47, %dma_start3A_48] : memref<8x128xi32, #tpu.memory_space<vmem>> -> memref<1x128xi32, #tpu.memory_space<vmem>>
        %dma_start3A_50 = tpu.memref_squeeze %dma_start3A_49 : memref<1x128xi32, #tpu.memory_space<vmem>> -> memref<128xi32, #tpu.memory_space<vmem>>
        %dma_start3A_51 = arith.constant 0 : i32
        %dma_start3A_52 = arith.constant 0 : i32
        %dma_start3A_53 = tpu.memref_slice %arg9[%dma_start3A_51, %dma_start3A_52] : memref<10000x128xf32, #tpu.memory_space<vmem_shared>> -> memref<10000x128xf32, #tpu.memory_space<vmem_shared>>
        tpu.enqueue_indirect_dma source(%arg7 : memref<128x128xf32, #tpu.memory_space<vmem>>) target(%dma_start3A_53 : memref<10000x128xf32, #tpu.memory_space<vmem_shared>>) offsets(%dma_start3A_50 : memref<128xi32, #tpu.memory_space<vmem>>) semaphore(%arg8 : memref<!tpu.dma_semaphore, #tpu.memory_space<semaphore_mem>>) {add = true}
        %dma_start3A_54 = arith.constant 2 : i32
        %dma_start3A_55 = arith.constant 0 : i32
        %dma_start3A_56 = tpu.memref_slice %arg6[%dma_start3A_54, %dma_start3A_55] : memref<8x128xi32, #tpu.memory_space<vmem>> -> memref<1x128xi32, #tpu.memory_space<vmem>>
        %dma_start3A_57 = tpu.memref_squeeze %dma_start3A_56 : memref<1x128xi32, #tpu.memory_space<vmem>> -> memref<128xi32, #tpu.memory_space<vmem>>
        %dma_start3A_58 = arith.constant 0 : i32
        %dma_start3A_59 = arith.constant 0 : i32
        %dma_start3A_60 = tpu.memref_slice %arg9[%dma_start3A_58, %dma_start3A_59] : memref<10000x128xf32, #tpu.memory_space<vmem_shared>> -> memref<10000x128xf32, #tpu.memory_space<vmem_shared>>
        tpu.enqueue_indirect_dma source(%arg7 : memref<128x128xf32, #tpu.memory_space<vmem>>) target(%dma_start3A_60 : memref<10000x128xf32, #tpu.memory_space<vmem_shared>>) offsets(%dma_start3A_57 : memref<128xi32, #tpu.memory_space<vmem>>) semaphore(%arg8 : memref<!tpu.dma_semaphore, #tpu.memory_space<semaphore_mem>>) {add = true}
        %dma_start3A_61 = arith.constant 3 : i32
        %dma_start3A_62 = arith.constant 0 : i32
        %dma_start3A_63 = tpu.memref_slice %arg6[%dma_start3A_61, %dma_start3A_62] : memref<8x128xi32, #tpu.memory_space<vmem>> -> memref<1x128xi32, #tpu.memory_space<vmem>>
        %dma_start3A_64 = tpu.memref_squeeze %dma_start3A_63 : memref<1x128xi32, #tpu.memory_space<vmem>> -> memref<128xi32, #tpu.memory_space<vmem>>
        %dma_start3A_65 = arith.constant 0 : i32
        %dma_start3A_66 = arith.constant 0 : i32
        %dma_start3A_67 = tpu.memref_slice %arg9[%dma_start3A_65, %dma_start3A_66] : memref<10000x128xf32, #tpu.memory_space<vmem_shared>> -> memref<10000x128xf32, #tpu.memory_space<vmem_shared>>
        tpu.enqueue_indirect_dma source(%arg7 : memref<128x128xf32, #tpu.memory_space<vmem>>) target(%dma_start3A_67 : memref<10000x128xf32, #tpu.memory_space<vmem_shared>>) offsets(%dma_start3A_64 : memref<128xi32, #tpu.memory_space<vmem>>) semaphore(%arg8 : memref<!tpu.dma_semaphore, #tpu.memory_space<semaphore_mem>>) {add = true}
        %dma_start3A_68 = arith.constant 4 : i32
        %dma_start3A_69 = arith.constant 0 : i32
        %dma_start3A_70 = tpu.memref_slice %arg6[%dma_start3A_68, %dma_start3A_69] : memref<8x128xi32, #tpu.memory_space<vmem>> -> memref<1x128xi32, #tpu.memory_space<vmem>>
        %dma_start3A_71 = tpu.memref_squeeze %dma_start3A_70 : memref<1x128xi32, #tpu.memory_space<vmem>> -> memref<128xi32, #tpu.memory_space<vmem>>
        %dma_start3A_72 = arith.constant 0 : i32
        %dma_start3A_73 = arith.constant 0 : i32
        %dma_start3A_74 = tpu.memref_slice %arg9[%dma_start3A_72, %dma_start3A_73] : memref<10000x128xf32, #tpu.memory_space<vmem_shared>> -> memref<10000x128xf32, #tpu.memory_space<vmem_shared>>
        tpu.enqueue_indirect_dma source(%arg7 : memref<128x128xf32, #tpu.memory_space<vmem>>) target(%dma_start3A_74 : memref<10000x128xf32, #tpu.memory_space<vmem_shared>>) offsets(%dma_start3A_71 : memref<128xi32, #tpu.memory_space<vmem>>) semaphore(%arg8 : memref<!tpu.dma_semaphore, #tpu.memory_space<semaphore_mem>>) {add = true}
        %dma_start3A_75 = arith.constant 5 : i32
        %dma_start3A_76 = arith.constant 0 : i32
        %dma_start3A_77 = tpu.memref_slice %arg6[%dma_start3A_75, %dma_start3A_76] : memref<8x128xi32, #tpu.memory_space<vmem>> -> memref<1x128xi32, #tpu.memory_space<vmem>>
        %dma_start3A_78 = tpu.memref_squeeze %dma_start3A_77 : memref<1x128xi32, #tpu.memory_space<vmem>> -> memref<128xi32, #tpu.memory_space<vmem>>
        %dma_start3A_79 = arith.constant 0 : i32
        %dma_start3A_80 = arith.constant 0 : i32
        %dma_start3A_81 = tpu.memref_slice %arg9[%dma_start3A_79, %dma_start3A_80] : memref<10000x128xf32, #tpu.memory_space<vmem_shared>> -> memref<10000x128xf32, #tpu.memory_space<vmem_shared>>
        tpu.enqueue_indirect_dma source(%arg7 : memref<128x128xf32, #tpu.memory_space<vmem>>) target(%dma_start3A_81 : memref<10000x128xf32, #tpu.memory_space<vmem_shared>>) offsets(%dma_start3A_78 : memref<128xi32, #tpu.memory_space<vmem>>) semaphore(%arg8 : memref<!tpu.dma_semaphore, #tpu.memory_space<semaphore_mem>>) {add = true}
        %dma_start3A_82 = arith.constant 6 : i32
        %dma_start3A_83 = arith.constant 0 : i32
        %dma_start3A_84 = tpu.memref_slice %arg6[%dma_start3A_82, %dma_start3A_83] : memref<8x128xi32, #tpu.memory_space<vmem>> -> memref<1x128xi32, #tpu.memory_space<vmem>>
        %dma_start3A_85 = tpu.memref_squeeze %dma_start3A_84 : memref<1x128xi32, #tpu.memory_space<vmem>> -> memref<128xi32, #tpu.memory_space<vmem>>
        %dma_start3A_86 = arith.constant 0 : i32
        %dma_start3A_87 = arith.constant 0 : i32
        %dma_start3A_88 = tpu.memref_slice %arg9[%dma_start3A_86, %dma_start3A_87] : memref<10000x128xf32, #tpu.memory_space<vmem_shared>> -> memref<10000x128xf32, #tpu.memory_space<vmem_shared>>
        tpu.enqueue_indirect_dma source(%arg7 : memref<128x128xf32, #tpu.memory_space<vmem>>) target(%dma_start3A_88 : memref<10000x128xf32, #tpu.memory_space<vmem_shared>>) offsets(%dma_start3A_85 : memref<128xi32, #tpu.memory_space<vmem>>) semaphore(%arg8 : memref<!tpu.dma_semaphore, #tpu.memory_space<semaphore_mem>>) {add = true}
        %dma_start3A_89 = arith.constant 7 : i32
        %dma_start3A_90 = arith.constant 0 : i32
        %dma_start3A_91 = tpu.memref_slice %arg6[%dma_start3A_89, %dma_start3A_90] : memref<8x128xi32, #tpu.memory_space<vmem>> -> memref<1x128xi32, #tpu.memory_space<vmem>>
        %dma_start3A_92 = tpu.memref_squeeze %dma_start3A_91 : memref<1x128xi32, #tpu.memory_space<vmem>> -> memref<128xi32, #tpu.memory_space<vmem>>
        %dma_start3A_93 = arith.constant 0 : i32
        %dma_start3A_94 = arith.constant 0 : i32
        %dma_start3A_95 = tpu.memref_slice %arg9[%dma_start3A_93, %dma_start3A_94] : memref<10000x128xf32, #tpu.memory_space<vmem_shared>> -> memref<10000x128xf32, #tpu.memory_space<vmem_shared>>
        tpu.enqueue_indirect_dma source(%arg7 : memref<128x128xf32, #tpu.memory_space<vmem>>) target(%dma_start3A_95 : memref<10000x128xf32, #tpu.memory_space<vmem_shared>>) offsets(%dma_start3A_92 : memref<128xi32, #tpu.memory_space<vmem>>) semaphore(%arg8 : memref<!tpu.dma_semaphore, #tpu.memory_space<semaphore_mem>>) {add = true}
        %dma_wait3A = arith.constant 0 : i32
        %dma_wait3A_96 = arith.constant 0 : i32
        %dma_wait3A_97 = tpu.memref_slice %arg6[%dma_wait3A, %dma_wait3A_96] : memref<8x128xi32, #tpu.memory_space<vmem>> -> memref<1x128xi32, #tpu.memory_space<vmem>>
        %dma_wait3A_98 = tpu.memref_squeeze %dma_wait3A_97 : memref<1x128xi32, #tpu.memory_space<vmem>> -> memref<128xi32, #tpu.memory_space<vmem>>
        %dma_wait3A_99 = arith.constant 0 : i32
        %dma_wait3A_100 = arith.constant 0 : i32
        %dma_wait3A_101 = tpu.memref_slice %arg9[%dma_wait3A_99, %dma_wait3A_100] : memref<10000x128xf32, #tpu.memory_space<vmem_shared>> -> memref<10000x128xf32, #tpu.memory_space<vmem_shared>>
        tpu.wait_indirect_dma semaphore(%arg8 : memref<!tpu.dma_semaphore, #tpu.memory_space<semaphore_mem>>) src(%arg7 : memref<128x128xf32, #tpu.memory_space<vmem>>) dst(%dma_wait3A_101 : memref<10000x128xf32, #tpu.memory_space<vmem_shared>>)
        %dma_wait3A_102 = arith.constant 1 : i32
        %dma_wait3A_103 = arith.constant 0 : i32
        %dma_wait3A_104 = tpu.memref_slice %arg6[%dma_wait3A_102, %dma_wait3A_103] : memref<8x128xi32, #tpu.memory_space<vmem>> -> memref<1x128xi32, #tpu.memory_space<vmem>>
        %dma_wait3A_105 = tpu.memref_squeeze %dma_wait3A_104 : memref<1x128xi32, #tpu.memory_space<vmem>> -> memref<128xi32, #tpu.memory_space<vmem>>
        %dma_wait3A_106 = arith.constant 0 : i32
        %dma_wait3A_107 = arith.constant 0 : i32
        %dma_wait3A_108 = tpu.memref_slice %arg9[%dma_wait3A_106, %dma_wait3A_107] : memref<10000x128xf32, #tpu.memory_space<vmem_shared>> -> memref<10000x128xf32, #tpu.memory_space<vmem_shared>>
        tpu.wait_indirect_dma semaphore(%arg8 : memref<!tpu.dma_semaphore, #tpu.memory_space<semaphore_mem>>) src(%arg7 : memref<128x128xf32, #tpu.memory_space<vmem>>) dst(%dma_wait3A_108 : memref<10000x128xf32, #tpu.memory_space<vmem_shared>>)
        %dma_wait3A_109 = arith.constant 2 : i32
        %dma_wait3A_110 = arith.constant 0 : i32
        %dma_wait3A_111 = tpu.memref_slice %arg6[%dma_wait3A_109, %dma_wait3A_110] : memref<8x128xi32, #tpu.memory_space<vmem>> -> memref<1x128xi32, #tpu.memory_space<vmem>>
        %dma_wait3A_112 = tpu.memref_squeeze %dma_wait3A_111 : memref<1x128xi32, #tpu.memory_space<vmem>> -> memref<128xi32, #tpu.memory_space<vmem>>
        %dma_wait3A_113 = arith.constant 0 : i32
        %dma_wait3A_114 = arith.constant 0 : i32
        %dma_wait3A_115 = tpu.memref_slice %arg9[%dma_wait3A_113, %dma_wait3A_114] : memref<10000x128xf32, #tpu.memory_space<vmem_shared>> -> memref<10000x128xf32, #tpu.memory_space<vmem_shared>>
        tpu.wait_indirect_dma semaphore(%arg8 : memref<!tpu.dma_semaphore, #tpu.memory_space<semaphore_mem>>) src(%arg7 : memref<128x128xf32, #tpu.memory_space<vmem>>) dst(%dma_wait3A_115 : memref<10000x128xf32, #tpu.memory_space<vmem_shared>>)
        %dma_wait3A_116 = arith.constant 3 : i32
        %dma_wait3A_117 = arith.constant 0 : i32
        %dma_wait3A_118 = tpu.memref_slice %arg6[%dma_wait3A_116, %dma_wait3A_117] : memref<8x128xi32, #tpu.memory_space<vmem>> -> memref<1x128xi32, #tpu.memory_space<vmem>>
        %dma_wait3A_119 = tpu.memref_squeeze %dma_wait3A_118 : memref<1x128xi32, #tpu.memory_space<vmem>> -> memref<128xi32, #tpu.memory_space<vmem>>
        %dma_wait3A_120 = arith.constant 0 : i32
        %dma_wait3A_121 = arith.constant 0 : i32
        %dma_wait3A_122 = tpu.memref_slice %arg9[%dma_wait3A_120, %dma_wait3A_121] : memref<10000x128xf32, #tpu.memory_space<vmem_shared>> -> memref<10000x128xf32, #tpu.memory_space<vmem_shared>>
        tpu.wait_indirect_dma semaphore(%arg8 : memref<!tpu.dma_semaphore, #tpu.memory_space<semaphore_mem>>) src(%arg7 : memref<128x128xf32, #tpu.memory_space<vmem>>) dst(%dma_wait3A_122 : memref<10000x128xf32, #tpu.memory_space<vmem_shared>>)
        %dma_wait3A_123 = arith.constant 4 : i32
        %dma_wait3A_124 = arith.constant 0 : i32
        %dma_wait3A_125 = tpu.memref_slice %arg6[%dma_wait3A_123, %dma_wait3A_124] : memref<8x128xi32, #tpu.memory_space<vmem>> -> memref<1x128xi32, #tpu.memory_space<vmem>>
        %dma_wait3A_126 = tpu.memref_squeeze %dma_wait3A_125 : memref<1x128xi32, #tpu.memory_space<vmem>> -> memref<128xi32, #tpu.memory_space<vmem>>
        %dma_wait3A_127 = arith.constant 0 : i32
        %dma_wait3A_128 = arith.constant 0 : i32
        %dma_wait3A_129 = tpu.memref_slice %arg9[%dma_wait3A_127, %dma_wait3A_128] : memref<10000x128xf32, #tpu.memory_space<vmem_shared>> -> memref<10000x128xf32, #tpu.memory_space<vmem_shared>>
        tpu.wait_indirect_dma semaphore(%arg8 : memref<!tpu.dma_semaphore, #tpu.memory_space<semaphore_mem>>) src(%arg7 : memref<128x128xf32, #tpu.memory_space<vmem>>) dst(%dma_wait3A_129 : memref<10000x128xf32, #tpu.memory_space<vmem_shared>>)
        %dma_wait3A_130 = arith.constant 5 : i32
        %dma_wait3A_131 = arith.constant 0 : i32
        %dma_wait3A_132 = tpu.memref_slice %arg6[%dma_wait3A_130, %dma_wait3A_131] : memref<8x128xi32, #tpu.memory_space<vmem>> -> memref<1x128xi32, #tpu.memory_space<vmem>>
        %dma_wait3A_133 = tpu.memref_squeeze %dma_wait3A_132 : memref<1x128xi32, #tpu.memory_space<vmem>> -> memref<128xi32, #tpu.memory_space<vmem>>
        %dma_wait3A_134 = arith.constant 0 : i32
        %dma_wait3A_135 = arith.constant 0 : i32
        %dma_wait3A_136 = tpu.memref_slice %arg9[%dma_wait3A_134, %dma_wait3A_135] : memref<10000x128xf32, #tpu.memory_space<vmem_shared>> -> memref<10000x128xf32, #tpu.memory_space<vmem_shared>>
        tpu.wait_indirect_dma semaphore(%arg8 : memref<!tpu.dma_semaphore, #tpu.memory_space<semaphore_mem>>) src(%arg7 : memref<128x128xf32, #tpu.memory_space<vmem>>) dst(%dma_wait3A_136 : memref<10000x128xf32, #tpu.memory_space<vmem_shared>>)
        %dma_wait3A_137 = arith.constant 6 : i32
        %dma_wait3A_138 = arith.constant 0 : i32
        %dma_wait3A_139 = tpu.memref_slice %arg6[%dma_wait3A_137, %dma_wait3A_138] : memref<8x128xi32, #tpu.memory_space<vmem>> -> memref<1x128xi32, #tpu.memory_space<vmem>>
        %dma_wait3A_140 = tpu.memref_squeeze %dma_wait3A_139 : memref<1x128xi32, #tpu.memory_space<vmem>> -> memref<128xi32, #tpu.memory_space<vmem>>
        %dma_wait3A_141 = arith.constant 0 : i32
        %dma_wait3A_142 = arith.constant 0 : i32
        %dma_wait3A_143 = tpu.memref_slice %arg9[%dma_wait3A_141, %dma_wait3A_142] : memref<10000x128xf32, #tpu.memory_space<vmem_shared>> -> memref<10000x128xf32, #tpu.memory_space<vmem_shared>>
        tpu.wait_indirect_dma semaphore(%arg8 : memref<!tpu.dma_semaphore, #tpu.memory_space<semaphore_mem>>) src(%arg7 : memref<128x128xf32, #tpu.memory_space<vmem>>) dst(%dma_wait3A_143 : memref<10000x128xf32, #tpu.memory_space<vmem_shared>>)
        %dma_wait3A_144 = arith.constant 7 : i32
        %dma_wait3A_145 = arith.constant 0 : i32
        %dma_wait3A_146 = tpu.memref_slice %arg6[%dma_wait3A_144, %dma_wait3A_145] : memref<8x128xi32, #tpu.memory_space<vmem>> -> memref<1x128xi32, #tpu.memory_space<vmem>>
        %dma_wait3A_147 = tpu.memref_squeeze %dma_wait3A_146 : memref<1x128xi32, #tpu.memory_space<vmem>> -> memref<128xi32, #tpu.memory_space<vmem>>
        %dma_wait3A_148 = arith.constant 0 : i32
        %dma_wait3A_149 = arith.constant 0 : i32
        %dma_wait3A_150 = tpu.memref_slice %arg9[%dma_wait3A_148, %dma_wait3A_149] : memref<10000x128xf32, #tpu.memory_space<vmem_shared>> -> memref<10000x128xf32, #tpu.memory_space<vmem_shared>>
        tpu.wait_indirect_dma semaphore(%arg8 : memref<!tpu.dma_semaphore, #tpu.memory_space<semaphore_mem>>) src(%arg7 : memref<128x128xf32, #tpu.memory_space<vmem>>) dst(%dma_wait3A_150 : memref<10000x128xf32, #tpu.memory_space<vmem_shared>>)
      } else {
      }
    }
    %scan3A_10 = arith.constant 5 : i32
    %eq3A_11 = arith.constant 1 : i32
    %eq3A_12 = arith.cmpi eq, %arg0, %eq3A_11 : i32
    %eq3A_13 = arith.constant 15 : i32
    %eq3A_14 = arith.cmpi eq, %arg1, %eq3A_13 : i32
    %and3A = arith.andi %eq3A_12, %eq3A_14 : i1
    %convert_element_type3A_15 = arith.extui %and3A : i1 to i32
    %cond3A_16 = arith.constant 0 : i32
    %cond3A_17 = arith.cmpi ne, %convert_element_type3A_15, %cond3A_16 : i32
    scf.if %cond3A_17 {
      "tpu.region"() ({
        %run_scoped3A = tpu.sem_alloc : memref<!tpu.dma_semaphore, #tpu.memory_space<semaphore_mem>>
        %dma_start3A_52 = arith.constant 0 : i32
        %dma_start3A_53 = arith.constant 0 : i32
        %dma_start3A_54 = tpu.memref_slice %arg6[%dma_start3A_52, %dma_start3A_53] : memref<8x128xi32, #tpu.memory_space<vmem>> -> memref<2x128xi32, #tpu.memory_space<vmem>>
        %dma_start3A_55 = arith.constant 1248 : i32
        %dma_start3A_56 = arith.constant 0 : i32
        %dma_start3A_57 = tpu.memref_slice %arg2[%dma_start3A_55, %dma_start3A_56] : memref<1250x128xi32, #tpu.memory_space<hbm>> -> memref<2x128xi32, #tpu.memory_space<hbm>>
        %dma_start3A_58 = arith.constant 0 : i32
        %dma_start3A_59 = arith.constant 0 : i32
        %dma_start3A_60 = tpu.memref_slice %arg6[%dma_start3A_58, %dma_start3A_59] : memref<8x128xi32, #tpu.memory_space<vmem>> -> memref<2x128xi32, #tpu.memory_space<vmem>>
        %dma_start3A_61 = arith.constant 1248 : i32
        %dma_start3A_62 = arith.constant 0 : i32
        %dma_start3A_63 = tpu.memref_slice %arg2[%dma_start3A_61, %dma_start3A_62] : memref<1250x128xi32, #tpu.memory_space<hbm>> -> memref<2x128xi32, #tpu.memory_space<hbm>>
        tpu.enqueue_dma source(%dma_start3A_63 : memref<2x128xi32, #tpu.memory_space<hbm>>) target(%dma_start3A_60 : memref<2x128xi32, #tpu.memory_space<vmem>>) target_semaphore(%run_scoped3A : memref<!tpu.dma_semaphore, #tpu.memory_space<semaphore_mem>>)
        %dma_wait3A_64 = arith.constant 0 : i32
        %dma_wait3A_65 = arith.constant 0 : i32
        %dma_wait3A_66 = tpu.memref_slice %arg6[%dma_wait3A_64, %dma_wait3A_65] : memref<8x128xi32, #tpu.memory_space<vmem>> -> memref<2x128xi32, #tpu.memory_space<vmem>>
        %dma_wait3A_67 = arith.constant 1248 : i32
        %dma_wait3A_68 = arith.constant 0 : i32
        %dma_wait3A_69 = tpu.memref_slice %arg2[%dma_wait3A_67, %dma_wait3A_68] : memref<1250x128xi32, #tpu.memory_space<hbm>> -> memref<2x128xi32, #tpu.memory_space<hbm>>
        %dma_wait3A_70 = arith.constant 0 : i32
        %dma_wait3A_71 = arith.constant 0 : i32
        %dma_wait3A_72 = tpu.memref_slice %arg6[%dma_wait3A_70, %dma_wait3A_71] : memref<8x128xi32, #tpu.memory_space<vmem>> -> memref<2x128xi32, #tpu.memory_space<vmem>>
        %dma_wait3A_73 = arith.constant 1248 : i32
        %dma_wait3A_74 = arith.constant 0 : i32
        %dma_wait3A_75 = tpu.memref_slice %arg2[%dma_wait3A_73, %dma_wait3A_74] : memref<1250x128xi32, #tpu.memory_space<hbm>> -> memref<2x128xi32, #tpu.memory_space<hbm>>
        tpu.wait_dma2 semaphore(%run_scoped3A : memref<!tpu.dma_semaphore, #tpu.memory_space<semaphore_mem>>) src(%dma_wait3A_75 : memref<2x128xi32, #tpu.memory_space<hbm>>) dst(%dma_wait3A_72 : memref<2x128xi32, #tpu.memory_space<vmem>>)
        tpu.yield
      }) : () -> ()
      %dma_start3A = arith.constant 0 : i32
      %dma_start3A_26 = arith.constant 0 : i32
      %dma_start3A_27 = tpu.memref_slice %arg6[%dma_start3A, %dma_start3A_26] : memref<8x128xi32, #tpu.memory_space<vmem>> -> memref<1x128xi32, #tpu.memory_space<vmem>>
      %dma_start3A_28 = tpu.memref_squeeze %dma_start3A_27 : memref<1x128xi32, #tpu.memory_space<vmem>> -> memref<128xi32, #tpu.memory_space<vmem>>
      %dma_start3A_29 = arith.constant 0 : i32
      %dma_start3A_30 = arith.constant 0 : i32
      %dma_start3A_31 = tpu.memref_slice %arg9[%dma_start3A_29, %dma_start3A_30] : memref<10000x128xf32, #tpu.memory_space<vmem_shared>> -> memref<10000x128xf32, #tpu.memory_space<vmem_shared>>
      tpu.enqueue_indirect_dma source(%arg7 : memref<128x128xf32, #tpu.memory_space<vmem>>) target(%dma_start3A_31 : memref<10000x128xf32, #tpu.memory_space<vmem_shared>>) offsets(%dma_start3A_28 : memref<128xi32, #tpu.memory_space<vmem>>) semaphore(%arg8 : memref<!tpu.dma_semaphore, #tpu.memory_space<semaphore_mem>>) {add = true}
      %dma_start3A_32 = arith.constant 1 : i32
      %dma_start3A_33 = arith.constant 0 : i32
      %dma_start3A_34 = tpu.memref_slice %arg6[%dma_start3A_32, %dma_start3A_33] : memref<8x128xi32, #tpu.memory_space<vmem>> -> memref<1x128xi32, #tpu.memory_space<vmem>>
      %dma_start3A_35 = tpu.memref_squeeze %dma_start3A_34 : memref<1x128xi32, #tpu.memory_space<vmem>> -> memref<128xi32, #tpu.memory_space<vmem>>
      %dma_start3A_36 = arith.constant 0 : i32
      %dma_start3A_37 = arith.constant 0 : i32
      %dma_start3A_38 = tpu.memref_slice %arg9[%dma_start3A_36, %dma_start3A_37] : memref<10000x128xf32, #tpu.memory_space<vmem_shared>> -> memref<10000x128xf32, #tpu.memory_space<vmem_shared>>
      tpu.enqueue_indirect_dma source(%arg7 : memref<128x128xf32, #tpu.memory_space<vmem>>) target(%dma_start3A_38 : memref<10000x128xf32, #tpu.memory_space<vmem_shared>>) offsets(%dma_start3A_35 : memref<128xi32, #tpu.memory_space<vmem>>) semaphore(%arg8 : memref<!tpu.dma_semaphore, #tpu.memory_space<semaphore_mem>>) {add = true}
      %dma_wait3A = arith.constant 0 : i32
      %dma_wait3A_39 = arith.constant 0 : i32
      %dma_wait3A_40 = tpu.memref_slice %arg6[%dma_wait3A, %dma_wait3A_39] : memref<8x128xi32, #tpu.memory_space<vmem>> -> memref<1x128xi32, #tpu.memory_space<vmem>>
      %dma_wait3A_41 = tpu.memref_squeeze %dma_wait3A_40 : memref<1x128xi32, #tpu.memory_space<vmem>> -> memref<128xi32, #tpu.memory_space<vmem>>
      %dma_wait3A_42 = arith.constant 0 : i32
      %dma_wait3A_43 = arith.constant 0 : i32
      %dma_wait3A_44 = tpu.memref_slice %arg9[%dma_wait3A_42, %dma_wait3A_43] : memref<10000x128xf32, #tpu.memory_space<vmem_shared>> -> memref<10000x128xf32, #tpu.memory_space<vmem_shared>>
      tpu.wait_indirect_dma semaphore(%arg8 : memref<!tpu.dma_semaphore, #tpu.memory_space<semaphore_mem>>) src(%arg7 : memref<128x128xf32, #tpu.memory_space<vmem>>) dst(%dma_wait3A_44 : memref<10000x128xf32, #tpu.memory_space<vmem_shared>>)
      %dma_wait3A_45 = arith.constant 1 : i32
      %dma_wait3A_46 = arith.constant 0 : i32
      %dma_wait3A_47 = tpu.memref_slice %arg6[%dma_wait3A_45, %dma_wait3A_46] : memref<8x128xi32, #tpu.memory_space<vmem>> -> memref<1x128xi32, #tpu.memory_space<vmem>>
      %dma_wait3A_48 = tpu.memref_squeeze %dma_wait3A_47 : memref<1x128xi32, #tpu.memory_space<vmem>> -> memref<128xi32, #tpu.memory_space<vmem>>
      %dma_wait3A_49 = arith.constant 0 : i32
      %dma_wait3A_50 = arith.constant 0 : i32
      %dma_wait3A_51 = tpu.memref_slice %arg9[%dma_wait3A_49, %dma_wait3A_50] : memref<10000x128xf32, #tpu.memory_space<vmem_shared>> -> memref<10000x128xf32, #tpu.memory_space<vmem_shared>>
      tpu.wait_indirect_dma semaphore(%arg8 : memref<!tpu.dma_semaphore, #tpu.memory_space<semaphore_mem>>) src(%arg7 : memref<128x128xf32, #tpu.memory_space<vmem>>) dst(%dma_wait3A_51 : memref<10000x128xf32, #tpu.memory_space<vmem_shared>>)
    } else {
    }
    %barrier3A_18 = arith.constant 0 : index
    tpu.barrier barrier_id(%barrier3A_18)
    %mul3A_19 = arith.constant 10000 : i32
    %mul3A_20 = arith.muli %arg0, %mul3A_19 : i32
    %add3A = arith.addi %mul3A_20, %mul3A_0 : i32
    "tpu.region"() ({
      %run_scoped3A = tpu.sem_alloc : memref<!tpu.dma_semaphore, #tpu.memory_space<semaphore_mem>>
      %dma_start3A = arith.constant 0 : i32
      %dma_start3A_26 = tpu.memref_slice %arg5[%add3A, %dma_start3A] : memref<20000x128xf32, #tpu.memory_space<hbm>> -> memref<624x128xf32, #tpu.memory_space<hbm>>
      %dma_start3A_27 = arith.constant 0 : i32
      %dma_start3A_28 = tpu.memref_slice %arg9[%mul3A_0, %dma_start3A_27] : memref<10000x128xf32, #tpu.memory_space<vmem_shared>> -> memref<624x128xf32, #tpu.memory_space<vmem_shared>>
      tpu.enqueue_dma source(%dma_start3A_28 : memref<624x128xf32, #tpu.memory_space<vmem_shared>>) target(%dma_start3A_26 : memref<624x128xf32, #tpu.memory_space<hbm>>) target_semaphore(%run_scoped3A : memref<!tpu.dma_semaphore, #tpu.memory_space<semaphore_mem>>)
      %dma_wait3A = arith.constant 0 : i32
      %dma_wait3A_29 = tpu.memref_slice %arg5[%add3A, %dma_wait3A] : memref<20000x128xf32, #tpu.memory_space<hbm>> -> memref<624x128xf32, #tpu.memory_space<hbm>>
      %dma_wait3A_30 = arith.constant 0 : i32
      %dma_wait3A_31 = tpu.memref_slice %arg9[%mul3A_0, %dma_wait3A_30] : memref<10000x128xf32, #tpu.memory_space<vmem_shared>> -> memref<624x128xf32, #tpu.memory_space<vmem_shared>>
      tpu.wait_dma2 semaphore(%run_scoped3A : memref<!tpu.dma_semaphore, #tpu.memory_space<semaphore_mem>>) src(%dma_wait3A_31 : memref<624x128xf32, #tpu.memory_space<vmem_shared>>) dst(%dma_wait3A_29 : memref<624x128xf32, #tpu.memory_space<hbm>>)
      tpu.yield
    }) : () -> ()
    %eq3A_21 = arith.constant 15 : i32
    %eq3A_22 = arith.cmpi eq, %arg1, %eq3A_21 : i32
    %convert_element_type3A_23 = arith.extui %eq3A_22 : i1 to i32
    %cond3A_24 = arith.constant 0 : i32
    %cond3A_25 = arith.cmpi ne, %convert_element_type3A_23, %cond3A_24 : i32
    scf.if %cond3A_25 {
      %mul3A_26 = arith.constant 10000 : i32
      %mul3A_27 = arith.muli %arg0, %mul3A_26 : i32
      %add3A_28 = arith.constant 9984 : i32
      %add3A_29 = arith.addi %mul3A_27, %add3A_28 : i32
      "tpu.region"() ({
        %run_scoped3A = tpu.sem_alloc : memref<!tpu.dma_semaphore, #tpu.memory_space<semaphore_mem>>
        %dma_start3A = arith.constant 0 : i32
        %dma_start3A_30 = tpu.memref_slice %arg5[%add3A_29, %dma_start3A] : memref<20000x128xf32, #tpu.memory_space<hbm>> -> memref<16x128xf32, #tpu.memory_space<hbm>>
        %dma_start3A_31 = arith.constant 9984 : i32
        %dma_start3A_32 = arith.constant 0 : i32
        %dma_start3A_33 = tpu.memref_slice %arg9[%dma_start3A_31, %dma_start3A_32] : memref<10000x128xf32, #tpu.memory_space<vmem_shared>> -> memref<16x128xf32, #tpu.memory_space<vmem_shared>>
        tpu.enqueue_dma source(%dma_start3A_33 : memref<16x128xf32, #tpu.memory_space<vmem_shared>>) target(%dma_start3A_30 : memref<16x128xf32, #tpu.memory_space<hbm>>) target_semaphore(%run_scoped3A : memref<!tpu.dma_semaphore, #tpu.memory_space<semaphore_mem>>)
        %dma_wait3A = arith.constant 0 : i32
        %dma_wait3A_34 = tpu.memref_slice %arg5[%add3A_29, %dma_wait3A] : memref<20000x128xf32, #tpu.memory_space<hbm>> -> memref<16x128xf32, #tpu.memory_space<hbm>>
        %dma_wait3A_35 = arith.constant 9984 : i32
        %dma_wait3A_36 = arith.constant 0 : i32
        %dma_wait3A_37 = tpu.memref_slice %arg9[%dma_wait3A_35, %dma_wait3A_36] : memref<10000x128xf32, #tpu.memory_space<vmem_shared>> -> memref<16x128xf32, #tpu.memory_space<vmem_shared>>
        tpu.wait_dma2 semaphore(%run_scoped3A : memref<!tpu.dma_semaphore, #tpu.memory_space<semaphore_mem>>) src(%dma_wait3A_37 : memref<16x128xf32, #tpu.memory_space<vmem_shared>>) dst(%dma_wait3A_34 : memref<16x128xf32, #tpu.memory_space<hbm>>)
        tpu.yield
      }) : () -> ()
    } else {
    }
    return
  }
}

#map = affine_map<(d0, d1) -> (0, 0)>
module attributes {stable_mosaic.version = 14 : i64} {
  func.func @agg(%arg0: i32, %arg1: i32, %arg2: memref<20000x128xf32, #tpu.memory_space<hbm>>, %arg3: memref<1250x128xi32, #tpu.memory_space<hbm>>, %arg4: memref<1250x128xi32, #tpu.memory_space<hbm>>, %arg5: memref<10000x128xf32, #tpu.memory_space<hbm>>, %arg6: memref<20000x128xf32, #tpu.memory_space<hbm>>, %arg7: memref<8x128xi32, #tpu.memory_space<vmem>>, %arg8: memref<8x128xi32, #tpu.memory_space<vmem>>, %arg9: memref<128x128xf32, #tpu.memory_space<vmem>>, %arg10: memref<128x128xf32, #tpu.memory_space<vmem>>, %arg11: memref<!tpu.dma_semaphore, #tpu.memory_space<semaphore_mem>>, %arg12: memref<!tpu.dma_semaphore, #tpu.memory_space<semaphore_mem>>, %arg13: memref<!tpu.dma_semaphore, #tpu.memory_space<semaphore_mem>>, %arg14: memref<!tpu.dma_semaphore, #tpu.memory_space<semaphore_mem>>, %arg15: memref<10000x128xf32, #tpu.memory_space<vmem_shared>>) attributes {dimension_semantics = [#tpu.dimension_semantics<core_parallel>, #tpu.dimension_semantics<subcore_parallel>], iteration_bounds = array<i64: 2, 16>, scalar_prefetch = 0 : i64, scratch_operands = 9 : i64, tpu.core_type = #tpu.core_type<sc_vector_subcore>, window_params = [{transform_indices = #map}, {transform_indices = #map}, {transform_indices = #map}, {transform_indices = #map}, {transform_indices = #map}]} {
    %mul3A = arith.constant 624 : i32
    %mul3A_0 = arith.muli %arg1, %mul3A : i32
    "tpu.region"() ({
      %run_scoped3A = tpu.sem_alloc : memref<!tpu.dma_semaphore, #tpu.memory_space<semaphore_mem>>
      %dma_start3A = arith.constant 0 : i32
      %dma_start3A_20 = tpu.memref_slice %arg15[%mul3A_0, %dma_start3A] : memref<10000x128xf32, #tpu.memory_space<vmem_shared>> -> memref<624x128xf32, #tpu.memory_space<vmem_shared>>
      %dma_start3A_21 = arith.constant 0 : i32
      %dma_start3A_22 = tpu.memref_slice %arg5[%mul3A_0, %dma_start3A_21] : memref<10000x128xf32, #tpu.memory_space<hbm>> -> memref<624x128xf32, #tpu.memory_space<hbm>>
      tpu.enqueue_dma source(%dma_start3A_22 : memref<624x128xf32, #tpu.memory_space<hbm>>) target(%dma_start3A_20 : memref<624x128xf32, #tpu.memory_space<vmem_shared>>) target_semaphore(%run_scoped3A : memref<!tpu.dma_semaphore, #tpu.memory_space<semaphore_mem>>)
      %dma_wait3A = arith.constant 0 : i32
      %dma_wait3A_23 = tpu.memref_slice %arg15[%mul3A_0, %dma_wait3A] : memref<10000x128xf32, #tpu.memory_space<vmem_shared>> -> memref<624x128xf32, #tpu.memory_space<vmem_shared>>
      %dma_wait3A_24 = arith.constant 0 : i32
      %dma_wait3A_25 = tpu.memref_slice %arg5[%mul3A_0, %dma_wait3A_24] : memref<10000x128xf32, #tpu.memory_space<hbm>> -> memref<624x128xf32, #tpu.memory_space<hbm>>
      tpu.wait_dma2 semaphore(%run_scoped3A : memref<!tpu.dma_semaphore, #tpu.memory_space<semaphore_mem>>) src(%dma_wait3A_25 : memref<624x128xf32, #tpu.memory_space<hbm>>) dst(%dma_wait3A_23 : memref<624x128xf32, #tpu.memory_space<vmem_shared>>)
      tpu.yield
    }) : () -> ()
    %eq3A = arith.constant 15 : i32
    %eq3A_1 = arith.cmpi eq, %arg1, %eq3A : i32
    %convert_element_type3A = arith.extui %eq3A_1 : i1 to i32
    %cond3A = arith.constant 0 : i32
    %cond3A_2 = arith.cmpi ne, %convert_element_type3A, %cond3A : i32
    scf.if %cond3A_2 {
      "tpu.region"() ({
        %run_scoped3A = tpu.sem_alloc : memref<!tpu.dma_semaphore, #tpu.memory_space<semaphore_mem>>
        %dma_start3A = arith.constant 9984 : i32
        %dma_start3A_20 = arith.constant 0 : i32
        %dma_start3A_21 = tpu.memref_slice %arg15[%dma_start3A, %dma_start3A_20] : memref<10000x128xf32, #tpu.memory_space<vmem_shared>> -> memref<16x128xf32, #tpu.memory_space<vmem_shared>>
        %dma_start3A_22 = arith.constant 9984 : i32
        %dma_start3A_23 = arith.constant 0 : i32
        %dma_start3A_24 = tpu.memref_slice %arg5[%dma_start3A_22, %dma_start3A_23] : memref<10000x128xf32, #tpu.memory_space<hbm>> -> memref<16x128xf32, #tpu.memory_space<hbm>>
        tpu.enqueue_dma source(%dma_start3A_24 : memref<16x128xf32, #tpu.memory_space<hbm>>) target(%dma_start3A_21 : memref<16x128xf32, #tpu.memory_space<vmem_shared>>) target_semaphore(%run_scoped3A : memref<!tpu.dma_semaphore, #tpu.memory_space<semaphore_mem>>)
        %dma_wait3A = arith.constant 9984 : i32
        %dma_wait3A_25 = arith.constant 0 : i32
        %dma_wait3A_26 = tpu.memref_slice %arg15[%dma_wait3A, %dma_wait3A_25] : memref<10000x128xf32, #tpu.memory_space<vmem_shared>> -> memref<16x128xf32, #tpu.memory_space<vmem_shared>>
        %dma_wait3A_27 = arith.constant 9984 : i32
        %dma_wait3A_28 = arith.constant 0 : i32
        %dma_wait3A_29 = tpu.memref_slice %arg5[%dma_wait3A_27, %dma_wait3A_28] : memref<10000x128xf32, #tpu.memory_space<hbm>> -> memref<16x128xf32, #tpu.memory_space<hbm>>
        tpu.wait_dma2 semaphore(%run_scoped3A : memref<!tpu.dma_semaphore, #tpu.memory_space<semaphore_mem>>) src(%dma_wait3A_29 : memref<16x128xf32, #tpu.memory_space<hbm>>) dst(%dma_wait3A_26 : memref<16x128xf32, #tpu.memory_space<vmem_shared>>)
        tpu.yield
      }) : () -> ()
    } else {
    }
    %barrier3A = arith.constant 0 : index
    tpu.barrier barrier_id(%barrier3A)
    %scan3A = arith.constant 0 : i32
    %scan3A_3 = arith.constant 10 : i32
    %scan3A_4 = arith.addi %scan3A, %scan3A_3 : i32
    %scan3A_5 = arith.constant 1 : i32
    scf.for %scan3A_20 = %scan3A to %scan3A_4 step %scan3A_5  : i32 {
      %mul3A_21 = arith.constant 1 : i32
      %mul3A_22 = arith.muli %scan3A_20, %mul3A_21 : i32
      %add3A_23 = arith.constant 0 : i32
      %add3A_24 = arith.addi %add3A_23, %mul3A_22 : i32
      %mul3A_25 = arith.constant 16 : i32
      %mul3A_26 = arith.muli %add3A_24, %mul3A_25 : i32
      %add3A_27 = arith.addi %arg1, %mul3A_26 : i32
      %lt3A = arith.constant 156 : i32
      %lt3A_28 = arith.cmpi slt, %add3A_27, %lt3A : i32
      %convert_element_type3A_29 = arith.extui %lt3A_28 : i1 to i32
      %cond3A_30 = arith.constant 0 : i32
      %cond3A_31 = arith.cmpi ne, %convert_element_type3A_29, %cond3A_30 : i32
      scf.if %cond3A_31 {
        %mul3A_32 = arith.constant 8 : i32
        %mul3A_33 = arith.muli %add3A_27, %mul3A_32 : i32
        "tpu.region"() ({
          %run_scoped3A = tpu.sem_alloc : memref<!tpu.dma_semaphore, #tpu.memory_space<semaphore_mem>>
          %dma_start3A_1086 = arith.constant 0 : i32
          %dma_start3A_1087 = arith.constant 0 : i32
          %dma_start3A_1088 = tpu.memref_slice %arg7[%dma_start3A_1086, %dma_start3A_1087] : memref<8x128xi32, #tpu.memory_space<vmem>> -> memref<8x128xi32, #tpu.memory_space<vmem>>
          %dma_start3A_1089 = arith.constant 0 : i32
          %dma_start3A_1090 = tpu.memref_slice %arg3[%mul3A_33, %dma_start3A_1089] : memref<1250x128xi32, #tpu.memory_space<hbm>> -> memref<8x128xi32, #tpu.memory_space<hbm>>
          %dma_start3A_1091 = arith.constant 0 : i32
          %dma_start3A_1092 = arith.constant 0 : i32
          %dma_start3A_1093 = tpu.memref_slice %arg7[%dma_start3A_1091, %dma_start3A_1092] : memref<8x128xi32, #tpu.memory_space<vmem>> -> memref<8x128xi32, #tpu.memory_space<vmem>>
          %dma_start3A_1094 = arith.constant 0 : i32
          %dma_start3A_1095 = tpu.memref_slice %arg3[%mul3A_33, %dma_start3A_1094] : memref<1250x128xi32, #tpu.memory_space<hbm>> -> memref<8x128xi32, #tpu.memory_space<hbm>>
          tpu.enqueue_dma source(%dma_start3A_1095 : memref<8x128xi32, #tpu.memory_space<hbm>>) target(%dma_start3A_1093 : memref<8x128xi32, #tpu.memory_space<vmem>>) target_semaphore(%run_scoped3A : memref<!tpu.dma_semaphore, #tpu.memory_space<semaphore_mem>>)
          %dma_wait3A_1096 = arith.constant 0 : i32
          %dma_wait3A_1097 = arith.constant 0 : i32
          %dma_wait3A_1098 = tpu.memref_slice %arg7[%dma_wait3A_1096, %dma_wait3A_1097] : memref<8x128xi32, #tpu.memory_space<vmem>> -> memref<8x128xi32, #tpu.memory_space<vmem>>
          %dma_wait3A_1099 = arith.constant 0 : i32
          %dma_wait3A_1100 = tpu.memref_slice %arg3[%mul3A_33, %dma_wait3A_1099] : memref<1250x128xi32, #tpu.memory_space<hbm>> -> memref<8x128xi32, #tpu.memory_space<hbm>>
          %dma_wait3A_1101 = arith.constant 0 : i32
          %dma_wait3A_1102 = arith.constant 0 : i32
          %dma_wait3A_1103 = tpu.memref_slice %arg7[%dma_wait3A_1101, %dma_wait3A_1102] : memref<8x128xi32, #tpu.memory_space<vmem>> -> memref<8x128xi32, #tpu.memory_space<vmem>>
          %dma_wait3A_1104 = arith.constant 0 : i32
          %dma_wait3A_1105 = tpu.memref_slice %arg3[%mul3A_33, %dma_wait3A_1104] : memref<1250x128xi32, #tpu.memory_space<hbm>> -> memref<8x128xi32, #tpu.memory_space<hbm>>
          tpu.wait_dma2 semaphore(%run_scoped3A : memref<!tpu.dma_semaphore, #tpu.memory_space<semaphore_mem>>) src(%dma_wait3A_1105 : memref<8x128xi32, #tpu.memory_space<hbm>>) dst(%dma_wait3A_1103 : memref<8x128xi32, #tpu.memory_space<vmem>>)
          tpu.yield
        }) : () -> ()
        "tpu.region"() ({
          %run_scoped3A = tpu.sem_alloc : memref<!tpu.dma_semaphore, #tpu.memory_space<semaphore_mem>>
          %dma_start3A_1086 = arith.constant 0 : i32
          %dma_start3A_1087 = arith.constant 0 : i32
          %dma_start3A_1088 = tpu.memref_slice %arg8[%dma_start3A_1086, %dma_start3A_1087] : memref<8x128xi32, #tpu.memory_space<vmem>> -> memref<8x128xi32, #tpu.memory_space<vmem>>
          %dma_start3A_1089 = arith.constant 0 : i32
          %dma_start3A_1090 = tpu.memref_slice %arg4[%mul3A_33, %dma_start3A_1089] : memref<1250x128xi32, #tpu.memory_space<hbm>> -> memref<8x128xi32, #tpu.memory_space<hbm>>
          %dma_start3A_1091 = arith.constant 0 : i32
          %dma_start3A_1092 = arith.constant 0 : i32
          %dma_start3A_1093 = tpu.memref_slice %arg8[%dma_start3A_1091, %dma_start3A_1092] : memref<8x128xi32, #tpu.memory_space<vmem>> -> memref<8x128xi32, #tpu.memory_space<vmem>>
          %dma_start3A_1094 = arith.constant 0 : i32
          %dma_start3A_1095 = tpu.memref_slice %arg4[%mul3A_33, %dma_start3A_1094] : memref<1250x128xi32, #tpu.memory_space<hbm>> -> memref<8x128xi32, #tpu.memory_space<hbm>>
          tpu.enqueue_dma source(%dma_start3A_1095 : memref<8x128xi32, #tpu.memory_space<hbm>>) target(%dma_start3A_1093 : memref<8x128xi32, #tpu.memory_space<vmem>>) target_semaphore(%run_scoped3A : memref<!tpu.dma_semaphore, #tpu.memory_space<semaphore_mem>>)
          %dma_wait3A_1096 = arith.constant 0 : i32
          %dma_wait3A_1097 = arith.constant 0 : i32
          %dma_wait3A_1098 = tpu.memref_slice %arg8[%dma_wait3A_1096, %dma_wait3A_1097] : memref<8x128xi32, #tpu.memory_space<vmem>> -> memref<8x128xi32, #tpu.memory_space<vmem>>
          %dma_wait3A_1099 = arith.constant 0 : i32
          %dma_wait3A_1100 = tpu.memref_slice %arg4[%mul3A_33, %dma_wait3A_1099] : memref<1250x128xi32, #tpu.memory_space<hbm>> -> memref<8x128xi32, #tpu.memory_space<hbm>>
          %dma_wait3A_1101 = arith.constant 0 : i32
          %dma_wait3A_1102 = arith.constant 0 : i32
          %dma_wait3A_1103 = tpu.memref_slice %arg8[%dma_wait3A_1101, %dma_wait3A_1102] : memref<8x128xi32, #tpu.memory_space<vmem>> -> memref<8x128xi32, #tpu.memory_space<vmem>>
          %dma_wait3A_1104 = arith.constant 0 : i32
          %dma_wait3A_1105 = tpu.memref_slice %arg4[%mul3A_33, %dma_wait3A_1104] : memref<1250x128xi32, #tpu.memory_space<hbm>> -> memref<8x128xi32, #tpu.memory_space<hbm>>
          tpu.wait_dma2 semaphore(%run_scoped3A : memref<!tpu.dma_semaphore, #tpu.memory_space<semaphore_mem>>) src(%dma_wait3A_1105 : memref<8x128xi32, #tpu.memory_space<hbm>>) dst(%dma_wait3A_1103 : memref<8x128xi32, #tpu.memory_space<vmem>>)
          tpu.yield
        }) : () -> ()
        %get3A = arith.constant 0 : i32
        %get3A_34 = arith.index_cast %get3A : i32 to index
        %get3A_35 = arith.constant 0 : index
        %get3A_36 = tpu.vector_load %arg7[%get3A_34, %get3A_35] {strides = array<i32>} : memref<8x128xi32, #tpu.memory_space<vmem>>, vector<1x16xi32>,
        %get3A_37 = vector.shape_cast %get3A_36 : vector<1x16xi32> to vector<16xi32>
        %add3A_38 = vector.broadcast %arg0 : i32 to vector<16xi32>
        %add3A_39 = arith.addi %get3A_37, %add3A_38 : vector<16xi32>
        %swap3A = arith.constant 0 : i32
        %swap3A_40 = arith.index_cast %swap3A : i32 to index
        %swap3A_41 = arith.constant 0 : index
        %swap3A_42 = tpu.vector_load %arg7[%swap3A_40, %swap3A_41] {strides = array<i32>} : memref<8x128xi32, #tpu.memory_space<vmem>>, vector<1x16xi32>,
        %swap3A_43 = vector.shape_cast %swap3A_42 : vector<1x16xi32> to vector<16xi32>
        %swap3A_44 = vector.shape_cast %add3A_39 : vector<16xi32> to vector<1x16xi32>
        tpu.vector_store %arg7[%swap3A_40, %swap3A_41], %swap3A_44 {strides = array<i32>} : memref<8x128xi32, #tpu.memory_space<vmem>>, vector<1x16xi32>,
        %get3A_45 = arith.constant 0 : i32
        %get3A_46 = arith.index_cast %get3A_45 : i32 to index
        %get3A_47 = arith.constant 16 : index
        %get3A_48 = tpu.vector_load %arg7[%get3A_46, %get3A_47] {strides = array<i32>} : memref<8x128xi32, #tpu.memory_space<vmem>>, vector<1x16xi32>,
        %get3A_49 = vector.shape_cast %get3A_48 : vector<1x16xi32> to vector<16xi32>
        %add3A_50 = vector.broadcast %arg0 : i32 to vector<16xi32>
        %add3A_51 = arith.addi %get3A_49, %add3A_50 : vector<16xi32>
        %swap3A_52 = arith.constant 0 : i32
        %swap3A_53 = arith.index_cast %swap3A_52 : i32 to index
        %swap3A_54 = arith.constant 16 : index
        %swap3A_55 = tpu.vector_load %arg7[%swap3A_53, %swap3A_54] {strides = array<i32>} : memref<8x128xi32, #tpu.memory_space<vmem>>, vector<1x16xi32>,
        %swap3A_56 = vector.shape_cast %swap3A_55 : vector<1x16xi32> to vector<16xi32>
        %swap3A_57 = vector.shape_cast %add3A_51 : vector<16xi32> to vector<1x16xi32>
        tpu.vector_store %arg7[%swap3A_53, %swap3A_54], %swap3A_57 {strides = array<i32>} : memref<8x128xi32, #tpu.memory_space<vmem>>, vector<1x16xi32>,
        %get3A_58 = arith.constant 0 : i32
        %get3A_59 = arith.index_cast %get3A_58 : i32 to index
        %get3A_60 = arith.constant 32 : index
        %get3A_61 = tpu.vector_load %arg7[%get3A_59, %get3A_60] {strides = array<i32>} : memref<8x128xi32, #tpu.memory_space<vmem>>, vector<1x16xi32>,
        %get3A_62 = vector.shape_cast %get3A_61 : vector<1x16xi32> to vector<16xi32>
        %add3A_63 = vector.broadcast %arg0 : i32 to vector<16xi32>
        %add3A_64 = arith.addi %get3A_62, %add3A_63 : vector<16xi32>
        %swap3A_65 = arith.constant 0 : i32
        %swap3A_66 = arith.index_cast %swap3A_65 : i32 to index
        %swap3A_67 = arith.constant 32 : index
        %swap3A_68 = tpu.vector_load %arg7[%swap3A_66, %swap3A_67] {strides = array<i32>} : memref<8x128xi32, #tpu.memory_space<vmem>>, vector<1x16xi32>,
        %swap3A_69 = vector.shape_cast %swap3A_68 : vector<1x16xi32> to vector<16xi32>
        %swap3A_70 = vector.shape_cast %add3A_64 : vector<16xi32> to vector<1x16xi32>
        tpu.vector_store %arg7[%swap3A_66, %swap3A_67], %swap3A_70 {strides = array<i32>} : memref<8x128xi32, #tpu.memory_space<vmem>>, vector<1x16xi32>,
        %get3A_71 = arith.constant 0 : i32
        %get3A_72 = arith.index_cast %get3A_71 : i32 to index
        %get3A_73 = arith.constant 48 : index
        %get3A_74 = tpu.vector_load %arg7[%get3A_72, %get3A_73] {strides = array<i32>} : memref<8x128xi32, #tpu.memory_space<vmem>>, vector<1x16xi32>,
        %get3A_75 = vector.shape_cast %get3A_74 : vector<1x16xi32> to vector<16xi32>
        %add3A_76 = vector.broadcast %arg0 : i32 to vector<16xi32>
        %add3A_77 = arith.addi %get3A_75, %add3A_76 : vector<16xi32>
        %swap3A_78 = arith.constant 0 : i32
        %swap3A_79 = arith.index_cast %swap3A_78 : i32 to index
        %swap3A_80 = arith.constant 48 : index
        %swap3A_81 = tpu.vector_load %arg7[%swap3A_79, %swap3A_80] {strides = array<i32>} : memref<8x128xi32, #tpu.memory_space<vmem>>, vector<1x16xi32>,
        %swap3A_82 = vector.shape_cast %swap3A_81 : vector<1x16xi32> to vector<16xi32>
        %swap3A_83 = vector.shape_cast %add3A_77 : vector<16xi32> to vector<1x16xi32>
        tpu.vector_store %arg7[%swap3A_79, %swap3A_80], %swap3A_83 {strides = array<i32>} : memref<8x128xi32, #tpu.memory_space<vmem>>, vector<1x16xi32>,
        %get3A_84 = arith.constant 0 : i32
        %get3A_85 = arith.index_cast %get3A_84 : i32 to index
        %get3A_86 = arith.constant 64 : index
        %get3A_87 = tpu.vector_load %arg7[%get3A_85, %get3A_86] {strides = array<i32>} : memref<8x128xi32, #tpu.memory_space<vmem>>, vector<1x16xi32>,
        %get3A_88 = vector.shape_cast %get3A_87 : vector<1x16xi32> to vector<16xi32>
        %add3A_89 = vector.broadcast %arg0 : i32 to vector<16xi32>
        %add3A_90 = arith.addi %get3A_88, %add3A_89 : vector<16xi32>
        %swap3A_91 = arith.constant 0 : i32
        %swap3A_92 = arith.index_cast %swap3A_91 : i32 to index
        %swap3A_93 = arith.constant 64 : index
        %swap3A_94 = tpu.vector_load %arg7[%swap3A_92, %swap3A_93] {strides = array<i32>} : memref<8x128xi32, #tpu.memory_space<vmem>>, vector<1x16xi32>,
        %swap3A_95 = vector.shape_cast %swap3A_94 : vector<1x16xi32> to vector<16xi32>
        %swap3A_96 = vector.shape_cast %add3A_90 : vector<16xi32> to vector<1x16xi32>
        tpu.vector_store %arg7[%swap3A_92, %swap3A_93], %swap3A_96 {strides = array<i32>} : memref<8x128xi32, #tpu.memory_space<vmem>>, vector<1x16xi32>,
        %get3A_97 = arith.constant 0 : i32
        %get3A_98 = arith.index_cast %get3A_97 : i32 to index
        %get3A_99 = arith.constant 80 : index
        %get3A_100 = tpu.vector_load %arg7[%get3A_98, %get3A_99] {strides = array<i32>} : memref<8x128xi32, #tpu.memory_space<vmem>>, vector<1x16xi32>,
        %get3A_101 = vector.shape_cast %get3A_100 : vector<1x16xi32> to vector<16xi32>
        %add3A_102 = vector.broadcast %arg0 : i32 to vector<16xi32>
        %add3A_103 = arith.addi %get3A_101, %add3A_102 : vector<16xi32>
        %swap3A_104 = arith.constant 0 : i32
        %swap3A_105 = arith.index_cast %swap3A_104 : i32 to index
        %swap3A_106 = arith.constant 80 : index
        %swap3A_107 = tpu.vector_load %arg7[%swap3A_105, %swap3A_106] {strides = array<i32>} : memref<8x128xi32, #tpu.memory_space<vmem>>, vector<1x16xi32>,
        %swap3A_108 = vector.shape_cast %swap3A_107 : vector<1x16xi32> to vector<16xi32>
        %swap3A_109 = vector.shape_cast %add3A_103 : vector<16xi32> to vector<1x16xi32>
        tpu.vector_store %arg7[%swap3A_105, %swap3A_106], %swap3A_109 {strides = array<i32>} : memref<8x128xi32, #tpu.memory_space<vmem>>, vector<1x16xi32>,
        %get3A_110 = arith.constant 0 : i32
        %get3A_111 = arith.index_cast %get3A_110 : i32 to index
        %get3A_112 = arith.constant 96 : index
        %get3A_113 = tpu.vector_load %arg7[%get3A_111, %get3A_112] {strides = array<i32>} : memref<8x128xi32, #tpu.memory_space<vmem>>, vector<1x16xi32>,
        %get3A_114 = vector.shape_cast %get3A_113 : vector<1x16xi32> to vector<16xi32>
        %add3A_115 = vector.broadcast %arg0 : i32 to vector<16xi32>
        %add3A_116 = arith.addi %get3A_114, %add3A_115 : vector<16xi32>
        %swap3A_117 = arith.constant 0 : i32
        %swap3A_118 = arith.index_cast %swap3A_117 : i32 to index
        %swap3A_119 = arith.constant 96 : index
        %swap3A_120 = tpu.vector_load %arg7[%swap3A_118, %swap3A_119] {strides = array<i32>} : memref<8x128xi32, #tpu.memory_space<vmem>>, vector<1x16xi32>,
        %swap3A_121 = vector.shape_cast %swap3A_120 : vector<1x16xi32> to vector<16xi32>
        %swap3A_122 = vector.shape_cast %add3A_116 : vector<16xi32> to vector<1x16xi32>
        tpu.vector_store %arg7[%swap3A_118, %swap3A_119], %swap3A_122 {strides = array<i32>} : memref<8x128xi32, #tpu.memory_space<vmem>>, vector<1x16xi32>,
        %get3A_123 = arith.constant 0 : i32
        %get3A_124 = arith.index_cast %get3A_123 : i32 to index
        %get3A_125 = arith.constant 112 : index
        %get3A_126 = tpu.vector_load %arg7[%get3A_124, %get3A_125] {strides = array<i32>} : memref<8x128xi32, #tpu.memory_space<vmem>>, vector<1x16xi32>,
        %get3A_127 = vector.shape_cast %get3A_126 : vector<1x16xi32> to vector<16xi32>
        %add3A_128 = vector.broadcast %arg0 : i32 to vector<16xi32>
        %add3A_129 = arith.addi %get3A_127, %add3A_128 : vector<16xi32>
        %swap3A_130 = arith.constant 0 : i32
        %swap3A_131 = arith.index_cast %swap3A_130 : i32 to index
        %swap3A_132 = arith.constant 112 : index
        %swap3A_133 = tpu.vector_load %arg7[%swap3A_131, %swap3A_132] {strides = array<i32>} : memref<8x128xi32, #tpu.memory_space<vmem>>, vector<1x16xi32>,
        %swap3A_134 = vector.shape_cast %swap3A_133 : vector<1x16xi32> to vector<16xi32>
        %swap3A_135 = vector.shape_cast %add3A_129 : vector<16xi32> to vector<1x16xi32>
        tpu.vector_store %arg7[%swap3A_131, %swap3A_132], %swap3A_135 {strides = array<i32>} : memref<8x128xi32, #tpu.memory_space<vmem>>, vector<1x16xi32>,
        %get3A_136 = arith.constant 1 : i32
        %get3A_137 = arith.index_cast %get3A_136 : i32 to index
        %get3A_138 = arith.constant 0 : index
        %get3A_139 = tpu.vector_load %arg7[%get3A_137, %get3A_138] {strides = array<i32>} : memref<8x128xi32, #tpu.memory_space<vmem>>, vector<1x16xi32>,
        %get3A_140 = vector.shape_cast %get3A_139 : vector<1x16xi32> to vector<16xi32>
        %add3A_141 = vector.broadcast %arg0 : i32 to vector<16xi32>
        %add3A_142 = arith.addi %get3A_140, %add3A_141 : vector<16xi32>
        %swap3A_143 = arith.constant 1 : i32
        %swap3A_144 = arith.index_cast %swap3A_143 : i32 to index
        %swap3A_145 = arith.constant 0 : index
        %swap3A_146 = tpu.vector_load %arg7[%swap3A_144, %swap3A_145] {strides = array<i32>} : memref<8x128xi32, #tpu.memory_space<vmem>>, vector<1x16xi32>,
        %swap3A_147 = vector.shape_cast %swap3A_146 : vector<1x16xi32> to vector<16xi32>
        %swap3A_148 = vector.shape_cast %add3A_142 : vector<16xi32> to vector<1x16xi32>
        tpu.vector_store %arg7[%swap3A_144, %swap3A_145], %swap3A_148 {strides = array<i32>} : memref<8x128xi32, #tpu.memory_space<vmem>>, vector<1x16xi32>,
        %get3A_149 = arith.constant 1 : i32
        %get3A_150 = arith.index_cast %get3A_149 : i32 to index
        %get3A_151 = arith.constant 16 : index
        %get3A_152 = tpu.vector_load %arg7[%get3A_150, %get3A_151] {strides = array<i32>} : memref<8x128xi32, #tpu.memory_space<vmem>>, vector<1x16xi32>,
        %get3A_153 = vector.shape_cast %get3A_152 : vector<1x16xi32> to vector<16xi32>
        %add3A_154 = vector.broadcast %arg0 : i32 to vector<16xi32>
        %add3A_155 = arith.addi %get3A_153, %add3A_154 : vector<16xi32>
        %swap3A_156 = arith.constant 1 : i32
        %swap3A_157 = arith.index_cast %swap3A_156 : i32 to index
        %swap3A_158 = arith.constant 16 : index
        %swap3A_159 = tpu.vector_load %arg7[%swap3A_157, %swap3A_158] {strides = array<i32>} : memref<8x128xi32, #tpu.memory_space<vmem>>, vector<1x16xi32>,
        %swap3A_160 = vector.shape_cast %swap3A_159 : vector<1x16xi32> to vector<16xi32>
        %swap3A_161 = vector.shape_cast %add3A_155 : vector<16xi32> to vector<1x16xi32>
        tpu.vector_store %arg7[%swap3A_157, %swap3A_158], %swap3A_161 {strides = array<i32>} : memref<8x128xi32, #tpu.memory_space<vmem>>, vector<1x16xi32>,
        %get3A_162 = arith.constant 1 : i32
        %get3A_163 = arith.index_cast %get3A_162 : i32 to index
        %get3A_164 = arith.constant 32 : index
        %get3A_165 = tpu.vector_load %arg7[%get3A_163, %get3A_164] {strides = array<i32>} : memref<8x128xi32, #tpu.memory_space<vmem>>, vector<1x16xi32>,
        %get3A_166 = vector.shape_cast %get3A_165 : vector<1x16xi32> to vector<16xi32>
        %add3A_167 = vector.broadcast %arg0 : i32 to vector<16xi32>
        %add3A_168 = arith.addi %get3A_166, %add3A_167 : vector<16xi32>
        %swap3A_169 = arith.constant 1 : i32
        %swap3A_170 = arith.index_cast %swap3A_169 : i32 to index
        %swap3A_171 = arith.constant 32 : index
        %swap3A_172 = tpu.vector_load %arg7[%swap3A_170, %swap3A_171] {strides = array<i32>} : memref<8x128xi32, #tpu.memory_space<vmem>>, vector<1x16xi32>,
        %swap3A_173 = vector.shape_cast %swap3A_172 : vector<1x16xi32> to vector<16xi32>
        %swap3A_174 = vector.shape_cast %add3A_168 : vector<16xi32> to vector<1x16xi32>
        tpu.vector_store %arg7[%swap3A_170, %swap3A_171], %swap3A_174 {strides = array<i32>} : memref<8x128xi32, #tpu.memory_space<vmem>>, vector<1x16xi32>,
        %get3A_175 = arith.constant 1 : i32
        %get3A_176 = arith.index_cast %get3A_175 : i32 to index
        %get3A_177 = arith.constant 48 : index
        %get3A_178 = tpu.vector_load %arg7[%get3A_176, %get3A_177] {strides = array<i32>} : memref<8x128xi32, #tpu.memory_space<vmem>>, vector<1x16xi32>,
        %get3A_179 = vector.shape_cast %get3A_178 : vector<1x16xi32> to vector<16xi32>
        %add3A_180 = vector.broadcast %arg0 : i32 to vector<16xi32>
        %add3A_181 = arith.addi %get3A_179, %add3A_180 : vector<16xi32>
        %swap3A_182 = arith.constant 1 : i32
        %swap3A_183 = arith.index_cast %swap3A_182 : i32 to index
        %swap3A_184 = arith.constant 48 : index
        %swap3A_185 = tpu.vector_load %arg7[%swap3A_183, %swap3A_184] {strides = array<i32>} : memref<8x128xi32, #tpu.memory_space<vmem>>, vector<1x16xi32>,
        %swap3A_186 = vector.shape_cast %swap3A_185 : vector<1x16xi32> to vector<16xi32>
        %swap3A_187 = vector.shape_cast %add3A_181 : vector<16xi32> to vector<1x16xi32>
        tpu.vector_store %arg7[%swap3A_183, %swap3A_184], %swap3A_187 {strides = array<i32>} : memref<8x128xi32, #tpu.memory_space<vmem>>, vector<1x16xi32>,
        %get3A_188 = arith.constant 1 : i32
        %get3A_189 = arith.index_cast %get3A_188 : i32 to index
        %get3A_190 = arith.constant 64 : index
        %get3A_191 = tpu.vector_load %arg7[%get3A_189, %get3A_190] {strides = array<i32>} : memref<8x128xi32, #tpu.memory_space<vmem>>, vector<1x16xi32>,
        %get3A_192 = vector.shape_cast %get3A_191 : vector<1x16xi32> to vector<16xi32>
        %add3A_193 = vector.broadcast %arg0 : i32 to vector<16xi32>
        %add3A_194 = arith.addi %get3A_192, %add3A_193 : vector<16xi32>
        %swap3A_195 = arith.constant 1 : i32
        %swap3A_196 = arith.index_cast %swap3A_195 : i32 to index
        %swap3A_197 = arith.constant 64 : index
        %swap3A_198 = tpu.vector_load %arg7[%swap3A_196, %swap3A_197] {strides = array<i32>} : memref<8x128xi32, #tpu.memory_space<vmem>>, vector<1x16xi32>,
        %swap3A_199 = vector.shape_cast %swap3A_198 : vector<1x16xi32> to vector<16xi32>
        %swap3A_200 = vector.shape_cast %add3A_194 : vector<16xi32> to vector<1x16xi32>
        tpu.vector_store %arg7[%swap3A_196, %swap3A_197], %swap3A_200 {strides = array<i32>} : memref<8x128xi32, #tpu.memory_space<vmem>>, vector<1x16xi32>,
        %get3A_201 = arith.constant 1 : i32
        %get3A_202 = arith.index_cast %get3A_201 : i32 to index
        %get3A_203 = arith.constant 80 : index
        %get3A_204 = tpu.vector_load %arg7[%get3A_202, %get3A_203] {strides = array<i32>} : memref<8x128xi32, #tpu.memory_space<vmem>>, vector<1x16xi32>,
        %get3A_205 = vector.shape_cast %get3A_204 : vector<1x16xi32> to vector<16xi32>
        %add3A_206 = vector.broadcast %arg0 : i32 to vector<16xi32>
        %add3A_207 = arith.addi %get3A_205, %add3A_206 : vector<16xi32>
        %swap3A_208 = arith.constant 1 : i32
        %swap3A_209 = arith.index_cast %swap3A_208 : i32 to index
        %swap3A_210 = arith.constant 80 : index
        %swap3A_211 = tpu.vector_load %arg7[%swap3A_209, %swap3A_210] {strides = array<i32>} : memref<8x128xi32, #tpu.memory_space<vmem>>, vector<1x16xi32>,
        %swap3A_212 = vector.shape_cast %swap3A_211 : vector<1x16xi32> to vector<16xi32>
        %swap3A_213 = vector.shape_cast %add3A_207 : vector<16xi32> to vector<1x16xi32>
        tpu.vector_store %arg7[%swap3A_209, %swap3A_210], %swap3A_213 {strides = array<i32>} : memref<8x128xi32, #tpu.memory_space<vmem>>, vector<1x16xi32>,
        %get3A_214 = arith.constant 1 : i32
        %get3A_215 = arith.index_cast %get3A_214 : i32 to index
        %get3A_216 = arith.constant 96 : index
        %get3A_217 = tpu.vector_load %arg7[%get3A_215, %get3A_216] {strides = array<i32>} : memref<8x128xi32, #tpu.memory_space<vmem>>, vector<1x16xi32>,
        %get3A_218 = vector.shape_cast %get3A_217 : vector<1x16xi32> to vector<16xi32>
        %add3A_219 = vector.broadcast %arg0 : i32 to vector<16xi32>
        %add3A_220 = arith.addi %get3A_218, %add3A_219 : vector<16xi32>
        %swap3A_221 = arith.constant 1 : i32
        %swap3A_222 = arith.index_cast %swap3A_221 : i32 to index
        %swap3A_223 = arith.constant 96 : index
        %swap3A_224 = tpu.vector_load %arg7[%swap3A_222, %swap3A_223] {strides = array<i32>} : memref<8x128xi32, #tpu.memory_space<vmem>>, vector<1x16xi32>,
        %swap3A_225 = vector.shape_cast %swap3A_224 : vector<1x16xi32> to vector<16xi32>
        %swap3A_226 = vector.shape_cast %add3A_220 : vector<16xi32> to vector<1x16xi32>
        tpu.vector_store %arg7[%swap3A_222, %swap3A_223], %swap3A_226 {strides = array<i32>} : memref<8x128xi32, #tpu.memory_space<vmem>>, vector<1x16xi32>,
        %get3A_227 = arith.constant 1 : i32
        %get3A_228 = arith.index_cast %get3A_227 : i32 to index
        %get3A_229 = arith.constant 112 : index
        %get3A_230 = tpu.vector_load %arg7[%get3A_228, %get3A_229] {strides = array<i32>} : memref<8x128xi32, #tpu.memory_space<vmem>>, vector<1x16xi32>,
        %get3A_231 = vector.shape_cast %get3A_230 : vector<1x16xi32> to vector<16xi32>
        %add3A_232 = vector.broadcast %arg0 : i32 to vector<16xi32>
        %add3A_233 = arith.addi %get3A_231, %add3A_232 : vector<16xi32>
        %swap3A_234 = arith.constant 1 : i32
        %swap3A_235 = arith.index_cast %swap3A_234 : i32 to index
        %swap3A_236 = arith.constant 112 : index
        %swap3A_237 = tpu.vector_load %arg7[%swap3A_235, %swap3A_236] {strides = array<i32>} : memref<8x128xi32, #tpu.memory_space<vmem>>, vector<1x16xi32>,
        %swap3A_238 = vector.shape_cast %swap3A_237 : vector<1x16xi32> to vector<16xi32>
        %swap3A_239 = vector.shape_cast %add3A_233 : vector<16xi32> to vector<1x16xi32>
        tpu.vector_store %arg7[%swap3A_235, %swap3A_236], %swap3A_239 {strides = array<i32>} : memref<8x128xi32, #tpu.memory_space<vmem>>, vector<1x16xi32>,
        %get3A_240 = arith.constant 2 : i32
        %get3A_241 = arith.index_cast %get3A_240 : i32 to index
        %get3A_242 = arith.constant 0 : index
        %get3A_243 = tpu.vector_load %arg7[%get3A_241, %get3A_242] {strides = array<i32>} : memref<8x128xi32, #tpu.memory_space<vmem>>, vector<1x16xi32>,
        %get3A_244 = vector.shape_cast %get3A_243 : vector<1x16xi32> to vector<16xi32>
        %add3A_245 = vector.broadcast %arg0 : i32 to vector<16xi32>
        %add3A_246 = arith.addi %get3A_244, %add3A_245 : vector<16xi32>
        %swap3A_247 = arith.constant 2 : i32
        %swap3A_248 = arith.index_cast %swap3A_247 : i32 to index
        %swap3A_249 = arith.constant 0 : index
        %swap3A_250 = tpu.vector_load %arg7[%swap3A_248, %swap3A_249] {strides = array<i32>} : memref<8x128xi32, #tpu.memory_space<vmem>>, vector<1x16xi32>,
        %swap3A_251 = vector.shape_cast %swap3A_250 : vector<1x16xi32> to vector<16xi32>
        %swap3A_252 = vector.shape_cast %add3A_246 : vector<16xi32> to vector<1x16xi32>
        tpu.vector_store %arg7[%swap3A_248, %swap3A_249], %swap3A_252 {strides = array<i32>} : memref<8x128xi32, #tpu.memory_space<vmem>>, vector<1x16xi32>,
        %get3A_253 = arith.constant 2 : i32
        %get3A_254 = arith.index_cast %get3A_253 : i32 to index
        %get3A_255 = arith.constant 16 : index
        %get3A_256 = tpu.vector_load %arg7[%get3A_254, %get3A_255] {strides = array<i32>} : memref<8x128xi32, #tpu.memory_space<vmem>>, vector<1x16xi32>,
        %get3A_257 = vector.shape_cast %get3A_256 : vector<1x16xi32> to vector<16xi32>
        %add3A_258 = vector.broadcast %arg0 : i32 to vector<16xi32>
        %add3A_259 = arith.addi %get3A_257, %add3A_258 : vector<16xi32>
        %swap3A_260 = arith.constant 2 : i32
        %swap3A_261 = arith.index_cast %swap3A_260 : i32 to index
        %swap3A_262 = arith.constant 16 : index
        %swap3A_263 = tpu.vector_load %arg7[%swap3A_261, %swap3A_262] {strides = array<i32>} : memref<8x128xi32, #tpu.memory_space<vmem>>, vector<1x16xi32>,
        %swap3A_264 = vector.shape_cast %swap3A_263 : vector<1x16xi32> to vector<16xi32>
        %swap3A_265 = vector.shape_cast %add3A_259 : vector<16xi32> to vector<1x16xi32>
        tpu.vector_store %arg7[%swap3A_261, %swap3A_262], %swap3A_265 {strides = array<i32>} : memref<8x128xi32, #tpu.memory_space<vmem>>, vector<1x16xi32>,
        %get3A_266 = arith.constant 2 : i32
        %get3A_267 = arith.index_cast %get3A_266 : i32 to index
        %get3A_268 = arith.constant 32 : index
        %get3A_269 = tpu.vector_load %arg7[%get3A_267, %get3A_268] {strides = array<i32>} : memref<8x128xi32, #tpu.memory_space<vmem>>, vector<1x16xi32>,
        %get3A_270 = vector.shape_cast %get3A_269 : vector<1x16xi32> to vector<16xi32>
        %add3A_271 = vector.broadcast %arg0 : i32 to vector<16xi32>
        %add3A_272 = arith.addi %get3A_270, %add3A_271 : vector<16xi32>
        %swap3A_273 = arith.constant 2 : i32
        %swap3A_274 = arith.index_cast %swap3A_273 : i32 to index
        %swap3A_275 = arith.constant 32 : index
        %swap3A_276 = tpu.vector_load %arg7[%swap3A_274, %swap3A_275] {strides = array<i32>} : memref<8x128xi32, #tpu.memory_space<vmem>>, vector<1x16xi32>,
        %swap3A_277 = vector.shape_cast %swap3A_276 : vector<1x16xi32> to vector<16xi32>
        %swap3A_278 = vector.shape_cast %add3A_272 : vector<16xi32> to vector<1x16xi32>
        tpu.vector_store %arg7[%swap3A_274, %swap3A_275], %swap3A_278 {strides = array<i32>} : memref<8x128xi32, #tpu.memory_space<vmem>>, vector<1x16xi32>,
        %get3A_279 = arith.constant 2 : i32
        %get3A_280 = arith.index_cast %get3A_279 : i32 to index
        %get3A_281 = arith.constant 48 : index
        %get3A_282 = tpu.vector_load %arg7[%get3A_280, %get3A_281] {strides = array<i32>} : memref<8x128xi32, #tpu.memory_space<vmem>>, vector<1x16xi32>,
        %get3A_283 = vector.shape_cast %get3A_282 : vector<1x16xi32> to vector<16xi32>
        %add3A_284 = vector.broadcast %arg0 : i32 to vector<16xi32>
        %add3A_285 = arith.addi %get3A_283, %add3A_284 : vector<16xi32>
        %swap3A_286 = arith.constant 2 : i32
        %swap3A_287 = arith.index_cast %swap3A_286 : i32 to index
        %swap3A_288 = arith.constant 48 : index
        %swap3A_289 = tpu.vector_load %arg7[%swap3A_287, %swap3A_288] {strides = array<i32>} : memref<8x128xi32, #tpu.memory_space<vmem>>, vector<1x16xi32>,
        %swap3A_290 = vector.shape_cast %swap3A_289 : vector<1x16xi32> to vector<16xi32>
        %swap3A_291 = vector.shape_cast %add3A_285 : vector<16xi32> to vector<1x16xi32>
        tpu.vector_store %arg7[%swap3A_287, %swap3A_288], %swap3A_291 {strides = array<i32>} : memref<8x128xi32, #tpu.memory_space<vmem>>, vector<1x16xi32>,
        %get3A_292 = arith.constant 2 : i32
        %get3A_293 = arith.index_cast %get3A_292 : i32 to index
        %get3A_294 = arith.constant 64 : index
        %get3A_295 = tpu.vector_load %arg7[%get3A_293, %get3A_294] {strides = array<i32>} : memref<8x128xi32, #tpu.memory_space<vmem>>, vector<1x16xi32>,
        %get3A_296 = vector.shape_cast %get3A_295 : vector<1x16xi32> to vector<16xi32>
        %add3A_297 = vector.broadcast %arg0 : i32 to vector<16xi32>
        %add3A_298 = arith.addi %get3A_296, %add3A_297 : vector<16xi32>
        %swap3A_299 = arith.constant 2 : i32
        %swap3A_300 = arith.index_cast %swap3A_299 : i32 to index
        %swap3A_301 = arith.constant 64 : index
        %swap3A_302 = tpu.vector_load %arg7[%swap3A_300, %swap3A_301] {strides = array<i32>} : memref<8x128xi32, #tpu.memory_space<vmem>>, vector<1x16xi32>,
        %swap3A_303 = vector.shape_cast %swap3A_302 : vector<1x16xi32> to vector<16xi32>
        %swap3A_304 = vector.shape_cast %add3A_298 : vector<16xi32> to vector<1x16xi32>
        tpu.vector_store %arg7[%swap3A_300, %swap3A_301], %swap3A_304 {strides = array<i32>} : memref<8x128xi32, #tpu.memory_space<vmem>>, vector<1x16xi32>,
        %get3A_305 = arith.constant 2 : i32
        %get3A_306 = arith.index_cast %get3A_305 : i32 to index
        %get3A_307 = arith.constant 80 : index
        %get3A_308 = tpu.vector_load %arg7[%get3A_306, %get3A_307] {strides = array<i32>} : memref<8x128xi32, #tpu.memory_space<vmem>>, vector<1x16xi32>,
        %get3A_309 = vector.shape_cast %get3A_308 : vector<1x16xi32> to vector<16xi32>
        %add3A_310 = vector.broadcast %arg0 : i32 to vector<16xi32>
        %add3A_311 = arith.addi %get3A_309, %add3A_310 : vector<16xi32>
        %swap3A_312 = arith.constant 2 : i32
        %swap3A_313 = arith.index_cast %swap3A_312 : i32 to index
        %swap3A_314 = arith.constant 80 : index
        %swap3A_315 = tpu.vector_load %arg7[%swap3A_313, %swap3A_314] {strides = array<i32>} : memref<8x128xi32, #tpu.memory_space<vmem>>, vector<1x16xi32>,
        %swap3A_316 = vector.shape_cast %swap3A_315 : vector<1x16xi32> to vector<16xi32>
        %swap3A_317 = vector.shape_cast %add3A_311 : vector<16xi32> to vector<1x16xi32>
        tpu.vector_store %arg7[%swap3A_313, %swap3A_314], %swap3A_317 {strides = array<i32>} : memref<8x128xi32, #tpu.memory_space<vmem>>, vector<1x16xi32>,
        %get3A_318 = arith.constant 2 : i32
        %get3A_319 = arith.index_cast %get3A_318 : i32 to index
        %get3A_320 = arith.constant 96 : index
        %get3A_321 = tpu.vector_load %arg7[%get3A_319, %get3A_320] {strides = array<i32>} : memref<8x128xi32, #tpu.memory_space<vmem>>, vector<1x16xi32>,
        %get3A_322 = vector.shape_cast %get3A_321 : vector<1x16xi32> to vector<16xi32>
        %add3A_323 = vector.broadcast %arg0 : i32 to vector<16xi32>
        %add3A_324 = arith.addi %get3A_322, %add3A_323 : vector<16xi32>
        %swap3A_325 = arith.constant 2 : i32
        %swap3A_326 = arith.index_cast %swap3A_325 : i32 to index
        %swap3A_327 = arith.constant 96 : index
        %swap3A_328 = tpu.vector_load %arg7[%swap3A_326, %swap3A_327] {strides = array<i32>} : memref<8x128xi32, #tpu.memory_space<vmem>>, vector<1x16xi32>,
        %swap3A_329 = vector.shape_cast %swap3A_328 : vector<1x16xi32> to vector<16xi32>
        %swap3A_330 = vector.shape_cast %add3A_324 : vector<16xi32> to vector<1x16xi32>
        tpu.vector_store %arg7[%swap3A_326, %swap3A_327], %swap3A_330 {strides = array<i32>} : memref<8x128xi32, #tpu.memory_space<vmem>>, vector<1x16xi32>,
        %get3A_331 = arith.constant 2 : i32
        %get3A_332 = arith.index_cast %get3A_331 : i32 to index
        %get3A_333 = arith.constant 112 : index
        %get3A_334 = tpu.vector_load %arg7[%get3A_332, %get3A_333] {strides = array<i32>} : memref<8x128xi32, #tpu.memory_space<vmem>>, vector<1x16xi32>,
        %get3A_335 = vector.shape_cast %get3A_334 : vector<1x16xi32> to vector<16xi32>
        %add3A_336 = vector.broadcast %arg0 : i32 to vector<16xi32>
        %add3A_337 = arith.addi %get3A_335, %add3A_336 : vector<16xi32>
        %swap3A_338 = arith.constant 2 : i32
        %swap3A_339 = arith.index_cast %swap3A_338 : i32 to index
        %swap3A_340 = arith.constant 112 : index
        %swap3A_341 = tpu.vector_load %arg7[%swap3A_339, %swap3A_340] {strides = array<i32>} : memref<8x128xi32, #tpu.memory_space<vmem>>, vector<1x16xi32>,
        %swap3A_342 = vector.shape_cast %swap3A_341 : vector<1x16xi32> to vector<16xi32>
        %swap3A_343 = vector.shape_cast %add3A_337 : vector<16xi32> to vector<1x16xi32>
        tpu.vector_store %arg7[%swap3A_339, %swap3A_340], %swap3A_343 {strides = array<i32>} : memref<8x128xi32, #tpu.memory_space<vmem>>, vector<1x16xi32>,
        %get3A_344 = arith.constant 3 : i32
        %get3A_345 = arith.index_cast %get3A_344 : i32 to index
        %get3A_346 = arith.constant 0 : index
        %get3A_347 = tpu.vector_load %arg7[%get3A_345, %get3A_346] {strides = array<i32>} : memref<8x128xi32, #tpu.memory_space<vmem>>, vector<1x16xi32>,
        %get3A_348 = vector.shape_cast %get3A_347 : vector<1x16xi32> to vector<16xi32>
        %add3A_349 = vector.broadcast %arg0 : i32 to vector<16xi32>
        %add3A_350 = arith.addi %get3A_348, %add3A_349 : vector<16xi32>
        %swap3A_351 = arith.constant 3 : i32
        %swap3A_352 = arith.index_cast %swap3A_351 : i32 to index
        %swap3A_353 = arith.constant 0 : index
        %swap3A_354 = tpu.vector_load %arg7[%swap3A_352, %swap3A_353] {strides = array<i32>} : memref<8x128xi32, #tpu.memory_space<vmem>>, vector<1x16xi32>,
        %swap3A_355 = vector.shape_cast %swap3A_354 : vector<1x16xi32> to vector<16xi32>
        %swap3A_356 = vector.shape_cast %add3A_350 : vector<16xi32> to vector<1x16xi32>
        tpu.vector_store %arg7[%swap3A_352, %swap3A_353], %swap3A_356 {strides = array<i32>} : memref<8x128xi32, #tpu.memory_space<vmem>>, vector<1x16xi32>,
        %get3A_357 = arith.constant 3 : i32
        %get3A_358 = arith.index_cast %get3A_357 : i32 to index
        %get3A_359 = arith.constant 16 : index
        %get3A_360 = tpu.vector_load %arg7[%get3A_358, %get3A_359] {strides = array<i32>} : memref<8x128xi32, #tpu.memory_space<vmem>>, vector<1x16xi32>,
        %get3A_361 = vector.shape_cast %get3A_360 : vector<1x16xi32> to vector<16xi32>
        %add3A_362 = vector.broadcast %arg0 : i32 to vector<16xi32>
        %add3A_363 = arith.addi %get3A_361, %add3A_362 : vector<16xi32>
        %swap3A_364 = arith.constant 3 : i32
        %swap3A_365 = arith.index_cast %swap3A_364 : i32 to index
        %swap3A_366 = arith.constant 16 : index
        %swap3A_367 = tpu.vector_load %arg7[%swap3A_365, %swap3A_366] {strides = array<i32>} : memref<8x128xi32, #tpu.memory_space<vmem>>, vector<1x16xi32>,
        %swap3A_368 = vector.shape_cast %swap3A_367 : vector<1x16xi32> to vector<16xi32>
        %swap3A_369 = vector.shape_cast %add3A_363 : vector<16xi32> to vector<1x16xi32>
        tpu.vector_store %arg7[%swap3A_365, %swap3A_366], %swap3A_369 {strides = array<i32>} : memref<8x128xi32, #tpu.memory_space<vmem>>, vector<1x16xi32>,
        %get3A_370 = arith.constant 3 : i32
        %get3A_371 = arith.index_cast %get3A_370 : i32 to index
        %get3A_372 = arith.constant 32 : index
        %get3A_373 = tpu.vector_load %arg7[%get3A_371, %get3A_372] {strides = array<i32>} : memref<8x128xi32, #tpu.memory_space<vmem>>, vector<1x16xi32>,
        %get3A_374 = vector.shape_cast %get3A_373 : vector<1x16xi32> to vector<16xi32>
        %add3A_375 = vector.broadcast %arg0 : i32 to vector<16xi32>
        %add3A_376 = arith.addi %get3A_374, %add3A_375 : vector<16xi32>
        %swap3A_377 = arith.constant 3 : i32
        %swap3A_378 = arith.index_cast %swap3A_377 : i32 to index
        %swap3A_379 = arith.constant 32 : index
        %swap3A_380 = tpu.vector_load %arg7[%swap3A_378, %swap3A_379] {strides = array<i32>} : memref<8x128xi32, #tpu.memory_space<vmem>>, vector<1x16xi32>,
        %swap3A_381 = vector.shape_cast %swap3A_380 : vector<1x16xi32> to vector<16xi32>
        %swap3A_382 = vector.shape_cast %add3A_376 : vector<16xi32> to vector<1x16xi32>
        tpu.vector_store %arg7[%swap3A_378, %swap3A_379], %swap3A_382 {strides = array<i32>} : memref<8x128xi32, #tpu.memory_space<vmem>>, vector<1x16xi32>,
        %get3A_383 = arith.constant 3 : i32
        %get3A_384 = arith.index_cast %get3A_383 : i32 to index
        %get3A_385 = arith.constant 48 : index
        %get3A_386 = tpu.vector_load %arg7[%get3A_384, %get3A_385] {strides = array<i32>} : memref<8x128xi32, #tpu.memory_space<vmem>>, vector<1x16xi32>,
        %get3A_387 = vector.shape_cast %get3A_386 : vector<1x16xi32> to vector<16xi32>
        %add3A_388 = vector.broadcast %arg0 : i32 to vector<16xi32>
        %add3A_389 = arith.addi %get3A_387, %add3A_388 : vector<16xi32>
        %swap3A_390 = arith.constant 3 : i32
        %swap3A_391 = arith.index_cast %swap3A_390 : i32 to index
        %swap3A_392 = arith.constant 48 : index
        %swap3A_393 = tpu.vector_load %arg7[%swap3A_391, %swap3A_392] {strides = array<i32>} : memref<8x128xi32, #tpu.memory_space<vmem>>, vector<1x16xi32>,
        %swap3A_394 = vector.shape_cast %swap3A_393 : vector<1x16xi32> to vector<16xi32>
        %swap3A_395 = vector.shape_cast %add3A_389 : vector<16xi32> to vector<1x16xi32>
        tpu.vector_store %arg7[%swap3A_391, %swap3A_392], %swap3A_395 {strides = array<i32>} : memref<8x128xi32, #tpu.memory_space<vmem>>, vector<1x16xi32>,
        %get3A_396 = arith.constant 3 : i32
        %get3A_397 = arith.index_cast %get3A_396 : i32 to index
        %get3A_398 = arith.constant 64 : index
        %get3A_399 = tpu.vector_load %arg7[%get3A_397, %get3A_398] {strides = array<i32>} : memref<8x128xi32, #tpu.memory_space<vmem>>, vector<1x16xi32>,
        %get3A_400 = vector.shape_cast %get3A_399 : vector<1x16xi32> to vector<16xi32>
        %add3A_401 = vector.broadcast %arg0 : i32 to vector<16xi32>
        %add3A_402 = arith.addi %get3A_400, %add3A_401 : vector<16xi32>
        %swap3A_403 = arith.constant 3 : i32
        %swap3A_404 = arith.index_cast %swap3A_403 : i32 to index
        %swap3A_405 = arith.constant 64 : index
        %swap3A_406 = tpu.vector_load %arg7[%swap3A_404, %swap3A_405] {strides = array<i32>} : memref<8x128xi32, #tpu.memory_space<vmem>>, vector<1x16xi32>,
        %swap3A_407 = vector.shape_cast %swap3A_406 : vector<1x16xi32> to vector<16xi32>
        %swap3A_408 = vector.shape_cast %add3A_402 : vector<16xi32> to vector<1x16xi32>
        tpu.vector_store %arg7[%swap3A_404, %swap3A_405], %swap3A_408 {strides = array<i32>} : memref<8x128xi32, #tpu.memory_space<vmem>>, vector<1x16xi32>,
        %get3A_409 = arith.constant 3 : i32
        %get3A_410 = arith.index_cast %get3A_409 : i32 to index
        %get3A_411 = arith.constant 80 : index
        %get3A_412 = tpu.vector_load %arg7[%get3A_410, %get3A_411] {strides = array<i32>} : memref<8x128xi32, #tpu.memory_space<vmem>>, vector<1x16xi32>,
        %get3A_413 = vector.shape_cast %get3A_412 : vector<1x16xi32> to vector<16xi32>
        %add3A_414 = vector.broadcast %arg0 : i32 to vector<16xi32>
        %add3A_415 = arith.addi %get3A_413, %add3A_414 : vector<16xi32>
        %swap3A_416 = arith.constant 3 : i32
        %swap3A_417 = arith.index_cast %swap3A_416 : i32 to index
        %swap3A_418 = arith.constant 80 : index
        %swap3A_419 = tpu.vector_load %arg7[%swap3A_417, %swap3A_418] {strides = array<i32>} : memref<8x128xi32, #tpu.memory_space<vmem>>, vector<1x16xi32>,
        %swap3A_420 = vector.shape_cast %swap3A_419 : vector<1x16xi32> to vector<16xi32>
        %swap3A_421 = vector.shape_cast %add3A_415 : vector<16xi32> to vector<1x16xi32>
        tpu.vector_store %arg7[%swap3A_417, %swap3A_418], %swap3A_421 {strides = array<i32>} : memref<8x128xi32, #tpu.memory_space<vmem>>, vector<1x16xi32>,
        %get3A_422 = arith.constant 3 : i32
        %get3A_423 = arith.index_cast %get3A_422 : i32 to index
        %get3A_424 = arith.constant 96 : index
        %get3A_425 = tpu.vector_load %arg7[%get3A_423, %get3A_424] {strides = array<i32>} : memref<8x128xi32, #tpu.memory_space<vmem>>, vector<1x16xi32>,
        %get3A_426 = vector.shape_cast %get3A_425 : vector<1x16xi32> to vector<16xi32>
        %add3A_427 = vector.broadcast %arg0 : i32 to vector<16xi32>
        %add3A_428 = arith.addi %get3A_426, %add3A_427 : vector<16xi32>
        %swap3A_429 = arith.constant 3 : i32
        %swap3A_430 = arith.index_cast %swap3A_429 : i32 to index
        %swap3A_431 = arith.constant 96 : index
        %swap3A_432 = tpu.vector_load %arg7[%swap3A_430, %swap3A_431] {strides = array<i32>} : memref<8x128xi32, #tpu.memory_space<vmem>>, vector<1x16xi32>,
        %swap3A_433 = vector.shape_cast %swap3A_432 : vector<1x16xi32> to vector<16xi32>
        %swap3A_434 = vector.shape_cast %add3A_428 : vector<16xi32> to vector<1x16xi32>
        tpu.vector_store %arg7[%swap3A_430, %swap3A_431], %swap3A_434 {strides = array<i32>} : memref<8x128xi32, #tpu.memory_space<vmem>>, vector<1x16xi32>,
        %get3A_435 = arith.constant 3 : i32
        %get3A_436 = arith.index_cast %get3A_435 : i32 to index
        %get3A_437 = arith.constant 112 : index
        %get3A_438 = tpu.vector_load %arg7[%get3A_436, %get3A_437] {strides = array<i32>} : memref<8x128xi32, #tpu.memory_space<vmem>>, vector<1x16xi32>,
        %get3A_439 = vector.shape_cast %get3A_438 : vector<1x16xi32> to vector<16xi32>
        %add3A_440 = vector.broadcast %arg0 : i32 to vector<16xi32>
        %add3A_441 = arith.addi %get3A_439, %add3A_440 : vector<16xi32>
        %swap3A_442 = arith.constant 3 : i32
        %swap3A_443 = arith.index_cast %swap3A_442 : i32 to index
        %swap3A_444 = arith.constant 112 : index
        %swap3A_445 = tpu.vector_load %arg7[%swap3A_443, %swap3A_444] {strides = array<i32>} : memref<8x128xi32, #tpu.memory_space<vmem>>, vector<1x16xi32>,
        %swap3A_446 = vector.shape_cast %swap3A_445 : vector<1x16xi32> to vector<16xi32>
        %swap3A_447 = vector.shape_cast %add3A_441 : vector<16xi32> to vector<1x16xi32>
        tpu.vector_store %arg7[%swap3A_443, %swap3A_444], %swap3A_447 {strides = array<i32>} : memref<8x128xi32, #tpu.memory_space<vmem>>, vector<1x16xi32>,
        %get3A_448 = arith.constant 4 : i32
        %get3A_449 = arith.index_cast %get3A_448 : i32 to index
        %get3A_450 = arith.constant 0 : index
        %get3A_451 = tpu.vector_load %arg7[%get3A_449, %get3A_450] {strides = array<i32>} : memref<8x128xi32, #tpu.memory_space<vmem>>, vector<1x16xi32>,
        %get3A_452 = vector.shape_cast %get3A_451 : vector<1x16xi32> to vector<16xi32>
        %add3A_453 = vector.broadcast %arg0 : i32 to vector<16xi32>
        %add3A_454 = arith.addi %get3A_452, %add3A_453 : vector<16xi32>
        %swap3A_455 = arith.constant 4 : i32
        %swap3A_456 = arith.index_cast %swap3A_455 : i32 to index
        %swap3A_457 = arith.constant 0 : index
        %swap3A_458 = tpu.vector_load %arg7[%swap3A_456, %swap3A_457] {strides = array<i32>} : memref<8x128xi32, #tpu.memory_space<vmem>>, vector<1x16xi32>,
        %swap3A_459 = vector.shape_cast %swap3A_458 : vector<1x16xi32> to vector<16xi32>
        %swap3A_460 = vector.shape_cast %add3A_454 : vector<16xi32> to vector<1x16xi32>
        tpu.vector_store %arg7[%swap3A_456, %swap3A_457], %swap3A_460 {strides = array<i32>} : memref<8x128xi32, #tpu.memory_space<vmem>>, vector<1x16xi32>,
        %get3A_461 = arith.constant 4 : i32
        %get3A_462 = arith.index_cast %get3A_461 : i32 to index
        %get3A_463 = arith.constant 16 : index
        %get3A_464 = tpu.vector_load %arg7[%get3A_462, %get3A_463] {strides = array<i32>} : memref<8x128xi32, #tpu.memory_space<vmem>>, vector<1x16xi32>,
        %get3A_465 = vector.shape_cast %get3A_464 : vector<1x16xi32> to vector<16xi32>
        %add3A_466 = vector.broadcast %arg0 : i32 to vector<16xi32>
        %add3A_467 = arith.addi %get3A_465, %add3A_466 : vector<16xi32>
        %swap3A_468 = arith.constant 4 : i32
        %swap3A_469 = arith.index_cast %swap3A_468 : i32 to index
        %swap3A_470 = arith.constant 16 : index
        %swap3A_471 = tpu.vector_load %arg7[%swap3A_469, %swap3A_470] {strides = array<i32>} : memref<8x128xi32, #tpu.memory_space<vmem>>, vector<1x16xi32>,
        %swap3A_472 = vector.shape_cast %swap3A_471 : vector<1x16xi32> to vector<16xi32>
        %swap3A_473 = vector.shape_cast %add3A_467 : vector<16xi32> to vector<1x16xi32>
        tpu.vector_store %arg7[%swap3A_469, %swap3A_470], %swap3A_473 {strides = array<i32>} : memref<8x128xi32, #tpu.memory_space<vmem>>, vector<1x16xi32>,
        %get3A_474 = arith.constant 4 : i32
        %get3A_475 = arith.index_cast %get3A_474 : i32 to index
        %get3A_476 = arith.constant 32 : index
        %get3A_477 = tpu.vector_load %arg7[%get3A_475, %get3A_476] {strides = array<i32>} : memref<8x128xi32, #tpu.memory_space<vmem>>, vector<1x16xi32>,
        %get3A_478 = vector.shape_cast %get3A_477 : vector<1x16xi32> to vector<16xi32>
        %add3A_479 = vector.broadcast %arg0 : i32 to vector<16xi32>
        %add3A_480 = arith.addi %get3A_478, %add3A_479 : vector<16xi32>
        %swap3A_481 = arith.constant 4 : i32
        %swap3A_482 = arith.index_cast %swap3A_481 : i32 to index
        %swap3A_483 = arith.constant 32 : index
        %swap3A_484 = tpu.vector_load %arg7[%swap3A_482, %swap3A_483] {strides = array<i32>} : memref<8x128xi32, #tpu.memory_space<vmem>>, vector<1x16xi32>,
        %swap3A_485 = vector.shape_cast %swap3A_484 : vector<1x16xi32> to vector<16xi32>
        %swap3A_486 = vector.shape_cast %add3A_480 : vector<16xi32> to vector<1x16xi32>
        tpu.vector_store %arg7[%swap3A_482, %swap3A_483], %swap3A_486 {strides = array<i32>} : memref<8x128xi32, #tpu.memory_space<vmem>>, vector<1x16xi32>,
        %get3A_487 = arith.constant 4 : i32
        %get3A_488 = arith.index_cast %get3A_487 : i32 to index
        %get3A_489 = arith.constant 48 : index
        %get3A_490 = tpu.vector_load %arg7[%get3A_488, %get3A_489] {strides = array<i32>} : memref<8x128xi32, #tpu.memory_space<vmem>>, vector<1x16xi32>,
        %get3A_491 = vector.shape_cast %get3A_490 : vector<1x16xi32> to vector<16xi32>
        %add3A_492 = vector.broadcast %arg0 : i32 to vector<16xi32>
        %add3A_493 = arith.addi %get3A_491, %add3A_492 : vector<16xi32>
        %swap3A_494 = arith.constant 4 : i32
        %swap3A_495 = arith.index_cast %swap3A_494 : i32 to index
        %swap3A_496 = arith.constant 48 : index
        %swap3A_497 = tpu.vector_load %arg7[%swap3A_495, %swap3A_496] {strides = array<i32>} : memref<8x128xi32, #tpu.memory_space<vmem>>, vector<1x16xi32>,
        %swap3A_498 = vector.shape_cast %swap3A_497 : vector<1x16xi32> to vector<16xi32>
        %swap3A_499 = vector.shape_cast %add3A_493 : vector<16xi32> to vector<1x16xi32>
        tpu.vector_store %arg7[%swap3A_495, %swap3A_496], %swap3A_499 {strides = array<i32>} : memref<8x128xi32, #tpu.memory_space<vmem>>, vector<1x16xi32>,
        %get3A_500 = arith.constant 4 : i32
        %get3A_501 = arith.index_cast %get3A_500 : i32 to index
        %get3A_502 = arith.constant 64 : index
        %get3A_503 = tpu.vector_load %arg7[%get3A_501, %get3A_502] {strides = array<i32>} : memref<8x128xi32, #tpu.memory_space<vmem>>, vector<1x16xi32>,
        %get3A_504 = vector.shape_cast %get3A_503 : vector<1x16xi32> to vector<16xi32>
        %add3A_505 = vector.broadcast %arg0 : i32 to vector<16xi32>
        %add3A_506 = arith.addi %get3A_504, %add3A_505 : vector<16xi32>
        %swap3A_507 = arith.constant 4 : i32
        %swap3A_508 = arith.index_cast %swap3A_507 : i32 to index
        %swap3A_509 = arith.constant 64 : index
        %swap3A_510 = tpu.vector_load %arg7[%swap3A_508, %swap3A_509] {strides = array<i32>} : memref<8x128xi32, #tpu.memory_space<vmem>>, vector<1x16xi32>,
        %swap3A_511 = vector.shape_cast %swap3A_510 : vector<1x16xi32> to vector<16xi32>
        %swap3A_512 = vector.shape_cast %add3A_506 : vector<16xi32> to vector<1x16xi32>
        tpu.vector_store %arg7[%swap3A_508, %swap3A_509], %swap3A_512 {strides = array<i32>} : memref<8x128xi32, #tpu.memory_space<vmem>>, vector<1x16xi32>,
        %get3A_513 = arith.constant 4 : i32
        %get3A_514 = arith.index_cast %get3A_513 : i32 to index
        %get3A_515 = arith.constant 80 : index
        %get3A_516 = tpu.vector_load %arg7[%get3A_514, %get3A_515] {strides = array<i32>} : memref<8x128xi32, #tpu.memory_space<vmem>>, vector<1x16xi32>,
        %get3A_517 = vector.shape_cast %get3A_516 : vector<1x16xi32> to vector<16xi32>
        %add3A_518 = vector.broadcast %arg0 : i32 to vector<16xi32>
        %add3A_519 = arith.addi %get3A_517, %add3A_518 : vector<16xi32>
        %swap3A_520 = arith.constant 4 : i32
        %swap3A_521 = arith.index_cast %swap3A_520 : i32 to index
        %swap3A_522 = arith.constant 80 : index
        %swap3A_523 = tpu.vector_load %arg7[%swap3A_521, %swap3A_522] {strides = array<i32>} : memref<8x128xi32, #tpu.memory_space<vmem>>, vector<1x16xi32>,
        %swap3A_524 = vector.shape_cast %swap3A_523 : vector<1x16xi32> to vector<16xi32>
        %swap3A_525 = vector.shape_cast %add3A_519 : vector<16xi32> to vector<1x16xi32>
        tpu.vector_store %arg7[%swap3A_521, %swap3A_522], %swap3A_525 {strides = array<i32>} : memref<8x128xi32, #tpu.memory_space<vmem>>, vector<1x16xi32>,
        %get3A_526 = arith.constant 4 : i32
        %get3A_527 = arith.index_cast %get3A_526 : i32 to index
        %get3A_528 = arith.constant 96 : index
        %get3A_529 = tpu.vector_load %arg7[%get3A_527, %get3A_528] {strides = array<i32>} : memref<8x128xi32, #tpu.memory_space<vmem>>, vector<1x16xi32>,
        %get3A_530 = vector.shape_cast %get3A_529 : vector<1x16xi32> to vector<16xi32>
        %add3A_531 = vector.broadcast %arg0 : i32 to vector<16xi32>
        %add3A_532 = arith.addi %get3A_530, %add3A_531 : vector<16xi32>
        %swap3A_533 = arith.constant 4 : i32
        %swap3A_534 = arith.index_cast %swap3A_533 : i32 to index
        %swap3A_535 = arith.constant 96 : index
        %swap3A_536 = tpu.vector_load %arg7[%swap3A_534, %swap3A_535] {strides = array<i32>} : memref<8x128xi32, #tpu.memory_space<vmem>>, vector<1x16xi32>,
        %swap3A_537 = vector.shape_cast %swap3A_536 : vector<1x16xi32> to vector<16xi32>
        %swap3A_538 = vector.shape_cast %add3A_532 : vector<16xi32> to vector<1x16xi32>
        tpu.vector_store %arg7[%swap3A_534, %swap3A_535], %swap3A_538 {strides = array<i32>} : memref<8x128xi32, #tpu.memory_space<vmem>>, vector<1x16xi32>,
        %get3A_539 = arith.constant 4 : i32
        %get3A_540 = arith.index_cast %get3A_539 : i32 to index
        %get3A_541 = arith.constant 112 : index
        %get3A_542 = tpu.vector_load %arg7[%get3A_540, %get3A_541] {strides = array<i32>} : memref<8x128xi32, #tpu.memory_space<vmem>>, vector<1x16xi32>,
        %get3A_543 = vector.shape_cast %get3A_542 : vector<1x16xi32> to vector<16xi32>
        %add3A_544 = vector.broadcast %arg0 : i32 to vector<16xi32>
        %add3A_545 = arith.addi %get3A_543, %add3A_544 : vector<16xi32>
        %swap3A_546 = arith.constant 4 : i32
        %swap3A_547 = arith.index_cast %swap3A_546 : i32 to index
        %swap3A_548 = arith.constant 112 : index
        %swap3A_549 = tpu.vector_load %arg7[%swap3A_547, %swap3A_548] {strides = array<i32>} : memref<8x128xi32, #tpu.memory_space<vmem>>, vector<1x16xi32>,
        %swap3A_550 = vector.shape_cast %swap3A_549 : vector<1x16xi32> to vector<16xi32>
        %swap3A_551 = vector.shape_cast %add3A_545 : vector<16xi32> to vector<1x16xi32>
        tpu.vector_store %arg7[%swap3A_547, %swap3A_548], %swap3A_551 {strides = array<i32>} : memref<8x128xi32, #tpu.memory_space<vmem>>, vector<1x16xi32>,
        %get3A_552 = arith.constant 5 : i32
        %get3A_553 = arith.index_cast %get3A_552 : i32 to index
        %get3A_554 = arith.constant 0 : index
        %get3A_555 = tpu.vector_load %arg7[%get3A_553, %get3A_554] {strides = array<i32>} : memref<8x128xi32, #tpu.memory_space<vmem>>, vector<1x16xi32>,
        %get3A_556 = vector.shape_cast %get3A_555 : vector<1x16xi32> to vector<16xi32>
        %add3A_557 = vector.broadcast %arg0 : i32 to vector<16xi32>
        %add3A_558 = arith.addi %get3A_556, %add3A_557 : vector<16xi32>
        %swap3A_559 = arith.constant 5 : i32
        %swap3A_560 = arith.index_cast %swap3A_559 : i32 to index
        %swap3A_561 = arith.constant 0 : index
        %swap3A_562 = tpu.vector_load %arg7[%swap3A_560, %swap3A_561] {strides = array<i32>} : memref<8x128xi32, #tpu.memory_space<vmem>>, vector<1x16xi32>,
        %swap3A_563 = vector.shape_cast %swap3A_562 : vector<1x16xi32> to vector<16xi32>
        %swap3A_564 = vector.shape_cast %add3A_558 : vector<16xi32> to vector<1x16xi32>
        tpu.vector_store %arg7[%swap3A_560, %swap3A_561], %swap3A_564 {strides = array<i32>} : memref<8x128xi32, #tpu.memory_space<vmem>>, vector<1x16xi32>,
        %get3A_565 = arith.constant 5 : i32
        %get3A_566 = arith.index_cast %get3A_565 : i32 to index
        %get3A_567 = arith.constant 16 : index
        %get3A_568 = tpu.vector_load %arg7[%get3A_566, %get3A_567] {strides = array<i32>} : memref<8x128xi32, #tpu.memory_space<vmem>>, vector<1x16xi32>,
        %get3A_569 = vector.shape_cast %get3A_568 : vector<1x16xi32> to vector<16xi32>
        %add3A_570 = vector.broadcast %arg0 : i32 to vector<16xi32>
        %add3A_571 = arith.addi %get3A_569, %add3A_570 : vector<16xi32>
        %swap3A_572 = arith.constant 5 : i32
        %swap3A_573 = arith.index_cast %swap3A_572 : i32 to index
        %swap3A_574 = arith.constant 16 : index
        %swap3A_575 = tpu.vector_load %arg7[%swap3A_573, %swap3A_574] {strides = array<i32>} : memref<8x128xi32, #tpu.memory_space<vmem>>, vector<1x16xi32>,
        %swap3A_576 = vector.shape_cast %swap3A_575 : vector<1x16xi32> to vector<16xi32>
        %swap3A_577 = vector.shape_cast %add3A_571 : vector<16xi32> to vector<1x16xi32>
        tpu.vector_store %arg7[%swap3A_573, %swap3A_574], %swap3A_577 {strides = array<i32>} : memref<8x128xi32, #tpu.memory_space<vmem>>, vector<1x16xi32>,
        %get3A_578 = arith.constant 5 : i32
        %get3A_579 = arith.index_cast %get3A_578 : i32 to index
        %get3A_580 = arith.constant 32 : index
        %get3A_581 = tpu.vector_load %arg7[%get3A_579, %get3A_580] {strides = array<i32>} : memref<8x128xi32, #tpu.memory_space<vmem>>, vector<1x16xi32>,
        %get3A_582 = vector.shape_cast %get3A_581 : vector<1x16xi32> to vector<16xi32>
        %add3A_583 = vector.broadcast %arg0 : i32 to vector<16xi32>
        %add3A_584 = arith.addi %get3A_582, %add3A_583 : vector<16xi32>
        %swap3A_585 = arith.constant 5 : i32
        %swap3A_586 = arith.index_cast %swap3A_585 : i32 to index
        %swap3A_587 = arith.constant 32 : index
        %swap3A_588 = tpu.vector_load %arg7[%swap3A_586, %swap3A_587] {strides = array<i32>} : memref<8x128xi32, #tpu.memory_space<vmem>>, vector<1x16xi32>,
        %swap3A_589 = vector.shape_cast %swap3A_588 : vector<1x16xi32> to vector<16xi32>
        %swap3A_590 = vector.shape_cast %add3A_584 : vector<16xi32> to vector<1x16xi32>
        tpu.vector_store %arg7[%swap3A_586, %swap3A_587], %swap3A_590 {strides = array<i32>} : memref<8x128xi32, #tpu.memory_space<vmem>>, vector<1x16xi32>,
        %get3A_591 = arith.constant 5 : i32
        %get3A_592 = arith.index_cast %get3A_591 : i32 to index
        %get3A_593 = arith.constant 48 : index
        %get3A_594 = tpu.vector_load %arg7[%get3A_592, %get3A_593] {strides = array<i32>} : memref<8x128xi32, #tpu.memory_space<vmem>>, vector<1x16xi32>,
        %get3A_595 = vector.shape_cast %get3A_594 : vector<1x16xi32> to vector<16xi32>
        %add3A_596 = vector.broadcast %arg0 : i32 to vector<16xi32>
        %add3A_597 = arith.addi %get3A_595, %add3A_596 : vector<16xi32>
        %swap3A_598 = arith.constant 5 : i32
        %swap3A_599 = arith.index_cast %swap3A_598 : i32 to index
        %swap3A_600 = arith.constant 48 : index
        %swap3A_601 = tpu.vector_load %arg7[%swap3A_599, %swap3A_600] {strides = array<i32>} : memref<8x128xi32, #tpu.memory_space<vmem>>, vector<1x16xi32>,
        %swap3A_602 = vector.shape_cast %swap3A_601 : vector<1x16xi32> to vector<16xi32>
        %swap3A_603 = vector.shape_cast %add3A_597 : vector<16xi32> to vector<1x16xi32>
        tpu.vector_store %arg7[%swap3A_599, %swap3A_600], %swap3A_603 {strides = array<i32>} : memref<8x128xi32, #tpu.memory_space<vmem>>, vector<1x16xi32>,
        %get3A_604 = arith.constant 5 : i32
        %get3A_605 = arith.index_cast %get3A_604 : i32 to index
        %get3A_606 = arith.constant 64 : index
        %get3A_607 = tpu.vector_load %arg7[%get3A_605, %get3A_606] {strides = array<i32>} : memref<8x128xi32, #tpu.memory_space<vmem>>, vector<1x16xi32>,
        %get3A_608 = vector.shape_cast %get3A_607 : vector<1x16xi32> to vector<16xi32>
        %add3A_609 = vector.broadcast %arg0 : i32 to vector<16xi32>
        %add3A_610 = arith.addi %get3A_608, %add3A_609 : vector<16xi32>
        %swap3A_611 = arith.constant 5 : i32
        %swap3A_612 = arith.index_cast %swap3A_611 : i32 to index
        %swap3A_613 = arith.constant 64 : index
        %swap3A_614 = tpu.vector_load %arg7[%swap3A_612, %swap3A_613] {strides = array<i32>} : memref<8x128xi32, #tpu.memory_space<vmem>>, vector<1x16xi32>,
        %swap3A_615 = vector.shape_cast %swap3A_614 : vector<1x16xi32> to vector<16xi32>
        %swap3A_616 = vector.shape_cast %add3A_610 : vector<16xi32> to vector<1x16xi32>
        tpu.vector_store %arg7[%swap3A_612, %swap3A_613], %swap3A_616 {strides = array<i32>} : memref<8x128xi32, #tpu.memory_space<vmem>>, vector<1x16xi32>,
        %get3A_617 = arith.constant 5 : i32
        %get3A_618 = arith.index_cast %get3A_617 : i32 to index
        %get3A_619 = arith.constant 80 : index
        %get3A_620 = tpu.vector_load %arg7[%get3A_618, %get3A_619] {strides = array<i32>} : memref<8x128xi32, #tpu.memory_space<vmem>>, vector<1x16xi32>,
        %get3A_621 = vector.shape_cast %get3A_620 : vector<1x16xi32> to vector<16xi32>
        %add3A_622 = vector.broadcast %arg0 : i32 to vector<16xi32>
        %add3A_623 = arith.addi %get3A_621, %add3A_622 : vector<16xi32>
        %swap3A_624 = arith.constant 5 : i32
        %swap3A_625 = arith.index_cast %swap3A_624 : i32 to index
        %swap3A_626 = arith.constant 80 : index
        %swap3A_627 = tpu.vector_load %arg7[%swap3A_625, %swap3A_626] {strides = array<i32>} : memref<8x128xi32, #tpu.memory_space<vmem>>, vector<1x16xi32>,
        %swap3A_628 = vector.shape_cast %swap3A_627 : vector<1x16xi32> to vector<16xi32>
        %swap3A_629 = vector.shape_cast %add3A_623 : vector<16xi32> to vector<1x16xi32>
        tpu.vector_store %arg7[%swap3A_625, %swap3A_626], %swap3A_629 {strides = array<i32>} : memref<8x128xi32, #tpu.memory_space<vmem>>, vector<1x16xi32>,
        %get3A_630 = arith.constant 5 : i32
        %get3A_631 = arith.index_cast %get3A_630 : i32 to index
        %get3A_632 = arith.constant 96 : index
        %get3A_633 = tpu.vector_load %arg7[%get3A_631, %get3A_632] {strides = array<i32>} : memref<8x128xi32, #tpu.memory_space<vmem>>, vector<1x16xi32>,
        %get3A_634 = vector.shape_cast %get3A_633 : vector<1x16xi32> to vector<16xi32>
        %add3A_635 = vector.broadcast %arg0 : i32 to vector<16xi32>
        %add3A_636 = arith.addi %get3A_634, %add3A_635 : vector<16xi32>
        %swap3A_637 = arith.constant 5 : i32
        %swap3A_638 = arith.index_cast %swap3A_637 : i32 to index
        %swap3A_639 = arith.constant 96 : index
        %swap3A_640 = tpu.vector_load %arg7[%swap3A_638, %swap3A_639] {strides = array<i32>} : memref<8x128xi32, #tpu.memory_space<vmem>>, vector<1x16xi32>,
        %swap3A_641 = vector.shape_cast %swap3A_640 : vector<1x16xi32> to vector<16xi32>
        %swap3A_642 = vector.shape_cast %add3A_636 : vector<16xi32> to vector<1x16xi32>
        tpu.vector_store %arg7[%swap3A_638, %swap3A_639], %swap3A_642 {strides = array<i32>} : memref<8x128xi32, #tpu.memory_space<vmem>>, vector<1x16xi32>,
        %get3A_643 = arith.constant 5 : i32
        %get3A_644 = arith.index_cast %get3A_643 : i32 to index
        %get3A_645 = arith.constant 112 : index
        %get3A_646 = tpu.vector_load %arg7[%get3A_644, %get3A_645] {strides = array<i32>} : memref<8x128xi32, #tpu.memory_space<vmem>>, vector<1x16xi32>,
        %get3A_647 = vector.shape_cast %get3A_646 : vector<1x16xi32> to vector<16xi32>
        %add3A_648 = vector.broadcast %arg0 : i32 to vector<16xi32>
        %add3A_649 = arith.addi %get3A_647, %add3A_648 : vector<16xi32>
        %swap3A_650 = arith.constant 5 : i32
        %swap3A_651 = arith.index_cast %swap3A_650 : i32 to index
        %swap3A_652 = arith.constant 112 : index
        %swap3A_653 = tpu.vector_load %arg7[%swap3A_651, %swap3A_652] {strides = array<i32>} : memref<8x128xi32, #tpu.memory_space<vmem>>, vector<1x16xi32>,
        %swap3A_654 = vector.shape_cast %swap3A_653 : vector<1x16xi32> to vector<16xi32>
        %swap3A_655 = vector.shape_cast %add3A_649 : vector<16xi32> to vector<1x16xi32>
        tpu.vector_store %arg7[%swap3A_651, %swap3A_652], %swap3A_655 {strides = array<i32>} : memref<8x128xi32, #tpu.memory_space<vmem>>, vector<1x16xi32>,
        %get3A_656 = arith.constant 6 : i32
        %get3A_657 = arith.index_cast %get3A_656 : i32 to index
        %get3A_658 = arith.constant 0 : index
        %get3A_659 = tpu.vector_load %arg7[%get3A_657, %get3A_658] {strides = array<i32>} : memref<8x128xi32, #tpu.memory_space<vmem>>, vector<1x16xi32>,
        %get3A_660 = vector.shape_cast %get3A_659 : vector<1x16xi32> to vector<16xi32>
        %add3A_661 = vector.broadcast %arg0 : i32 to vector<16xi32>
        %add3A_662 = arith.addi %get3A_660, %add3A_661 : vector<16xi32>
        %swap3A_663 = arith.constant 6 : i32
        %swap3A_664 = arith.index_cast %swap3A_663 : i32 to index
        %swap3A_665 = arith.constant 0 : index
        %swap3A_666 = tpu.vector_load %arg7[%swap3A_664, %swap3A_665] {strides = array<i32>} : memref<8x128xi32, #tpu.memory_space<vmem>>, vector<1x16xi32>,
        %swap3A_667 = vector.shape_cast %swap3A_666 : vector<1x16xi32> to vector<16xi32>
        %swap3A_668 = vector.shape_cast %add3A_662 : vector<16xi32> to vector<1x16xi32>
        tpu.vector_store %arg7[%swap3A_664, %swap3A_665], %swap3A_668 {strides = array<i32>} : memref<8x128xi32, #tpu.memory_space<vmem>>, vector<1x16xi32>,
        %get3A_669 = arith.constant 6 : i32
        %get3A_670 = arith.index_cast %get3A_669 : i32 to index
        %get3A_671 = arith.constant 16 : index
        %get3A_672 = tpu.vector_load %arg7[%get3A_670, %get3A_671] {strides = array<i32>} : memref<8x128xi32, #tpu.memory_space<vmem>>, vector<1x16xi32>,
        %get3A_673 = vector.shape_cast %get3A_672 : vector<1x16xi32> to vector<16xi32>
        %add3A_674 = vector.broadcast %arg0 : i32 to vector<16xi32>
        %add3A_675 = arith.addi %get3A_673, %add3A_674 : vector<16xi32>
        %swap3A_676 = arith.constant 6 : i32
        %swap3A_677 = arith.index_cast %swap3A_676 : i32 to index
        %swap3A_678 = arith.constant 16 : index
        %swap3A_679 = tpu.vector_load %arg7[%swap3A_677, %swap3A_678] {strides = array<i32>} : memref<8x128xi32, #tpu.memory_space<vmem>>, vector<1x16xi32>,
        %swap3A_680 = vector.shape_cast %swap3A_679 : vector<1x16xi32> to vector<16xi32>
        %swap3A_681 = vector.shape_cast %add3A_675 : vector<16xi32> to vector<1x16xi32>
        tpu.vector_store %arg7[%swap3A_677, %swap3A_678], %swap3A_681 {strides = array<i32>} : memref<8x128xi32, #tpu.memory_space<vmem>>, vector<1x16xi32>,
        %get3A_682 = arith.constant 6 : i32
        %get3A_683 = arith.index_cast %get3A_682 : i32 to index
        %get3A_684 = arith.constant 32 : index
        %get3A_685 = tpu.vector_load %arg7[%get3A_683, %get3A_684] {strides = array<i32>} : memref<8x128xi32, #tpu.memory_space<vmem>>, vector<1x16xi32>,
        %get3A_686 = vector.shape_cast %get3A_685 : vector<1x16xi32> to vector<16xi32>
        %add3A_687 = vector.broadcast %arg0 : i32 to vector<16xi32>
        %add3A_688 = arith.addi %get3A_686, %add3A_687 : vector<16xi32>
        %swap3A_689 = arith.constant 6 : i32
        %swap3A_690 = arith.index_cast %swap3A_689 : i32 to index
        %swap3A_691 = arith.constant 32 : index
        %swap3A_692 = tpu.vector_load %arg7[%swap3A_690, %swap3A_691] {strides = array<i32>} : memref<8x128xi32, #tpu.memory_space<vmem>>, vector<1x16xi32>,
        %swap3A_693 = vector.shape_cast %swap3A_692 : vector<1x16xi32> to vector<16xi32>
        %swap3A_694 = vector.shape_cast %add3A_688 : vector<16xi32> to vector<1x16xi32>
        tpu.vector_store %arg7[%swap3A_690, %swap3A_691], %swap3A_694 {strides = array<i32>} : memref<8x128xi32, #tpu.memory_space<vmem>>, vector<1x16xi32>,
        %get3A_695 = arith.constant 6 : i32
        %get3A_696 = arith.index_cast %get3A_695 : i32 to index
        %get3A_697 = arith.constant 48 : index
        %get3A_698 = tpu.vector_load %arg7[%get3A_696, %get3A_697] {strides = array<i32>} : memref<8x128xi32, #tpu.memory_space<vmem>>, vector<1x16xi32>,
        %get3A_699 = vector.shape_cast %get3A_698 : vector<1x16xi32> to vector<16xi32>
        %add3A_700 = vector.broadcast %arg0 : i32 to vector<16xi32>
        %add3A_701 = arith.addi %get3A_699, %add3A_700 : vector<16xi32>
        %swap3A_702 = arith.constant 6 : i32
        %swap3A_703 = arith.index_cast %swap3A_702 : i32 to index
        %swap3A_704 = arith.constant 48 : index
        %swap3A_705 = tpu.vector_load %arg7[%swap3A_703, %swap3A_704] {strides = array<i32>} : memref<8x128xi32, #tpu.memory_space<vmem>>, vector<1x16xi32>,
        %swap3A_706 = vector.shape_cast %swap3A_705 : vector<1x16xi32> to vector<16xi32>
        %swap3A_707 = vector.shape_cast %add3A_701 : vector<16xi32> to vector<1x16xi32>
        tpu.vector_store %arg7[%swap3A_703, %swap3A_704], %swap3A_707 {strides = array<i32>} : memref<8x128xi32, #tpu.memory_space<vmem>>, vector<1x16xi32>,
        %get3A_708 = arith.constant 6 : i32
        %get3A_709 = arith.index_cast %get3A_708 : i32 to index
        %get3A_710 = arith.constant 64 : index
        %get3A_711 = tpu.vector_load %arg7[%get3A_709, %get3A_710] {strides = array<i32>} : memref<8x128xi32, #tpu.memory_space<vmem>>, vector<1x16xi32>,
        %get3A_712 = vector.shape_cast %get3A_711 : vector<1x16xi32> to vector<16xi32>
        %add3A_713 = vector.broadcast %arg0 : i32 to vector<16xi32>
        %add3A_714 = arith.addi %get3A_712, %add3A_713 : vector<16xi32>
        %swap3A_715 = arith.constant 6 : i32
        %swap3A_716 = arith.index_cast %swap3A_715 : i32 to index
        %swap3A_717 = arith.constant 64 : index
        %swap3A_718 = tpu.vector_load %arg7[%swap3A_716, %swap3A_717] {strides = array<i32>} : memref<8x128xi32, #tpu.memory_space<vmem>>, vector<1x16xi32>,
        %swap3A_719 = vector.shape_cast %swap3A_718 : vector<1x16xi32> to vector<16xi32>
        %swap3A_720 = vector.shape_cast %add3A_714 : vector<16xi32> to vector<1x16xi32>
        tpu.vector_store %arg7[%swap3A_716, %swap3A_717], %swap3A_720 {strides = array<i32>} : memref<8x128xi32, #tpu.memory_space<vmem>>, vector<1x16xi32>,
        %get3A_721 = arith.constant 6 : i32
        %get3A_722 = arith.index_cast %get3A_721 : i32 to index
        %get3A_723 = arith.constant 80 : index
        %get3A_724 = tpu.vector_load %arg7[%get3A_722, %get3A_723] {strides = array<i32>} : memref<8x128xi32, #tpu.memory_space<vmem>>, vector<1x16xi32>,
        %get3A_725 = vector.shape_cast %get3A_724 : vector<1x16xi32> to vector<16xi32>
        %add3A_726 = vector.broadcast %arg0 : i32 to vector<16xi32>
        %add3A_727 = arith.addi %get3A_725, %add3A_726 : vector<16xi32>
        %swap3A_728 = arith.constant 6 : i32
        %swap3A_729 = arith.index_cast %swap3A_728 : i32 to index
        %swap3A_730 = arith.constant 80 : index
        %swap3A_731 = tpu.vector_load %arg7[%swap3A_729, %swap3A_730] {strides = array<i32>} : memref<8x128xi32, #tpu.memory_space<vmem>>, vector<1x16xi32>,
        %swap3A_732 = vector.shape_cast %swap3A_731 : vector<1x16xi32> to vector<16xi32>
        %swap3A_733 = vector.shape_cast %add3A_727 : vector<16xi32> to vector<1x16xi32>
        tpu.vector_store %arg7[%swap3A_729, %swap3A_730], %swap3A_733 {strides = array<i32>} : memref<8x128xi32, #tpu.memory_space<vmem>>, vector<1x16xi32>,
        %get3A_734 = arith.constant 6 : i32
        %get3A_735 = arith.index_cast %get3A_734 : i32 to index
        %get3A_736 = arith.constant 96 : index
        %get3A_737 = tpu.vector_load %arg7[%get3A_735, %get3A_736] {strides = array<i32>} : memref<8x128xi32, #tpu.memory_space<vmem>>, vector<1x16xi32>,
        %get3A_738 = vector.shape_cast %get3A_737 : vector<1x16xi32> to vector<16xi32>
        %add3A_739 = vector.broadcast %arg0 : i32 to vector<16xi32>
        %add3A_740 = arith.addi %get3A_738, %add3A_739 : vector<16xi32>
        %swap3A_741 = arith.constant 6 : i32
        %swap3A_742 = arith.index_cast %swap3A_741 : i32 to index
        %swap3A_743 = arith.constant 96 : index
        %swap3A_744 = tpu.vector_load %arg7[%swap3A_742, %swap3A_743] {strides = array<i32>} : memref<8x128xi32, #tpu.memory_space<vmem>>, vector<1x16xi32>,
        %swap3A_745 = vector.shape_cast %swap3A_744 : vector<1x16xi32> to vector<16xi32>
        %swap3A_746 = vector.shape_cast %add3A_740 : vector<16xi32> to vector<1x16xi32>
        tpu.vector_store %arg7[%swap3A_742, %swap3A_743], %swap3A_746 {strides = array<i32>} : memref<8x128xi32, #tpu.memory_space<vmem>>, vector<1x16xi32>,
        %get3A_747 = arith.constant 6 : i32
        %get3A_748 = arith.index_cast %get3A_747 : i32 to index
        %get3A_749 = arith.constant 112 : index
        %get3A_750 = tpu.vector_load %arg7[%get3A_748, %get3A_749] {strides = array<i32>} : memref<8x128xi32, #tpu.memory_space<vmem>>, vector<1x16xi32>,
        %get3A_751 = vector.shape_cast %get3A_750 : vector<1x16xi32> to vector<16xi32>
        %add3A_752 = vector.broadcast %arg0 : i32 to vector<16xi32>
        %add3A_753 = arith.addi %get3A_751, %add3A_752 : vector<16xi32>
        %swap3A_754 = arith.constant 6 : i32
        %swap3A_755 = arith.index_cast %swap3A_754 : i32 to index
        %swap3A_756 = arith.constant 112 : index
        %swap3A_757 = tpu.vector_load %arg7[%swap3A_755, %swap3A_756] {strides = array<i32>} : memref<8x128xi32, #tpu.memory_space<vmem>>, vector<1x16xi32>,
        %swap3A_758 = vector.shape_cast %swap3A_757 : vector<1x16xi32> to vector<16xi32>
        %swap3A_759 = vector.shape_cast %add3A_753 : vector<16xi32> to vector<1x16xi32>
        tpu.vector_store %arg7[%swap3A_755, %swap3A_756], %swap3A_759 {strides = array<i32>} : memref<8x128xi32, #tpu.memory_space<vmem>>, vector<1x16xi32>,
        %get3A_760 = arith.constant 7 : i32
        %get3A_761 = arith.index_cast %get3A_760 : i32 to index
        %get3A_762 = arith.constant 0 : index
        %get3A_763 = tpu.vector_load %arg7[%get3A_761, %get3A_762] {strides = array<i32>} : memref<8x128xi32, #tpu.memory_space<vmem>>, vector<1x16xi32>,
        %get3A_764 = vector.shape_cast %get3A_763 : vector<1x16xi32> to vector<16xi32>
        %add3A_765 = vector.broadcast %arg0 : i32 to vector<16xi32>
        %add3A_766 = arith.addi %get3A_764, %add3A_765 : vector<16xi32>
        %swap3A_767 = arith.constant 7 : i32
        %swap3A_768 = arith.index_cast %swap3A_767 : i32 to index
        %swap3A_769 = arith.constant 0 : index
        %swap3A_770 = tpu.vector_load %arg7[%swap3A_768, %swap3A_769] {strides = array<i32>} : memref<8x128xi32, #tpu.memory_space<vmem>>, vector<1x16xi32>,
        %swap3A_771 = vector.shape_cast %swap3A_770 : vector<1x16xi32> to vector<16xi32>
        %swap3A_772 = vector.shape_cast %add3A_766 : vector<16xi32> to vector<1x16xi32>
        tpu.vector_store %arg7[%swap3A_768, %swap3A_769], %swap3A_772 {strides = array<i32>} : memref<8x128xi32, #tpu.memory_space<vmem>>, vector<1x16xi32>,
        %get3A_773 = arith.constant 7 : i32
        %get3A_774 = arith.index_cast %get3A_773 : i32 to index
        %get3A_775 = arith.constant 16 : index
        %get3A_776 = tpu.vector_load %arg7[%get3A_774, %get3A_775] {strides = array<i32>} : memref<8x128xi32, #tpu.memory_space<vmem>>, vector<1x16xi32>,
        %get3A_777 = vector.shape_cast %get3A_776 : vector<1x16xi32> to vector<16xi32>
        %add3A_778 = vector.broadcast %arg0 : i32 to vector<16xi32>
        %add3A_779 = arith.addi %get3A_777, %add3A_778 : vector<16xi32>
        %swap3A_780 = arith.constant 7 : i32
        %swap3A_781 = arith.index_cast %swap3A_780 : i32 to index
        %swap3A_782 = arith.constant 16 : index
        %swap3A_783 = tpu.vector_load %arg7[%swap3A_781, %swap3A_782] {strides = array<i32>} : memref<8x128xi32, #tpu.memory_space<vmem>>, vector<1x16xi32>,
        %swap3A_784 = vector.shape_cast %swap3A_783 : vector<1x16xi32> to vector<16xi32>
        %swap3A_785 = vector.shape_cast %add3A_779 : vector<16xi32> to vector<1x16xi32>
        tpu.vector_store %arg7[%swap3A_781, %swap3A_782], %swap3A_785 {strides = array<i32>} : memref<8x128xi32, #tpu.memory_space<vmem>>, vector<1x16xi32>,
        %get3A_786 = arith.constant 7 : i32
        %get3A_787 = arith.index_cast %get3A_786 : i32 to index
        %get3A_788 = arith.constant 32 : index
        %get3A_789 = tpu.vector_load %arg7[%get3A_787, %get3A_788] {strides = array<i32>} : memref<8x128xi32, #tpu.memory_space<vmem>>, vector<1x16xi32>,
        %get3A_790 = vector.shape_cast %get3A_789 : vector<1x16xi32> to vector<16xi32>
        %add3A_791 = vector.broadcast %arg0 : i32 to vector<16xi32>
        %add3A_792 = arith.addi %get3A_790, %add3A_791 : vector<16xi32>
        %swap3A_793 = arith.constant 7 : i32
        %swap3A_794 = arith.index_cast %swap3A_793 : i32 to index
        %swap3A_795 = arith.constant 32 : index
        %swap3A_796 = tpu.vector_load %arg7[%swap3A_794, %swap3A_795] {strides = array<i32>} : memref<8x128xi32, #tpu.memory_space<vmem>>, vector<1x16xi32>,
        %swap3A_797 = vector.shape_cast %swap3A_796 : vector<1x16xi32> to vector<16xi32>
        %swap3A_798 = vector.shape_cast %add3A_792 : vector<16xi32> to vector<1x16xi32>
        tpu.vector_store %arg7[%swap3A_794, %swap3A_795], %swap3A_798 {strides = array<i32>} : memref<8x128xi32, #tpu.memory_space<vmem>>, vector<1x16xi32>,
        %get3A_799 = arith.constant 7 : i32
        %get3A_800 = arith.index_cast %get3A_799 : i32 to index
        %get3A_801 = arith.constant 48 : index
        %get3A_802 = tpu.vector_load %arg7[%get3A_800, %get3A_801] {strides = array<i32>} : memref<8x128xi32, #tpu.memory_space<vmem>>, vector<1x16xi32>,
        %get3A_803 = vector.shape_cast %get3A_802 : vector<1x16xi32> to vector<16xi32>
        %add3A_804 = vector.broadcast %arg0 : i32 to vector<16xi32>
        %add3A_805 = arith.addi %get3A_803, %add3A_804 : vector<16xi32>
        %swap3A_806 = arith.constant 7 : i32
        %swap3A_807 = arith.index_cast %swap3A_806 : i32 to index
        %swap3A_808 = arith.constant 48 : index
        %swap3A_809 = tpu.vector_load %arg7[%swap3A_807, %swap3A_808] {strides = array<i32>} : memref<8x128xi32, #tpu.memory_space<vmem>>, vector<1x16xi32>,
        %swap3A_810 = vector.shape_cast %swap3A_809 : vector<1x16xi32> to vector<16xi32>
        %swap3A_811 = vector.shape_cast %add3A_805 : vector<16xi32> to vector<1x16xi32>
        tpu.vector_store %arg7[%swap3A_807, %swap3A_808], %swap3A_811 {strides = array<i32>} : memref<8x128xi32, #tpu.memory_space<vmem>>, vector<1x16xi32>,
        %get3A_812 = arith.constant 7 : i32
        %get3A_813 = arith.index_cast %get3A_812 : i32 to index
        %get3A_814 = arith.constant 64 : index
        %get3A_815 = tpu.vector_load %arg7[%get3A_813, %get3A_814] {strides = array<i32>} : memref<8x128xi32, #tpu.memory_space<vmem>>, vector<1x16xi32>,
        %get3A_816 = vector.shape_cast %get3A_815 : vector<1x16xi32> to vector<16xi32>
        %add3A_817 = vector.broadcast %arg0 : i32 to vector<16xi32>
        %add3A_818 = arith.addi %get3A_816, %add3A_817 : vector<16xi32>
        %swap3A_819 = arith.constant 7 : i32
        %swap3A_820 = arith.index_cast %swap3A_819 : i32 to index
        %swap3A_821 = arith.constant 64 : index
        %swap3A_822 = tpu.vector_load %arg7[%swap3A_820, %swap3A_821] {strides = array<i32>} : memref<8x128xi32, #tpu.memory_space<vmem>>, vector<1x16xi32>,
        %swap3A_823 = vector.shape_cast %swap3A_822 : vector<1x16xi32> to vector<16xi32>
        %swap3A_824 = vector.shape_cast %add3A_818 : vector<16xi32> to vector<1x16xi32>
        tpu.vector_store %arg7[%swap3A_820, %swap3A_821], %swap3A_824 {strides = array<i32>} : memref<8x128xi32, #tpu.memory_space<vmem>>, vector<1x16xi32>,
        %get3A_825 = arith.constant 7 : i32
        %get3A_826 = arith.index_cast %get3A_825 : i32 to index
        %get3A_827 = arith.constant 80 : index
        %get3A_828 = tpu.vector_load %arg7[%get3A_826, %get3A_827] {strides = array<i32>} : memref<8x128xi32, #tpu.memory_space<vmem>>, vector<1x16xi32>,
        %get3A_829 = vector.shape_cast %get3A_828 : vector<1x16xi32> to vector<16xi32>
        %add3A_830 = vector.broadcast %arg0 : i32 to vector<16xi32>
        %add3A_831 = arith.addi %get3A_829, %add3A_830 : vector<16xi32>
        %swap3A_832 = arith.constant 7 : i32
        %swap3A_833 = arith.index_cast %swap3A_832 : i32 to index
        %swap3A_834 = arith.constant 80 : index
        %swap3A_835 = tpu.vector_load %arg7[%swap3A_833, %swap3A_834] {strides = array<i32>} : memref<8x128xi32, #tpu.memory_space<vmem>>, vector<1x16xi32>,
        %swap3A_836 = vector.shape_cast %swap3A_835 : vector<1x16xi32> to vector<16xi32>
        %swap3A_837 = vector.shape_cast %add3A_831 : vector<16xi32> to vector<1x16xi32>
        tpu.vector_store %arg7[%swap3A_833, %swap3A_834], %swap3A_837 {strides = array<i32>} : memref<8x128xi32, #tpu.memory_space<vmem>>, vector<1x16xi32>,
        %get3A_838 = arith.constant 7 : i32
        %get3A_839 = arith.index_cast %get3A_838 : i32 to index
        %get3A_840 = arith.constant 96 : index
        %get3A_841 = tpu.vector_load %arg7[%get3A_839, %get3A_840] {strides = array<i32>} : memref<8x128xi32, #tpu.memory_space<vmem>>, vector<1x16xi32>,
        %get3A_842 = vector.shape_cast %get3A_841 : vector<1x16xi32> to vector<16xi32>
        %add3A_843 = vector.broadcast %arg0 : i32 to vector<16xi32>
        %add3A_844 = arith.addi %get3A_842, %add3A_843 : vector<16xi32>
        %swap3A_845 = arith.constant 7 : i32
        %swap3A_846 = arith.index_cast %swap3A_845 : i32 to index
        %swap3A_847 = arith.constant 96 : index
        %swap3A_848 = tpu.vector_load %arg7[%swap3A_846, %swap3A_847] {strides = array<i32>} : memref<8x128xi32, #tpu.memory_space<vmem>>, vector<1x16xi32>,
        %swap3A_849 = vector.shape_cast %swap3A_848 : vector<1x16xi32> to vector<16xi32>
        %swap3A_850 = vector.shape_cast %add3A_844 : vector<16xi32> to vector<1x16xi32>
        tpu.vector_store %arg7[%swap3A_846, %swap3A_847], %swap3A_850 {strides = array<i32>} : memref<8x128xi32, #tpu.memory_space<vmem>>, vector<1x16xi32>,
        %get3A_851 = arith.constant 7 : i32
        %get3A_852 = arith.index_cast %get3A_851 : i32 to index
        %get3A_853 = arith.constant 112 : index
        %get3A_854 = tpu.vector_load %arg7[%get3A_852, %get3A_853] {strides = array<i32>} : memref<8x128xi32, #tpu.memory_space<vmem>>, vector<1x16xi32>,
        %get3A_855 = vector.shape_cast %get3A_854 : vector<1x16xi32> to vector<16xi32>
        %add3A_856 = vector.broadcast %arg0 : i32 to vector<16xi32>
        %add3A_857 = arith.addi %get3A_855, %add3A_856 : vector<16xi32>
        %swap3A_858 = arith.constant 7 : i32
        %swap3A_859 = arith.index_cast %swap3A_858 : i32 to index
        %swap3A_860 = arith.constant 112 : index
        %swap3A_861 = tpu.vector_load %arg7[%swap3A_859, %swap3A_860] {strides = array<i32>} : memref<8x128xi32, #tpu.memory_space<vmem>>, vector<1x16xi32>,
        %swap3A_862 = vector.shape_cast %swap3A_861 : vector<1x16xi32> to vector<16xi32>
        %swap3A_863 = vector.shape_cast %add3A_857 : vector<16xi32> to vector<1x16xi32>
        tpu.vector_store %arg7[%swap3A_859, %swap3A_860], %swap3A_863 {strides = array<i32>} : memref<8x128xi32, #tpu.memory_space<vmem>>, vector<1x16xi32>,
        %dma_start3A = arith.constant 0 : i32
        %dma_start3A_864 = arith.constant 0 : i32
        %dma_start3A_865 = tpu.memref_slice %arg7[%dma_start3A, %dma_start3A_864] : memref<8x128xi32, #tpu.memory_space<vmem>> -> memref<1x128xi32, #tpu.memory_space<vmem>>
        %dma_start3A_866 = tpu.memref_squeeze %dma_start3A_865 : memref<1x128xi32, #tpu.memory_space<vmem>> -> memref<128xi32, #tpu.memory_space<vmem>>
        %dma_start3A_867 = arith.constant 0 : i32
        %dma_start3A_868 = arith.constant 0 : i32
        %dma_start3A_869 = tpu.memref_slice %arg2[%dma_start3A_867, %dma_start3A_868] : memref<20000x128xf32, #tpu.memory_space<hbm>> -> memref<20000x128xf32, #tpu.memory_space<hbm>>
        tpu.enqueue_indirect_dma source(%dma_start3A_869 : memref<20000x128xf32, #tpu.memory_space<hbm>>) target(%arg9 : memref<128x128xf32, #tpu.memory_space<vmem>>) offsets(%dma_start3A_866 : memref<128xi32, #tpu.memory_space<vmem>>) semaphore(%arg11 : memref<!tpu.dma_semaphore, #tpu.memory_space<semaphore_mem>>)
        %dma_start3A_870 = arith.constant 1 : i32
        %dma_start3A_871 = arith.constant 0 : i32
        %dma_start3A_872 = tpu.memref_slice %arg7[%dma_start3A_870, %dma_start3A_871] : memref<8x128xi32, #tpu.memory_space<vmem>> -> memref<1x128xi32, #tpu.memory_space<vmem>>
        %dma_start3A_873 = tpu.memref_squeeze %dma_start3A_872 : memref<1x128xi32, #tpu.memory_space<vmem>> -> memref<128xi32, #tpu.memory_space<vmem>>
        %dma_start3A_874 = arith.constant 0 : i32
        %dma_start3A_875 = arith.constant 0 : i32
        %dma_start3A_876 = tpu.memref_slice %arg2[%dma_start3A_874, %dma_start3A_875] : memref<20000x128xf32, #tpu.memory_space<hbm>> -> memref<20000x128xf32, #tpu.memory_space<hbm>>
        tpu.enqueue_indirect_dma source(%dma_start3A_876 : memref<20000x128xf32, #tpu.memory_space<hbm>>) target(%arg10 : memref<128x128xf32, #tpu.memory_space<vmem>>) offsets(%dma_start3A_873 : memref<128xi32, #tpu.memory_space<vmem>>) semaphore(%arg12 : memref<!tpu.dma_semaphore, #tpu.memory_space<semaphore_mem>>)
        %dma_wait3A = arith.constant 0 : i32
        %dma_wait3A_877 = arith.constant 0 : i32
        %dma_wait3A_878 = tpu.memref_slice %arg7[%dma_wait3A, %dma_wait3A_877] : memref<8x128xi32, #tpu.memory_space<vmem>> -> memref<1x128xi32, #tpu.memory_space<vmem>>
        %dma_wait3A_879 = tpu.memref_squeeze %dma_wait3A_878 : memref<1x128xi32, #tpu.memory_space<vmem>> -> memref<128xi32, #tpu.memory_space<vmem>>
        %dma_wait3A_880 = arith.constant 0 : i32
        %dma_wait3A_881 = arith.constant 0 : i32
        %dma_wait3A_882 = tpu.memref_slice %arg2[%dma_wait3A_880, %dma_wait3A_881] : memref<20000x128xf32, #tpu.memory_space<hbm>> -> memref<20000x128xf32, #tpu.memory_space<hbm>>
        tpu.wait_indirect_dma semaphore(%arg11 : memref<!tpu.dma_semaphore, #tpu.memory_space<semaphore_mem>>) src(%dma_wait3A_882 : memref<20000x128xf32, #tpu.memory_space<hbm>>) dst(%arg9 : memref<128x128xf32, #tpu.memory_space<vmem>>)
        %dma_start3A_883 = arith.constant 0 : i32
        %dma_start3A_884 = arith.constant 0 : i32
        %dma_start3A_885 = tpu.memref_slice %arg8[%dma_start3A_883, %dma_start3A_884] : memref<8x128xi32, #tpu.memory_space<vmem>> -> memref<1x128xi32, #tpu.memory_space<vmem>>
        %dma_start3A_886 = tpu.memref_squeeze %dma_start3A_885 : memref<1x128xi32, #tpu.memory_space<vmem>> -> memref<128xi32, #tpu.memory_space<vmem>>
        %dma_start3A_887 = arith.constant 0 : i32
        %dma_start3A_888 = arith.constant 0 : i32
        %dma_start3A_889 = tpu.memref_slice %arg15[%dma_start3A_887, %dma_start3A_888] : memref<10000x128xf32, #tpu.memory_space<vmem_shared>> -> memref<10000x128xf32, #tpu.memory_space<vmem_shared>>
        tpu.enqueue_indirect_dma source(%arg9 : memref<128x128xf32, #tpu.memory_space<vmem>>) target(%dma_start3A_889 : memref<10000x128xf32, #tpu.memory_space<vmem_shared>>) offsets(%dma_start3A_886 : memref<128xi32, #tpu.memory_space<vmem>>) semaphore(%arg13 : memref<!tpu.dma_semaphore, #tpu.memory_space<semaphore_mem>>) {add = true}
        %dma_wait3A_890 = arith.constant 0 : i32
        %dma_wait3A_891 = arith.constant 0 : i32
        %dma_wait3A_892 = tpu.memref_slice %arg8[%dma_wait3A_890, %dma_wait3A_891] : memref<8x128xi32, #tpu.memory_space<vmem>> -> memref<1x128xi32, #tpu.memory_space<vmem>>
        %dma_wait3A_893 = tpu.memref_squeeze %dma_wait3A_892 : memref<1x128xi32, #tpu.memory_space<vmem>> -> memref<128xi32, #tpu.memory_space<vmem>>
        %dma_wait3A_894 = arith.constant 0 : i32
        %dma_wait3A_895 = arith.constant 0 : i32
        %dma_wait3A_896 = tpu.memref_slice %arg15[%dma_wait3A_894, %dma_wait3A_895] : memref<10000x128xf32, #tpu.memory_space<vmem_shared>> -> memref<10000x128xf32, #tpu.memory_space<vmem_shared>>
        tpu.wait_indirect_dma semaphore(%arg13 : memref<!tpu.dma_semaphore, #tpu.memory_space<semaphore_mem>>) src(%arg9 : memref<128x128xf32, #tpu.memory_space<vmem>>) dst(%dma_wait3A_896 : memref<10000x128xf32, #tpu.memory_space<vmem_shared>>)
        %dma_start3A_897 = arith.constant 2 : i32
        %dma_start3A_898 = arith.constant 0 : i32
        %dma_start3A_899 = tpu.memref_slice %arg7[%dma_start3A_897, %dma_start3A_898] : memref<8x128xi32, #tpu.memory_space<vmem>> -> memref<1x128xi32, #tpu.memory_space<vmem>>
        %dma_start3A_900 = tpu.memref_squeeze %dma_start3A_899 : memref<1x128xi32, #tpu.memory_space<vmem>> -> memref<128xi32, #tpu.memory_space<vmem>>
        %dma_start3A_901 = arith.constant 0 : i32
        %dma_start3A_902 = arith.constant 0 : i32
        %dma_start3A_903 = tpu.memref_slice %arg2[%dma_start3A_901, %dma_start3A_902] : memref<20000x128xf32, #tpu.memory_space<hbm>> -> memref<20000x128xf32, #tpu.memory_space<hbm>>
        tpu.enqueue_indirect_dma source(%dma_start3A_903 : memref<20000x128xf32, #tpu.memory_space<hbm>>) target(%arg9 : memref<128x128xf32, #tpu.memory_space<vmem>>) offsets(%dma_start3A_900 : memref<128xi32, #tpu.memory_space<vmem>>) semaphore(%arg11 : memref<!tpu.dma_semaphore, #tpu.memory_space<semaphore_mem>>)
        %dma_wait3A_904 = arith.constant 1 : i32
        %dma_wait3A_905 = arith.constant 0 : i32
        %dma_wait3A_906 = tpu.memref_slice %arg7[%dma_wait3A_904, %dma_wait3A_905] : memref<8x128xi32, #tpu.memory_space<vmem>> -> memref<1x128xi32, #tpu.memory_space<vmem>>
        %dma_wait3A_907 = tpu.memref_squeeze %dma_wait3A_906 : memref<1x128xi32, #tpu.memory_space<vmem>> -> memref<128xi32, #tpu.memory_space<vmem>>
        %dma_wait3A_908 = arith.constant 0 : i32
        %dma_wait3A_909 = arith.constant 0 : i32
        %dma_wait3A_910 = tpu.memref_slice %arg2[%dma_wait3A_908, %dma_wait3A_909] : memref<20000x128xf32, #tpu.memory_space<hbm>> -> memref<20000x128xf32, #tpu.memory_space<hbm>>
        tpu.wait_indirect_dma semaphore(%arg12 : memref<!tpu.dma_semaphore, #tpu.memory_space<semaphore_mem>>) src(%dma_wait3A_910 : memref<20000x128xf32, #tpu.memory_space<hbm>>) dst(%arg10 : memref<128x128xf32, #tpu.memory_space<vmem>>)
        %dma_start3A_911 = arith.constant 1 : i32
        %dma_start3A_912 = arith.constant 0 : i32
        %dma_start3A_913 = tpu.memref_slice %arg8[%dma_start3A_911, %dma_start3A_912] : memref<8x128xi32, #tpu.memory_space<vmem>> -> memref<1x128xi32, #tpu.memory_space<vmem>>
        %dma_start3A_914 = tpu.memref_squeeze %dma_start3A_913 : memref<1x128xi32, #tpu.memory_space<vmem>> -> memref<128xi32, #tpu.memory_space<vmem>>
        %dma_start3A_915 = arith.constant 0 : i32
        %dma_start3A_916 = arith.constant 0 : i32
        %dma_start3A_917 = tpu.memref_slice %arg15[%dma_start3A_915, %dma_start3A_916] : memref<10000x128xf32, #tpu.memory_space<vmem_shared>> -> memref<10000x128xf32, #tpu.memory_space<vmem_shared>>
        tpu.enqueue_indirect_dma source(%arg10 : memref<128x128xf32, #tpu.memory_space<vmem>>) target(%dma_start3A_917 : memref<10000x128xf32, #tpu.memory_space<vmem_shared>>) offsets(%dma_start3A_914 : memref<128xi32, #tpu.memory_space<vmem>>) semaphore(%arg14 : memref<!tpu.dma_semaphore, #tpu.memory_space<semaphore_mem>>) {add = true}
        %dma_wait3A_918 = arith.constant 1 : i32
        %dma_wait3A_919 = arith.constant 0 : i32
        %dma_wait3A_920 = tpu.memref_slice %arg8[%dma_wait3A_918, %dma_wait3A_919] : memref<8x128xi32, #tpu.memory_space<vmem>> -> memref<1x128xi32, #tpu.memory_space<vmem>>
        %dma_wait3A_921 = tpu.memref_squeeze %dma_wait3A_920 : memref<1x128xi32, #tpu.memory_space<vmem>> -> memref<128xi32, #tpu.memory_space<vmem>>
        %dma_wait3A_922 = arith.constant 0 : i32
        %dma_wait3A_923 = arith.constant 0 : i32
        %dma_wait3A_924 = tpu.memref_slice %arg15[%dma_wait3A_922, %dma_wait3A_923] : memref<10000x128xf32, #tpu.memory_space<vmem_shared>> -> memref<10000x128xf32, #tpu.memory_space<vmem_shared>>
        tpu.wait_indirect_dma semaphore(%arg14 : memref<!tpu.dma_semaphore, #tpu.memory_space<semaphore_mem>>) src(%arg10 : memref<128x128xf32, #tpu.memory_space<vmem>>) dst(%dma_wait3A_924 : memref<10000x128xf32, #tpu.memory_space<vmem_shared>>)
        %dma_start3A_925 = arith.constant 3 : i32
        %dma_start3A_926 = arith.constant 0 : i32
        %dma_start3A_927 = tpu.memref_slice %arg7[%dma_start3A_925, %dma_start3A_926] : memref<8x128xi32, #tpu.memory_space<vmem>> -> memref<1x128xi32, #tpu.memory_space<vmem>>
        %dma_start3A_928 = tpu.memref_squeeze %dma_start3A_927 : memref<1x128xi32, #tpu.memory_space<vmem>> -> memref<128xi32, #tpu.memory_space<vmem>>
        %dma_start3A_929 = arith.constant 0 : i32
        %dma_start3A_930 = arith.constant 0 : i32
        %dma_start3A_931 = tpu.memref_slice %arg2[%dma_start3A_929, %dma_start3A_930] : memref<20000x128xf32, #tpu.memory_space<hbm>> -> memref<20000x128xf32, #tpu.memory_space<hbm>>
        tpu.enqueue_indirect_dma source(%dma_start3A_931 : memref<20000x128xf32, #tpu.memory_space<hbm>>) target(%arg10 : memref<128x128xf32, #tpu.memory_space<vmem>>) offsets(%dma_start3A_928 : memref<128xi32, #tpu.memory_space<vmem>>) semaphore(%arg12 : memref<!tpu.dma_semaphore, #tpu.memory_space<semaphore_mem>>)
        %dma_wait3A_932 = arith.constant 2 : i32
        %dma_wait3A_933 = arith.constant 0 : i32
        %dma_wait3A_934 = tpu.memref_slice %arg7[%dma_wait3A_932, %dma_wait3A_933] : memref<8x128xi32, #tpu.memory_space<vmem>> -> memref<1x128xi32, #tpu.memory_space<vmem>>
        %dma_wait3A_935 = tpu.memref_squeeze %dma_wait3A_934 : memref<1x128xi32, #tpu.memory_space<vmem>> -> memref<128xi32, #tpu.memory_space<vmem>>
        %dma_wait3A_936 = arith.constant 0 : i32
        %dma_wait3A_937 = arith.constant 0 : i32
        %dma_wait3A_938 = tpu.memref_slice %arg2[%dma_wait3A_936, %dma_wait3A_937] : memref<20000x128xf32, #tpu.memory_space<hbm>> -> memref<20000x128xf32, #tpu.memory_space<hbm>>
        tpu.wait_indirect_dma semaphore(%arg11 : memref<!tpu.dma_semaphore, #tpu.memory_space<semaphore_mem>>) src(%dma_wait3A_938 : memref<20000x128xf32, #tpu.memory_space<hbm>>) dst(%arg9 : memref<128x128xf32, #tpu.memory_space<vmem>>)
        %dma_start3A_939 = arith.constant 2 : i32
        %dma_start3A_940 = arith.constant 0 : i32
        %dma_start3A_941 = tpu.memref_slice %arg8[%dma_start3A_939, %dma_start3A_940] : memref<8x128xi32, #tpu.memory_space<vmem>> -> memref<1x128xi32, #tpu.memory_space<vmem>>
        %dma_start3A_942 = tpu.memref_squeeze %dma_start3A_941 : memref<1x128xi32, #tpu.memory_space<vmem>> -> memref<128xi32, #tpu.memory_space<vmem>>
        %dma_start3A_943 = arith.constant 0 : i32
        %dma_start3A_944 = arith.constant 0 : i32
        %dma_start3A_945 = tpu.memref_slice %arg15[%dma_start3A_943, %dma_start3A_944] : memref<10000x128xf32, #tpu.memory_space<vmem_shared>> -> memref<10000x128xf32, #tpu.memory_space<vmem_shared>>
        tpu.enqueue_indirect_dma source(%arg9 : memref<128x128xf32, #tpu.memory_space<vmem>>) target(%dma_start3A_945 : memref<10000x128xf32, #tpu.memory_space<vmem_shared>>) offsets(%dma_start3A_942 : memref<128xi32, #tpu.memory_space<vmem>>) semaphore(%arg13 : memref<!tpu.dma_semaphore, #tpu.memory_space<semaphore_mem>>) {add = true}
        %dma_wait3A_946 = arith.constant 2 : i32
        %dma_wait3A_947 = arith.constant 0 : i32
        %dma_wait3A_948 = tpu.memref_slice %arg8[%dma_wait3A_946, %dma_wait3A_947] : memref<8x128xi32, #tpu.memory_space<vmem>> -> memref<1x128xi32, #tpu.memory_space<vmem>>
        %dma_wait3A_949 = tpu.memref_squeeze %dma_wait3A_948 : memref<1x128xi32, #tpu.memory_space<vmem>> -> memref<128xi32, #tpu.memory_space<vmem>>
        %dma_wait3A_950 = arith.constant 0 : i32
        %dma_wait3A_951 = arith.constant 0 : i32
        %dma_wait3A_952 = tpu.memref_slice %arg15[%dma_wait3A_950, %dma_wait3A_951] : memref<10000x128xf32, #tpu.memory_space<vmem_shared>> -> memref<10000x128xf32, #tpu.memory_space<vmem_shared>>
        tpu.wait_indirect_dma semaphore(%arg13 : memref<!tpu.dma_semaphore, #tpu.memory_space<semaphore_mem>>) src(%arg9 : memref<128x128xf32, #tpu.memory_space<vmem>>) dst(%dma_wait3A_952 : memref<10000x128xf32, #tpu.memory_space<vmem_shared>>)
        %dma_start3A_953 = arith.constant 4 : i32
        %dma_start3A_954 = arith.constant 0 : i32
        %dma_start3A_955 = tpu.memref_slice %arg7[%dma_start3A_953, %dma_start3A_954] : memref<8x128xi32, #tpu.memory_space<vmem>> -> memref<1x128xi32, #tpu.memory_space<vmem>>
        %dma_start3A_956 = tpu.memref_squeeze %dma_start3A_955 : memref<1x128xi32, #tpu.memory_space<vmem>> -> memref<128xi32, #tpu.memory_space<vmem>>
        %dma_start3A_957 = arith.constant 0 : i32
        %dma_start3A_958 = arith.constant 0 : i32
        %dma_start3A_959 = tpu.memref_slice %arg2[%dma_start3A_957, %dma_start3A_958] : memref<20000x128xf32, #tpu.memory_space<hbm>> -> memref<20000x128xf32, #tpu.memory_space<hbm>>
        tpu.enqueue_indirect_dma source(%dma_start3A_959 : memref<20000x128xf32, #tpu.memory_space<hbm>>) target(%arg9 : memref<128x128xf32, #tpu.memory_space<vmem>>) offsets(%dma_start3A_956 : memref<128xi32, #tpu.memory_space<vmem>>) semaphore(%arg11 : memref<!tpu.dma_semaphore, #tpu.memory_space<semaphore_mem>>)
        %dma_wait3A_960 = arith.constant 3 : i32
        %dma_wait3A_961 = arith.constant 0 : i32
        %dma_wait3A_962 = tpu.memref_slice %arg7[%dma_wait3A_960, %dma_wait3A_961] : memref<8x128xi32, #tpu.memory_space<vmem>> -> memref<1x128xi32, #tpu.memory_space<vmem>>
        %dma_wait3A_963 = tpu.memref_squeeze %dma_wait3A_962 : memref<1x128xi32, #tpu.memory_space<vmem>> -> memref<128xi32, #tpu.memory_space<vmem>>
        %dma_wait3A_964 = arith.constant 0 : i32
        %dma_wait3A_965 = arith.constant 0 : i32
        %dma_wait3A_966 = tpu.memref_slice %arg2[%dma_wait3A_964, %dma_wait3A_965] : memref<20000x128xf32, #tpu.memory_space<hbm>> -> memref<20000x128xf32, #tpu.memory_space<hbm>>
        tpu.wait_indirect_dma semaphore(%arg12 : memref<!tpu.dma_semaphore, #tpu.memory_space<semaphore_mem>>) src(%dma_wait3A_966 : memref<20000x128xf32, #tpu.memory_space<hbm>>) dst(%arg10 : memref<128x128xf32, #tpu.memory_space<vmem>>)
        %dma_start3A_967 = arith.constant 3 : i32
        %dma_start3A_968 = arith.constant 0 : i32
        %dma_start3A_969 = tpu.memref_slice %arg8[%dma_start3A_967, %dma_start3A_968] : memref<8x128xi32, #tpu.memory_space<vmem>> -> memref<1x128xi32, #tpu.memory_space<vmem>>
        %dma_start3A_970 = tpu.memref_squeeze %dma_start3A_969 : memref<1x128xi32, #tpu.memory_space<vmem>> -> memref<128xi32, #tpu.memory_space<vmem>>
        %dma_start3A_971 = arith.constant 0 : i32
        %dma_start3A_972 = arith.constant 0 : i32
        %dma_start3A_973 = tpu.memref_slice %arg15[%dma_start3A_971, %dma_start3A_972] : memref<10000x128xf32, #tpu.memory_space<vmem_shared>> -> memref<10000x128xf32, #tpu.memory_space<vmem_shared>>
        tpu.enqueue_indirect_dma source(%arg10 : memref<128x128xf32, #tpu.memory_space<vmem>>) target(%dma_start3A_973 : memref<10000x128xf32, #tpu.memory_space<vmem_shared>>) offsets(%dma_start3A_970 : memref<128xi32, #tpu.memory_space<vmem>>) semaphore(%arg14 : memref<!tpu.dma_semaphore, #tpu.memory_space<semaphore_mem>>) {add = true}
        %dma_wait3A_974 = arith.constant 3 : i32
        %dma_wait3A_975 = arith.constant 0 : i32
        %dma_wait3A_976 = tpu.memref_slice %arg8[%dma_wait3A_974, %dma_wait3A_975] : memref<8x128xi32, #tpu.memory_space<vmem>> -> memref<1x128xi32, #tpu.memory_space<vmem>>
        %dma_wait3A_977 = tpu.memref_squeeze %dma_wait3A_976 : memref<1x128xi32, #tpu.memory_space<vmem>> -> memref<128xi32, #tpu.memory_space<vmem>>
        %dma_wait3A_978 = arith.constant 0 : i32
        %dma_wait3A_979 = arith.constant 0 : i32
        %dma_wait3A_980 = tpu.memref_slice %arg15[%dma_wait3A_978, %dma_wait3A_979] : memref<10000x128xf32, #tpu.memory_space<vmem_shared>> -> memref<10000x128xf32, #tpu.memory_space<vmem_shared>>
        tpu.wait_indirect_dma semaphore(%arg14 : memref<!tpu.dma_semaphore, #tpu.memory_space<semaphore_mem>>) src(%arg10 : memref<128x128xf32, #tpu.memory_space<vmem>>) dst(%dma_wait3A_980 : memref<10000x128xf32, #tpu.memory_space<vmem_shared>>)
        %dma_start3A_981 = arith.constant 5 : i32
        %dma_start3A_982 = arith.constant 0 : i32
        %dma_start3A_983 = tpu.memref_slice %arg7[%dma_start3A_981, %dma_start3A_982] : memref<8x128xi32, #tpu.memory_space<vmem>> -> memref<1x128xi32, #tpu.memory_space<vmem>>
        %dma_start3A_984 = tpu.memref_squeeze %dma_start3A_983 : memref<1x128xi32, #tpu.memory_space<vmem>> -> memref<128xi32, #tpu.memory_space<vmem>>
        %dma_start3A_985 = arith.constant 0 : i32
        %dma_start3A_986 = arith.constant 0 : i32
        %dma_start3A_987 = tpu.memref_slice %arg2[%dma_start3A_985, %dma_start3A_986] : memref<20000x128xf32, #tpu.memory_space<hbm>> -> memref<20000x128xf32, #tpu.memory_space<hbm>>
        tpu.enqueue_indirect_dma source(%dma_start3A_987 : memref<20000x128xf32, #tpu.memory_space<hbm>>) target(%arg10 : memref<128x128xf32, #tpu.memory_space<vmem>>) offsets(%dma_start3A_984 : memref<128xi32, #tpu.memory_space<vmem>>) semaphore(%arg12 : memref<!tpu.dma_semaphore, #tpu.memory_space<semaphore_mem>>)
        %dma_wait3A_988 = arith.constant 4 : i32
        %dma_wait3A_989 = arith.constant 0 : i32
        %dma_wait3A_990 = tpu.memref_slice %arg7[%dma_wait3A_988, %dma_wait3A_989] : memref<8x128xi32, #tpu.memory_space<vmem>> -> memref<1x128xi32, #tpu.memory_space<vmem>>
        %dma_wait3A_991 = tpu.memref_squeeze %dma_wait3A_990 : memref<1x128xi32, #tpu.memory_space<vmem>> -> memref<128xi32, #tpu.memory_space<vmem>>
        %dma_wait3A_992 = arith.constant 0 : i32
        %dma_wait3A_993 = arith.constant 0 : i32
        %dma_wait3A_994 = tpu.memref_slice %arg2[%dma_wait3A_992, %dma_wait3A_993] : memref<20000x128xf32, #tpu.memory_space<hbm>> -> memref<20000x128xf32, #tpu.memory_space<hbm>>
        tpu.wait_indirect_dma semaphore(%arg11 : memref<!tpu.dma_semaphore, #tpu.memory_space<semaphore_mem>>) src(%dma_wait3A_994 : memref<20000x128xf32, #tpu.memory_space<hbm>>) dst(%arg9 : memref<128x128xf32, #tpu.memory_space<vmem>>)
        %dma_start3A_995 = arith.constant 4 : i32
        %dma_start3A_996 = arith.constant 0 : i32
        %dma_start3A_997 = tpu.memref_slice %arg8[%dma_start3A_995, %dma_start3A_996] : memref<8x128xi32, #tpu.memory_space<vmem>> -> memref<1x128xi32, #tpu.memory_space<vmem>>
        %dma_start3A_998 = tpu.memref_squeeze %dma_start3A_997 : memref<1x128xi32, #tpu.memory_space<vmem>> -> memref<128xi32, #tpu.memory_space<vmem>>
        %dma_start3A_999 = arith.constant 0 : i32
        %dma_start3A_1000 = arith.constant 0 : i32
        %dma_start3A_1001 = tpu.memref_slice %arg15[%dma_start3A_999, %dma_start3A_1000] : memref<10000x128xf32, #tpu.memory_space<vmem_shared>> -> memref<10000x128xf32, #tpu.memory_space<vmem_shared>>
        tpu.enqueue_indirect_dma source(%arg9 : memref<128x128xf32, #tpu.memory_space<vmem>>) target(%dma_start3A_1001 : memref<10000x128xf32, #tpu.memory_space<vmem_shared>>) offsets(%dma_start3A_998 : memref<128xi32, #tpu.memory_space<vmem>>) semaphore(%arg13 : memref<!tpu.dma_semaphore, #tpu.memory_space<semaphore_mem>>) {add = true}
        %dma_wait3A_1002 = arith.constant 4 : i32
        %dma_wait3A_1003 = arith.constant 0 : i32
        %dma_wait3A_1004 = tpu.memref_slice %arg8[%dma_wait3A_1002, %dma_wait3A_1003] : memref<8x128xi32, #tpu.memory_space<vmem>> -> memref<1x128xi32, #tpu.memory_space<vmem>>
        %dma_wait3A_1005 = tpu.memref_squeeze %dma_wait3A_1004 : memref<1x128xi32, #tpu.memory_space<vmem>> -> memref<128xi32, #tpu.memory_space<vmem>>
        %dma_wait3A_1006 = arith.constant 0 : i32
        %dma_wait3A_1007 = arith.constant 0 : i32
        %dma_wait3A_1008 = tpu.memref_slice %arg15[%dma_wait3A_1006, %dma_wait3A_1007] : memref<10000x128xf32, #tpu.memory_space<vmem_shared>> -> memref<10000x128xf32, #tpu.memory_space<vmem_shared>>
        tpu.wait_indirect_dma semaphore(%arg13 : memref<!tpu.dma_semaphore, #tpu.memory_space<semaphore_mem>>) src(%arg9 : memref<128x128xf32, #tpu.memory_space<vmem>>) dst(%dma_wait3A_1008 : memref<10000x128xf32, #tpu.memory_space<vmem_shared>>)
        %dma_start3A_1009 = arith.constant 6 : i32
        %dma_start3A_1010 = arith.constant 0 : i32
        %dma_start3A_1011 = tpu.memref_slice %arg7[%dma_start3A_1009, %dma_start3A_1010] : memref<8x128xi32, #tpu.memory_space<vmem>> -> memref<1x128xi32, #tpu.memory_space<vmem>>
        %dma_start3A_1012 = tpu.memref_squeeze %dma_start3A_1011 : memref<1x128xi32, #tpu.memory_space<vmem>> -> memref<128xi32, #tpu.memory_space<vmem>>
        %dma_start3A_1013 = arith.constant 0 : i32
        %dma_start3A_1014 = arith.constant 0 : i32
        %dma_start3A_1015 = tpu.memref_slice %arg2[%dma_start3A_1013, %dma_start3A_1014] : memref<20000x128xf32, #tpu.memory_space<hbm>> -> memref<20000x128xf32, #tpu.memory_space<hbm>>
        tpu.enqueue_indirect_dma source(%dma_start3A_1015 : memref<20000x128xf32, #tpu.memory_space<hbm>>) target(%arg9 : memref<128x128xf32, #tpu.memory_space<vmem>>) offsets(%dma_start3A_1012 : memref<128xi32, #tpu.memory_space<vmem>>) semaphore(%arg11 : memref<!tpu.dma_semaphore, #tpu.memory_space<semaphore_mem>>)
        %dma_wait3A_1016 = arith.constant 5 : i32
        %dma_wait3A_1017 = arith.constant 0 : i32
        %dma_wait3A_1018 = tpu.memref_slice %arg7[%dma_wait3A_1016, %dma_wait3A_1017] : memref<8x128xi32, #tpu.memory_space<vmem>> -> memref<1x128xi32, #tpu.memory_space<vmem>>
        %dma_wait3A_1019 = tpu.memref_squeeze %dma_wait3A_1018 : memref<1x128xi32, #tpu.memory_space<vmem>> -> memref<128xi32, #tpu.memory_space<vmem>>
        %dma_wait3A_1020 = arith.constant 0 : i32
        %dma_wait3A_1021 = arith.constant 0 : i32
        %dma_wait3A_1022 = tpu.memref_slice %arg2[%dma_wait3A_1020, %dma_wait3A_1021] : memref<20000x128xf32, #tpu.memory_space<hbm>> -> memref<20000x128xf32, #tpu.memory_space<hbm>>
        tpu.wait_indirect_dma semaphore(%arg12 : memref<!tpu.dma_semaphore, #tpu.memory_space<semaphore_mem>>) src(%dma_wait3A_1022 : memref<20000x128xf32, #tpu.memory_space<hbm>>) dst(%arg10 : memref<128x128xf32, #tpu.memory_space<vmem>>)
        %dma_start3A_1023 = arith.constant 5 : i32
        %dma_start3A_1024 = arith.constant 0 : i32
        %dma_start3A_1025 = tpu.memref_slice %arg8[%dma_start3A_1023, %dma_start3A_1024] : memref<8x128xi32, #tpu.memory_space<vmem>> -> memref<1x128xi32, #tpu.memory_space<vmem>>
        %dma_start3A_1026 = tpu.memref_squeeze %dma_start3A_1025 : memref<1x128xi32, #tpu.memory_space<vmem>> -> memref<128xi32, #tpu.memory_space<vmem>>
        %dma_start3A_1027 = arith.constant 0 : i32
        %dma_start3A_1028 = arith.constant 0 : i32
        %dma_start3A_1029 = tpu.memref_slice %arg15[%dma_start3A_1027, %dma_start3A_1028] : memref<10000x128xf32, #tpu.memory_space<vmem_shared>> -> memref<10000x128xf32, #tpu.memory_space<vmem_shared>>
        tpu.enqueue_indirect_dma source(%arg10 : memref<128x128xf32, #tpu.memory_space<vmem>>) target(%dma_start3A_1029 : memref<10000x128xf32, #tpu.memory_space<vmem_shared>>) offsets(%dma_start3A_1026 : memref<128xi32, #tpu.memory_space<vmem>>) semaphore(%arg14 : memref<!tpu.dma_semaphore, #tpu.memory_space<semaphore_mem>>) {add = true}
        %dma_wait3A_1030 = arith.constant 5 : i32
        %dma_wait3A_1031 = arith.constant 0 : i32
        %dma_wait3A_1032 = tpu.memref_slice %arg8[%dma_wait3A_1030, %dma_wait3A_1031] : memref<8x128xi32, #tpu.memory_space<vmem>> -> memref<1x128xi32, #tpu.memory_space<vmem>>
        %dma_wait3A_1033 = tpu.memref_squeeze %dma_wait3A_1032 : memref<1x128xi32, #tpu.memory_space<vmem>> -> memref<128xi32, #tpu.memory_space<vmem>>
        %dma_wait3A_1034 = arith.constant 0 : i32
        %dma_wait3A_1035 = arith.constant 0 : i32
        %dma_wait3A_1036 = tpu.memref_slice %arg15[%dma_wait3A_1034, %dma_wait3A_1035] : memref<10000x128xf32, #tpu.memory_space<vmem_shared>> -> memref<10000x128xf32, #tpu.memory_space<vmem_shared>>
        tpu.wait_indirect_dma semaphore(%arg14 : memref<!tpu.dma_semaphore, #tpu.memory_space<semaphore_mem>>) src(%arg10 : memref<128x128xf32, #tpu.memory_space<vmem>>) dst(%dma_wait3A_1036 : memref<10000x128xf32, #tpu.memory_space<vmem_shared>>)
        %dma_start3A_1037 = arith.constant 7 : i32
        %dma_start3A_1038 = arith.constant 0 : i32
        %dma_start3A_1039 = tpu.memref_slice %arg7[%dma_start3A_1037, %dma_start3A_1038] : memref<8x128xi32, #tpu.memory_space<vmem>> -> memref<1x128xi32, #tpu.memory_space<vmem>>
        %dma_start3A_1040 = tpu.memref_squeeze %dma_start3A_1039 : memref<1x128xi32, #tpu.memory_space<vmem>> -> memref<128xi32, #tpu.memory_space<vmem>>
        %dma_start3A_1041 = arith.constant 0 : i32
        %dma_start3A_1042 = arith.constant 0 : i32
        %dma_start3A_1043 = tpu.memref_slice %arg2[%dma_start3A_1041, %dma_start3A_1042] : memref<20000x128xf32, #tpu.memory_space<hbm>> -> memref<20000x128xf32, #tpu.memory_space<hbm>>
        tpu.enqueue_indirect_dma source(%dma_start3A_1043 : memref<20000x128xf32, #tpu.memory_space<hbm>>) target(%arg10 : memref<128x128xf32, #tpu.memory_space<vmem>>) offsets(%dma_start3A_1040 : memref<128xi32, #tpu.memory_space<vmem>>) semaphore(%arg12 : memref<!tpu.dma_semaphore, #tpu.memory_space<semaphore_mem>>)
        %dma_wait3A_1044 = arith.constant 6 : i32
        %dma_wait3A_1045 = arith.constant 0 : i32
        %dma_wait3A_1046 = tpu.memref_slice %arg7[%dma_wait3A_1044, %dma_wait3A_1045] : memref<8x128xi32, #tpu.memory_space<vmem>> -> memref<1x128xi32, #tpu.memory_space<vmem>>
        %dma_wait3A_1047 = tpu.memref_squeeze %dma_wait3A_1046 : memref<1x128xi32, #tpu.memory_space<vmem>> -> memref<128xi32, #tpu.memory_space<vmem>>
        %dma_wait3A_1048 = arith.constant 0 : i32
        %dma_wait3A_1049 = arith.constant 0 : i32
        %dma_wait3A_1050 = tpu.memref_slice %arg2[%dma_wait3A_1048, %dma_wait3A_1049] : memref<20000x128xf32, #tpu.memory_space<hbm>> -> memref<20000x128xf32, #tpu.memory_space<hbm>>
        tpu.wait_indirect_dma semaphore(%arg11 : memref<!tpu.dma_semaphore, #tpu.memory_space<semaphore_mem>>) src(%dma_wait3A_1050 : memref<20000x128xf32, #tpu.memory_space<hbm>>) dst(%arg9 : memref<128x128xf32, #tpu.memory_space<vmem>>)
        %dma_start3A_1051 = arith.constant 6 : i32
        %dma_start3A_1052 = arith.constant 0 : i32
        %dma_start3A_1053 = tpu.memref_slice %arg8[%dma_start3A_1051, %dma_start3A_1052] : memref<8x128xi32, #tpu.memory_space<vmem>> -> memref<1x128xi32, #tpu.memory_space<vmem>>
        %dma_start3A_1054 = tpu.memref_squeeze %dma_start3A_1053 : memref<1x128xi32, #tpu.memory_space<vmem>> -> memref<128xi32, #tpu.memory_space<vmem>>
        %dma_start3A_1055 = arith.constant 0 : i32
        %dma_start3A_1056 = arith.constant 0 : i32
        %dma_start3A_1057 = tpu.memref_slice %arg15[%dma_start3A_1055, %dma_start3A_1056] : memref<10000x128xf32, #tpu.memory_space<vmem_shared>> -> memref<10000x128xf32, #tpu.memory_space<vmem_shared>>
        tpu.enqueue_indirect_dma source(%arg9 : memref<128x128xf32, #tpu.memory_space<vmem>>) target(%dma_start3A_1057 : memref<10000x128xf32, #tpu.memory_space<vmem_shared>>) offsets(%dma_start3A_1054 : memref<128xi32, #tpu.memory_space<vmem>>) semaphore(%arg13 : memref<!tpu.dma_semaphore, #tpu.memory_space<semaphore_mem>>) {add = true}
        %dma_wait3A_1058 = arith.constant 7 : i32
        %dma_wait3A_1059 = arith.constant 0 : i32
        %dma_wait3A_1060 = tpu.memref_slice %arg7[%dma_wait3A_1058, %dma_wait3A_1059] : memref<8x128xi32, #tpu.memory_space<vmem>> -> memref<1x128xi32, #tpu.memory_space<vmem>>
        %dma_wait3A_1061 = tpu.memref_squeeze %dma_wait3A_1060 : memref<1x128xi32, #tpu.memory_space<vmem>> -> memref<128xi32, #tpu.memory_space<vmem>>
        %dma_wait3A_1062 = arith.constant 0 : i32
        %dma_wait3A_1063 = arith.constant 0 : i32
        %dma_wait3A_1064 = tpu.memref_slice %arg2[%dma_wait3A_1062, %dma_wait3A_1063] : memref<20000x128xf32, #tpu.memory_space<hbm>> -> memref<20000x128xf32, #tpu.memory_space<hbm>>
        tpu.wait_indirect_dma semaphore(%arg12 : memref<!tpu.dma_semaphore, #tpu.memory_space<semaphore_mem>>) src(%dma_wait3A_1064 : memref<20000x128xf32, #tpu.memory_space<hbm>>) dst(%arg10 : memref<128x128xf32, #tpu.memory_space<vmem>>)
        %dma_start3A_1065 = arith.constant 7 : i32
        %dma_start3A_1066 = arith.constant 0 : i32
        %dma_start3A_1067 = tpu.memref_slice %arg8[%dma_start3A_1065, %dma_start3A_1066] : memref<8x128xi32, #tpu.memory_space<vmem>> -> memref<1x128xi32, #tpu.memory_space<vmem>>
        %dma_start3A_1068 = tpu.memref_squeeze %dma_start3A_1067 : memref<1x128xi32, #tpu.memory_space<vmem>> -> memref<128xi32, #tpu.memory_space<vmem>>
        %dma_start3A_1069 = arith.constant 0 : i32
        %dma_start3A_1070 = arith.constant 0 : i32
        %dma_start3A_1071 = tpu.memref_slice %arg15[%dma_start3A_1069, %dma_start3A_1070] : memref<10000x128xf32, #tpu.memory_space<vmem_shared>> -> memref<10000x128xf32, #tpu.memory_space<vmem_shared>>
        tpu.enqueue_indirect_dma source(%arg10 : memref<128x128xf32, #tpu.memory_space<vmem>>) target(%dma_start3A_1071 : memref<10000x128xf32, #tpu.memory_space<vmem_shared>>) offsets(%dma_start3A_1068 : memref<128xi32, #tpu.memory_space<vmem>>) semaphore(%arg14 : memref<!tpu.dma_semaphore, #tpu.memory_space<semaphore_mem>>) {add = true}
        %dma_wait3A_1072 = arith.constant 6 : i32
        %dma_wait3A_1073 = arith.constant 0 : i32
        %dma_wait3A_1074 = tpu.memref_slice %arg8[%dma_wait3A_1072, %dma_wait3A_1073] : memref<8x128xi32, #tpu.memory_space<vmem>> -> memref<1x128xi32, #tpu.memory_space<vmem>>
        %dma_wait3A_1075 = tpu.memref_squeeze %dma_wait3A_1074 : memref<1x128xi32, #tpu.memory_space<vmem>> -> memref<128xi32, #tpu.memory_space<vmem>>
        %dma_wait3A_1076 = arith.constant 0 : i32
        %dma_wait3A_1077 = arith.constant 0 : i32
        %dma_wait3A_1078 = tpu.memref_slice %arg15[%dma_wait3A_1076, %dma_wait3A_1077] : memref<10000x128xf32, #tpu.memory_space<vmem_shared>> -> memref<10000x128xf32, #tpu.memory_space<vmem_shared>>
        tpu.wait_indirect_dma semaphore(%arg13 : memref<!tpu.dma_semaphore, #tpu.memory_space<semaphore_mem>>) src(%arg9 : memref<128x128xf32, #tpu.memory_space<vmem>>) dst(%dma_wait3A_1078 : memref<10000x128xf32, #tpu.memory_space<vmem_shared>>)
        %dma_wait3A_1079 = arith.constant 7 : i32
        %dma_wait3A_1080 = arith.constant 0 : i32
        %dma_wait3A_1081 = tpu.memref_slice %arg8[%dma_wait3A_1079, %dma_wait3A_1080] : memref<8x128xi32, #tpu.memory_space<vmem>> -> memref<1x128xi32, #tpu.memory_space<vmem>>
        %dma_wait3A_1082 = tpu.memref_squeeze %dma_wait3A_1081 : memref<1x128xi32, #tpu.memory_space<vmem>> -> memref<128xi32, #tpu.memory_space<vmem>>
        %dma_wait3A_1083 = arith.constant 0 : i32
        %dma_wait3A_1084 = arith.constant 0 : i32
        %dma_wait3A_1085 = tpu.memref_slice %arg15[%dma_wait3A_1083, %dma_wait3A_1084] : memref<10000x128xf32, #tpu.memory_space<vmem_shared>> -> memref<10000x128xf32, #tpu.memory_space<vmem_shared>>
        tpu.wait_indirect_dma semaphore(%arg14 : memref<!tpu.dma_semaphore, #tpu.memory_space<semaphore_mem>>) src(%arg10 : memref<128x128xf32, #tpu.memory_space<vmem>>) dst(%dma_wait3A_1085 : memref<10000x128xf32, #tpu.memory_space<vmem_shared>>)
      } else {
      }
    }
    %scan3A_6 = arith.constant 10 : i32
    %eq3A_7 = arith.constant 15 : i32
    %eq3A_8 = arith.cmpi eq, %arg1, %eq3A_7 : i32
    %convert_element_type3A_9 = arith.extui %eq3A_8 : i1 to i32
    %cond3A_10 = arith.constant 0 : i32
    %cond3A_11 = arith.cmpi ne, %convert_element_type3A_9, %cond3A_10 : i32
    scf.if %cond3A_11 {
      "tpu.region"() ({
        %run_scoped3A = tpu.sem_alloc : memref<!tpu.dma_semaphore, #tpu.memory_space<semaphore_mem>>
        %dma_start3A_280 = arith.constant 0 : i32
        %dma_start3A_281 = arith.constant 0 : i32
        %dma_start3A_282 = tpu.memref_slice %arg7[%dma_start3A_280, %dma_start3A_281] : memref<8x128xi32, #tpu.memory_space<vmem>> -> memref<2x128xi32, #tpu.memory_space<vmem>>
        %dma_start3A_283 = arith.constant 1248 : i32
        %dma_start3A_284 = arith.constant 0 : i32
        %dma_start3A_285 = tpu.memref_slice %arg3[%dma_start3A_283, %dma_start3A_284] : memref<1250x128xi32, #tpu.memory_space<hbm>> -> memref<2x128xi32, #tpu.memory_space<hbm>>
        %dma_start3A_286 = arith.constant 0 : i32
        %dma_start3A_287 = arith.constant 0 : i32
        %dma_start3A_288 = tpu.memref_slice %arg7[%dma_start3A_286, %dma_start3A_287] : memref<8x128xi32, #tpu.memory_space<vmem>> -> memref<2x128xi32, #tpu.memory_space<vmem>>
        %dma_start3A_289 = arith.constant 1248 : i32
        %dma_start3A_290 = arith.constant 0 : i32
        %dma_start3A_291 = tpu.memref_slice %arg3[%dma_start3A_289, %dma_start3A_290] : memref<1250x128xi32, #tpu.memory_space<hbm>> -> memref<2x128xi32, #tpu.memory_space<hbm>>
        tpu.enqueue_dma source(%dma_start3A_291 : memref<2x128xi32, #tpu.memory_space<hbm>>) target(%dma_start3A_288 : memref<2x128xi32, #tpu.memory_space<vmem>>) target_semaphore(%run_scoped3A : memref<!tpu.dma_semaphore, #tpu.memory_space<semaphore_mem>>)
        %dma_wait3A_292 = arith.constant 0 : i32
        %dma_wait3A_293 = arith.constant 0 : i32
        %dma_wait3A_294 = tpu.memref_slice %arg7[%dma_wait3A_292, %dma_wait3A_293] : memref<8x128xi32, #tpu.memory_space<vmem>> -> memref<2x128xi32, #tpu.memory_space<vmem>>
        %dma_wait3A_295 = arith.constant 1248 : i32
        %dma_wait3A_296 = arith.constant 0 : i32
        %dma_wait3A_297 = tpu.memref_slice %arg3[%dma_wait3A_295, %dma_wait3A_296] : memref<1250x128xi32, #tpu.memory_space<hbm>> -> memref<2x128xi32, #tpu.memory_space<hbm>>
        %dma_wait3A_298 = arith.constant 0 : i32
        %dma_wait3A_299 = arith.constant 0 : i32
        %dma_wait3A_300 = tpu.memref_slice %arg7[%dma_wait3A_298, %dma_wait3A_299] : memref<8x128xi32, #tpu.memory_space<vmem>> -> memref<2x128xi32, #tpu.memory_space<vmem>>
        %dma_wait3A_301 = arith.constant 1248 : i32
        %dma_wait3A_302 = arith.constant 0 : i32
        %dma_wait3A_303 = tpu.memref_slice %arg3[%dma_wait3A_301, %dma_wait3A_302] : memref<1250x128xi32, #tpu.memory_space<hbm>> -> memref<2x128xi32, #tpu.memory_space<hbm>>
        tpu.wait_dma2 semaphore(%run_scoped3A : memref<!tpu.dma_semaphore, #tpu.memory_space<semaphore_mem>>) src(%dma_wait3A_303 : memref<2x128xi32, #tpu.memory_space<hbm>>) dst(%dma_wait3A_300 : memref<2x128xi32, #tpu.memory_space<vmem>>)
        tpu.yield
      }) : () -> ()
      "tpu.region"() ({
        %run_scoped3A = tpu.sem_alloc : memref<!tpu.dma_semaphore, #tpu.memory_space<semaphore_mem>>
        %dma_start3A_280 = arith.constant 0 : i32
        %dma_start3A_281 = arith.constant 0 : i32
        %dma_start3A_282 = tpu.memref_slice %arg8[%dma_start3A_280, %dma_start3A_281] : memref<8x128xi32, #tpu.memory_space<vmem>> -> memref<2x128xi32, #tpu.memory_space<vmem>>
        %dma_start3A_283 = arith.constant 1248 : i32
        %dma_start3A_284 = arith.constant 0 : i32
        %dma_start3A_285 = tpu.memref_slice %arg4[%dma_start3A_283, %dma_start3A_284] : memref<1250x128xi32, #tpu.memory_space<hbm>> -> memref<2x128xi32, #tpu.memory_space<hbm>>
        %dma_start3A_286 = arith.constant 0 : i32
        %dma_start3A_287 = arith.constant 0 : i32
        %dma_start3A_288 = tpu.memref_slice %arg8[%dma_start3A_286, %dma_start3A_287] : memref<8x128xi32, #tpu.memory_space<vmem>> -> memref<2x128xi32, #tpu.memory_space<vmem>>
        %dma_start3A_289 = arith.constant 1248 : i32
        %dma_start3A_290 = arith.constant 0 : i32
        %dma_start3A_291 = tpu.memref_slice %arg4[%dma_start3A_289, %dma_start3A_290] : memref<1250x128xi32, #tpu.memory_space<hbm>> -> memref<2x128xi32, #tpu.memory_space<hbm>>
        tpu.enqueue_dma source(%dma_start3A_291 : memref<2x128xi32, #tpu.memory_space<hbm>>) target(%dma_start3A_288 : memref<2x128xi32, #tpu.memory_space<vmem>>) target_semaphore(%run_scoped3A : memref<!tpu.dma_semaphore, #tpu.memory_space<semaphore_mem>>)
        %dma_wait3A_292 = arith.constant 0 : i32
        %dma_wait3A_293 = arith.constant 0 : i32
        %dma_wait3A_294 = tpu.memref_slice %arg8[%dma_wait3A_292, %dma_wait3A_293] : memref<8x128xi32, #tpu.memory_space<vmem>> -> memref<2x128xi32, #tpu.memory_space<vmem>>
        %dma_wait3A_295 = arith.constant 1248 : i32
        %dma_wait3A_296 = arith.constant 0 : i32
        %dma_wait3A_297 = tpu.memref_slice %arg4[%dma_wait3A_295, %dma_wait3A_296] : memref<1250x128xi32, #tpu.memory_space<hbm>> -> memref<2x128xi32, #tpu.memory_space<hbm>>
        %dma_wait3A_298 = arith.constant 0 : i32
        %dma_wait3A_299 = arith.constant 0 : i32
        %dma_wait3A_300 = tpu.memref_slice %arg8[%dma_wait3A_298, %dma_wait3A_299] : memref<8x128xi32, #tpu.memory_space<vmem>> -> memref<2x128xi32, #tpu.memory_space<vmem>>
        %dma_wait3A_301 = arith.constant 1248 : i32
        %dma_wait3A_302 = arith.constant 0 : i32
        %dma_wait3A_303 = tpu.memref_slice %arg4[%dma_wait3A_301, %dma_wait3A_302] : memref<1250x128xi32, #tpu.memory_space<hbm>> -> memref<2x128xi32, #tpu.memory_space<hbm>>
        tpu.wait_dma2 semaphore(%run_scoped3A : memref<!tpu.dma_semaphore, #tpu.memory_space<semaphore_mem>>) src(%dma_wait3A_303 : memref<2x128xi32, #tpu.memory_space<hbm>>) dst(%dma_wait3A_300 : memref<2x128xi32, #tpu.memory_space<vmem>>)
        tpu.yield
      }) : () -> ()
      %get3A = arith.constant 0 : i32
      %get3A_20 = arith.index_cast %get3A : i32 to index
      %get3A_21 = arith.constant 0 : index
      %get3A_22 = tpu.vector_load %arg7[%get3A_20, %get3A_21] {strides = array<i32>} : memref<8x128xi32, #tpu.memory_space<vmem>>, vector<1x16xi32>,
      %get3A_23 = vector.shape_cast %get3A_22 : vector<1x16xi32> to vector<16xi32>
      %add3A_24 = vector.broadcast %arg0 : i32 to vector<16xi32>
      %add3A_25 = arith.addi %get3A_23, %add3A_24 : vector<16xi32>
      %swap3A = arith.constant 0 : i32
      %swap3A_26 = arith.index_cast %swap3A : i32 to index
      %swap3A_27 = arith.constant 0 : index
      %swap3A_28 = tpu.vector_load %arg7[%swap3A_26, %swap3A_27] {strides = array<i32>} : memref<8x128xi32, #tpu.memory_space<vmem>>, vector<1x16xi32>,
      %swap3A_29 = vector.shape_cast %swap3A_28 : vector<1x16xi32> to vector<16xi32>
      %swap3A_30 = vector.shape_cast %add3A_25 : vector<16xi32> to vector<1x16xi32>
      tpu.vector_store %arg7[%swap3A_26, %swap3A_27], %swap3A_30 {strides = array<i32>} : memref<8x128xi32, #tpu.memory_space<vmem>>, vector<1x16xi32>,
      %get3A_31 = arith.constant 0 : i32
      %get3A_32 = arith.index_cast %get3A_31 : i32 to index
      %get3A_33 = arith.constant 16 : index
      %get3A_34 = tpu.vector_load %arg7[%get3A_32, %get3A_33] {strides = array<i32>} : memref<8x128xi32, #tpu.memory_space<vmem>>, vector<1x16xi32>,
      %get3A_35 = vector.shape_cast %get3A_34 : vector<1x16xi32> to vector<16xi32>
      %add3A_36 = vector.broadcast %arg0 : i32 to vector<16xi32>
      %add3A_37 = arith.addi %get3A_35, %add3A_36 : vector<16xi32>
      %swap3A_38 = arith.constant 0 : i32
      %swap3A_39 = arith.index_cast %swap3A_38 : i32 to index
      %swap3A_40 = arith.constant 16 : index
      %swap3A_41 = tpu.vector_load %arg7[%swap3A_39, %swap3A_40] {strides = array<i32>} : memref<8x128xi32, #tpu.memory_space<vmem>>, vector<1x16xi32>,
      %swap3A_42 = vector.shape_cast %swap3A_41 : vector<1x16xi32> to vector<16xi32>
      %swap3A_43 = vector.shape_cast %add3A_37 : vector<16xi32> to vector<1x16xi32>
      tpu.vector_store %arg7[%swap3A_39, %swap3A_40], %swap3A_43 {strides = array<i32>} : memref<8x128xi32, #tpu.memory_space<vmem>>, vector<1x16xi32>,
      %get3A_44 = arith.constant 0 : i32
      %get3A_45 = arith.index_cast %get3A_44 : i32 to index
      %get3A_46 = arith.constant 32 : index
      %get3A_47 = tpu.vector_load %arg7[%get3A_45, %get3A_46] {strides = array<i32>} : memref<8x128xi32, #tpu.memory_space<vmem>>, vector<1x16xi32>,
      %get3A_48 = vector.shape_cast %get3A_47 : vector<1x16xi32> to vector<16xi32>
      %add3A_49 = vector.broadcast %arg0 : i32 to vector<16xi32>
      %add3A_50 = arith.addi %get3A_48, %add3A_49 : vector<16xi32>
      %swap3A_51 = arith.constant 0 : i32
      %swap3A_52 = arith.index_cast %swap3A_51 : i32 to index
      %swap3A_53 = arith.constant 32 : index
      %swap3A_54 = tpu.vector_load %arg7[%swap3A_52, %swap3A_53] {strides = array<i32>} : memref<8x128xi32, #tpu.memory_space<vmem>>, vector<1x16xi32>,
      %swap3A_55 = vector.shape_cast %swap3A_54 : vector<1x16xi32> to vector<16xi32>
      %swap3A_56 = vector.shape_cast %add3A_50 : vector<16xi32> to vector<1x16xi32>
      tpu.vector_store %arg7[%swap3A_52, %swap3A_53], %swap3A_56 {strides = array<i32>} : memref<8x128xi32, #tpu.memory_space<vmem>>, vector<1x16xi32>,
      %get3A_57 = arith.constant 0 : i32
      %get3A_58 = arith.index_cast %get3A_57 : i32 to index
      %get3A_59 = arith.constant 48 : index
      %get3A_60 = tpu.vector_load %arg7[%get3A_58, %get3A_59] {strides = array<i32>} : memref<8x128xi32, #tpu.memory_space<vmem>>, vector<1x16xi32>,
      %get3A_61 = vector.shape_cast %get3A_60 : vector<1x16xi32> to vector<16xi32>
      %add3A_62 = vector.broadcast %arg0 : i32 to vector<16xi32>
      %add3A_63 = arith.addi %get3A_61, %add3A_62 : vector<16xi32>
      %swap3A_64 = arith.constant 0 : i32
      %swap3A_65 = arith.index_cast %swap3A_64 : i32 to index
      %swap3A_66 = arith.constant 48 : index
      %swap3A_67 = tpu.vector_load %arg7[%swap3A_65, %swap3A_66] {strides = array<i32>} : memref<8x128xi32, #tpu.memory_space<vmem>>, vector<1x16xi32>,
      %swap3A_68 = vector.shape_cast %swap3A_67 : vector<1x16xi32> to vector<16xi32>
      %swap3A_69 = vector.shape_cast %add3A_63 : vector<16xi32> to vector<1x16xi32>
      tpu.vector_store %arg7[%swap3A_65, %swap3A_66], %swap3A_69 {strides = array<i32>} : memref<8x128xi32, #tpu.memory_space<vmem>>, vector<1x16xi32>,
      %get3A_70 = arith.constant 0 : i32
      %get3A_71 = arith.index_cast %get3A_70 : i32 to index
      %get3A_72 = arith.constant 64 : index
      %get3A_73 = tpu.vector_load %arg7[%get3A_71, %get3A_72] {strides = array<i32>} : memref<8x128xi32, #tpu.memory_space<vmem>>, vector<1x16xi32>,
      %get3A_74 = vector.shape_cast %get3A_73 : vector<1x16xi32> to vector<16xi32>
      %add3A_75 = vector.broadcast %arg0 : i32 to vector<16xi32>
      %add3A_76 = arith.addi %get3A_74, %add3A_75 : vector<16xi32>
      %swap3A_77 = arith.constant 0 : i32
      %swap3A_78 = arith.index_cast %swap3A_77 : i32 to index
      %swap3A_79 = arith.constant 64 : index
      %swap3A_80 = tpu.vector_load %arg7[%swap3A_78, %swap3A_79] {strides = array<i32>} : memref<8x128xi32, #tpu.memory_space<vmem>>, vector<1x16xi32>,
      %swap3A_81 = vector.shape_cast %swap3A_80 : vector<1x16xi32> to vector<16xi32>
      %swap3A_82 = vector.shape_cast %add3A_76 : vector<16xi32> to vector<1x16xi32>
      tpu.vector_store %arg7[%swap3A_78, %swap3A_79], %swap3A_82 {strides = array<i32>} : memref<8x128xi32, #tpu.memory_space<vmem>>, vector<1x16xi32>,
      %get3A_83 = arith.constant 0 : i32
      %get3A_84 = arith.index_cast %get3A_83 : i32 to index
      %get3A_85 = arith.constant 80 : index
      %get3A_86 = tpu.vector_load %arg7[%get3A_84, %get3A_85] {strides = array<i32>} : memref<8x128xi32, #tpu.memory_space<vmem>>, vector<1x16xi32>,
      %get3A_87 = vector.shape_cast %get3A_86 : vector<1x16xi32> to vector<16xi32>
      %add3A_88 = vector.broadcast %arg0 : i32 to vector<16xi32>
      %add3A_89 = arith.addi %get3A_87, %add3A_88 : vector<16xi32>
      %swap3A_90 = arith.constant 0 : i32
      %swap3A_91 = arith.index_cast %swap3A_90 : i32 to index
      %swap3A_92 = arith.constant 80 : index
      %swap3A_93 = tpu.vector_load %arg7[%swap3A_91, %swap3A_92] {strides = array<i32>} : memref<8x128xi32, #tpu.memory_space<vmem>>, vector<1x16xi32>,
      %swap3A_94 = vector.shape_cast %swap3A_93 : vector<1x16xi32> to vector<16xi32>
      %swap3A_95 = vector.shape_cast %add3A_89 : vector<16xi32> to vector<1x16xi32>
      tpu.vector_store %arg7[%swap3A_91, %swap3A_92], %swap3A_95 {strides = array<i32>} : memref<8x128xi32, #tpu.memory_space<vmem>>, vector<1x16xi32>,
      %get3A_96 = arith.constant 0 : i32
      %get3A_97 = arith.index_cast %get3A_96 : i32 to index
      %get3A_98 = arith.constant 96 : index
      %get3A_99 = tpu.vector_load %arg7[%get3A_97, %get3A_98] {strides = array<i32>} : memref<8x128xi32, #tpu.memory_space<vmem>>, vector<1x16xi32>,
      %get3A_100 = vector.shape_cast %get3A_99 : vector<1x16xi32> to vector<16xi32>
      %add3A_101 = vector.broadcast %arg0 : i32 to vector<16xi32>
      %add3A_102 = arith.addi %get3A_100, %add3A_101 : vector<16xi32>
      %swap3A_103 = arith.constant 0 : i32
      %swap3A_104 = arith.index_cast %swap3A_103 : i32 to index
      %swap3A_105 = arith.constant 96 : index
      %swap3A_106 = tpu.vector_load %arg7[%swap3A_104, %swap3A_105] {strides = array<i32>} : memref<8x128xi32, #tpu.memory_space<vmem>>, vector<1x16xi32>,
      %swap3A_107 = vector.shape_cast %swap3A_106 : vector<1x16xi32> to vector<16xi32>
      %swap3A_108 = vector.shape_cast %add3A_102 : vector<16xi32> to vector<1x16xi32>
      tpu.vector_store %arg7[%swap3A_104, %swap3A_105], %swap3A_108 {strides = array<i32>} : memref<8x128xi32, #tpu.memory_space<vmem>>, vector<1x16xi32>,
      %get3A_109 = arith.constant 0 : i32
      %get3A_110 = arith.index_cast %get3A_109 : i32 to index
      %get3A_111 = arith.constant 112 : index
      %get3A_112 = tpu.vector_load %arg7[%get3A_110, %get3A_111] {strides = array<i32>} : memref<8x128xi32, #tpu.memory_space<vmem>>, vector<1x16xi32>,
      %get3A_113 = vector.shape_cast %get3A_112 : vector<1x16xi32> to vector<16xi32>
      %add3A_114 = vector.broadcast %arg0 : i32 to vector<16xi32>
      %add3A_115 = arith.addi %get3A_113, %add3A_114 : vector<16xi32>
      %swap3A_116 = arith.constant 0 : i32
      %swap3A_117 = arith.index_cast %swap3A_116 : i32 to index
      %swap3A_118 = arith.constant 112 : index
      %swap3A_119 = tpu.vector_load %arg7[%swap3A_117, %swap3A_118] {strides = array<i32>} : memref<8x128xi32, #tpu.memory_space<vmem>>, vector<1x16xi32>,
      %swap3A_120 = vector.shape_cast %swap3A_119 : vector<1x16xi32> to vector<16xi32>
      %swap3A_121 = vector.shape_cast %add3A_115 : vector<16xi32> to vector<1x16xi32>
      tpu.vector_store %arg7[%swap3A_117, %swap3A_118], %swap3A_121 {strides = array<i32>} : memref<8x128xi32, #tpu.memory_space<vmem>>, vector<1x16xi32>,
      %get3A_122 = arith.constant 1 : i32
      %get3A_123 = arith.index_cast %get3A_122 : i32 to index
      %get3A_124 = arith.constant 0 : index
      %get3A_125 = tpu.vector_load %arg7[%get3A_123, %get3A_124] {strides = array<i32>} : memref<8x128xi32, #tpu.memory_space<vmem>>, vector<1x16xi32>,
      %get3A_126 = vector.shape_cast %get3A_125 : vector<1x16xi32> to vector<16xi32>
      %add3A_127 = vector.broadcast %arg0 : i32 to vector<16xi32>
      %add3A_128 = arith.addi %get3A_126, %add3A_127 : vector<16xi32>
      %swap3A_129 = arith.constant 1 : i32
      %swap3A_130 = arith.index_cast %swap3A_129 : i32 to index
      %swap3A_131 = arith.constant 0 : index
      %swap3A_132 = tpu.vector_load %arg7[%swap3A_130, %swap3A_131] {strides = array<i32>} : memref<8x128xi32, #tpu.memory_space<vmem>>, vector<1x16xi32>,
      %swap3A_133 = vector.shape_cast %swap3A_132 : vector<1x16xi32> to vector<16xi32>
      %swap3A_134 = vector.shape_cast %add3A_128 : vector<16xi32> to vector<1x16xi32>
      tpu.vector_store %arg7[%swap3A_130, %swap3A_131], %swap3A_134 {strides = array<i32>} : memref<8x128xi32, #tpu.memory_space<vmem>>, vector<1x16xi32>,
      %get3A_135 = arith.constant 1 : i32
      %get3A_136 = arith.index_cast %get3A_135 : i32 to index
      %get3A_137 = arith.constant 16 : index
      %get3A_138 = tpu.vector_load %arg7[%get3A_136, %get3A_137] {strides = array<i32>} : memref<8x128xi32, #tpu.memory_space<vmem>>, vector<1x16xi32>,
      %get3A_139 = vector.shape_cast %get3A_138 : vector<1x16xi32> to vector<16xi32>
      %add3A_140 = vector.broadcast %arg0 : i32 to vector<16xi32>
      %add3A_141 = arith.addi %get3A_139, %add3A_140 : vector<16xi32>
      %swap3A_142 = arith.constant 1 : i32
      %swap3A_143 = arith.index_cast %swap3A_142 : i32 to index
      %swap3A_144 = arith.constant 16 : index
      %swap3A_145 = tpu.vector_load %arg7[%swap3A_143, %swap3A_144] {strides = array<i32>} : memref<8x128xi32, #tpu.memory_space<vmem>>, vector<1x16xi32>,
      %swap3A_146 = vector.shape_cast %swap3A_145 : vector<1x16xi32> to vector<16xi32>
      %swap3A_147 = vector.shape_cast %add3A_141 : vector<16xi32> to vector<1x16xi32>
      tpu.vector_store %arg7[%swap3A_143, %swap3A_144], %swap3A_147 {strides = array<i32>} : memref<8x128xi32, #tpu.memory_space<vmem>>, vector<1x16xi32>,
      %get3A_148 = arith.constant 1 : i32
      %get3A_149 = arith.index_cast %get3A_148 : i32 to index
      %get3A_150 = arith.constant 32 : index
      %get3A_151 = tpu.vector_load %arg7[%get3A_149, %get3A_150] {strides = array<i32>} : memref<8x128xi32, #tpu.memory_space<vmem>>, vector<1x16xi32>,
      %get3A_152 = vector.shape_cast %get3A_151 : vector<1x16xi32> to vector<16xi32>
      %add3A_153 = vector.broadcast %arg0 : i32 to vector<16xi32>
      %add3A_154 = arith.addi %get3A_152, %add3A_153 : vector<16xi32>
      %swap3A_155 = arith.constant 1 : i32
      %swap3A_156 = arith.index_cast %swap3A_155 : i32 to index
      %swap3A_157 = arith.constant 32 : index
      %swap3A_158 = tpu.vector_load %arg7[%swap3A_156, %swap3A_157] {strides = array<i32>} : memref<8x128xi32, #tpu.memory_space<vmem>>, vector<1x16xi32>,
      %swap3A_159 = vector.shape_cast %swap3A_158 : vector<1x16xi32> to vector<16xi32>
      %swap3A_160 = vector.shape_cast %add3A_154 : vector<16xi32> to vector<1x16xi32>
      tpu.vector_store %arg7[%swap3A_156, %swap3A_157], %swap3A_160 {strides = array<i32>} : memref<8x128xi32, #tpu.memory_space<vmem>>, vector<1x16xi32>,
      %get3A_161 = arith.constant 1 : i32
      %get3A_162 = arith.index_cast %get3A_161 : i32 to index
      %get3A_163 = arith.constant 48 : index
      %get3A_164 = tpu.vector_load %arg7[%get3A_162, %get3A_163] {strides = array<i32>} : memref<8x128xi32, #tpu.memory_space<vmem>>, vector<1x16xi32>,
      %get3A_165 = vector.shape_cast %get3A_164 : vector<1x16xi32> to vector<16xi32>
      %add3A_166 = vector.broadcast %arg0 : i32 to vector<16xi32>
      %add3A_167 = arith.addi %get3A_165, %add3A_166 : vector<16xi32>
      %swap3A_168 = arith.constant 1 : i32
      %swap3A_169 = arith.index_cast %swap3A_168 : i32 to index
      %swap3A_170 = arith.constant 48 : index
      %swap3A_171 = tpu.vector_load %arg7[%swap3A_169, %swap3A_170] {strides = array<i32>} : memref<8x128xi32, #tpu.memory_space<vmem>>, vector<1x16xi32>,
      %swap3A_172 = vector.shape_cast %swap3A_171 : vector<1x16xi32> to vector<16xi32>
      %swap3A_173 = vector.shape_cast %add3A_167 : vector<16xi32> to vector<1x16xi32>
      tpu.vector_store %arg7[%swap3A_169, %swap3A_170], %swap3A_173 {strides = array<i32>} : memref<8x128xi32, #tpu.memory_space<vmem>>, vector<1x16xi32>,
      %get3A_174 = arith.constant 1 : i32
      %get3A_175 = arith.index_cast %get3A_174 : i32 to index
      %get3A_176 = arith.constant 64 : index
      %get3A_177 = tpu.vector_load %arg7[%get3A_175, %get3A_176] {strides = array<i32>} : memref<8x128xi32, #tpu.memory_space<vmem>>, vector<1x16xi32>,
      %get3A_178 = vector.shape_cast %get3A_177 : vector<1x16xi32> to vector<16xi32>
      %add3A_179 = vector.broadcast %arg0 : i32 to vector<16xi32>
      %add3A_180 = arith.addi %get3A_178, %add3A_179 : vector<16xi32>
      %swap3A_181 = arith.constant 1 : i32
      %swap3A_182 = arith.index_cast %swap3A_181 : i32 to index
      %swap3A_183 = arith.constant 64 : index
      %swap3A_184 = tpu.vector_load %arg7[%swap3A_182, %swap3A_183] {strides = array<i32>} : memref<8x128xi32, #tpu.memory_space<vmem>>, vector<1x16xi32>,
      %swap3A_185 = vector.shape_cast %swap3A_184 : vector<1x16xi32> to vector<16xi32>
      %swap3A_186 = vector.shape_cast %add3A_180 : vector<16xi32> to vector<1x16xi32>
      tpu.vector_store %arg7[%swap3A_182, %swap3A_183], %swap3A_186 {strides = array<i32>} : memref<8x128xi32, #tpu.memory_space<vmem>>, vector<1x16xi32>,
      %get3A_187 = arith.constant 1 : i32
      %get3A_188 = arith.index_cast %get3A_187 : i32 to index
      %get3A_189 = arith.constant 80 : index
      %get3A_190 = tpu.vector_load %arg7[%get3A_188, %get3A_189] {strides = array<i32>} : memref<8x128xi32, #tpu.memory_space<vmem>>, vector<1x16xi32>,
      %get3A_191 = vector.shape_cast %get3A_190 : vector<1x16xi32> to vector<16xi32>
      %add3A_192 = vector.broadcast %arg0 : i32 to vector<16xi32>
      %add3A_193 = arith.addi %get3A_191, %add3A_192 : vector<16xi32>
      %swap3A_194 = arith.constant 1 : i32
      %swap3A_195 = arith.index_cast %swap3A_194 : i32 to index
      %swap3A_196 = arith.constant 80 : index
      %swap3A_197 = tpu.vector_load %arg7[%swap3A_195, %swap3A_196] {strides = array<i32>} : memref<8x128xi32, #tpu.memory_space<vmem>>, vector<1x16xi32>,
      %swap3A_198 = vector.shape_cast %swap3A_197 : vector<1x16xi32> to vector<16xi32>
      %swap3A_199 = vector.shape_cast %add3A_193 : vector<16xi32> to vector<1x16xi32>
      tpu.vector_store %arg7[%swap3A_195, %swap3A_196], %swap3A_199 {strides = array<i32>} : memref<8x128xi32, #tpu.memory_space<vmem>>, vector<1x16xi32>,
      %get3A_200 = arith.constant 1 : i32
      %get3A_201 = arith.index_cast %get3A_200 : i32 to index
      %get3A_202 = arith.constant 96 : index
      %get3A_203 = tpu.vector_load %arg7[%get3A_201, %get3A_202] {strides = array<i32>} : memref<8x128xi32, #tpu.memory_space<vmem>>, vector<1x16xi32>,
      %get3A_204 = vector.shape_cast %get3A_203 : vector<1x16xi32> to vector<16xi32>
      %add3A_205 = vector.broadcast %arg0 : i32 to vector<16xi32>
      %add3A_206 = arith.addi %get3A_204, %add3A_205 : vector<16xi32>
      %swap3A_207 = arith.constant 1 : i32
      %swap3A_208 = arith.index_cast %swap3A_207 : i32 to index
      %swap3A_209 = arith.constant 96 : index
      %swap3A_210 = tpu.vector_load %arg7[%swap3A_208, %swap3A_209] {strides = array<i32>} : memref<8x128xi32, #tpu.memory_space<vmem>>, vector<1x16xi32>,
      %swap3A_211 = vector.shape_cast %swap3A_210 : vector<1x16xi32> to vector<16xi32>
      %swap3A_212 = vector.shape_cast %add3A_206 : vector<16xi32> to vector<1x16xi32>
      tpu.vector_store %arg7[%swap3A_208, %swap3A_209], %swap3A_212 {strides = array<i32>} : memref<8x128xi32, #tpu.memory_space<vmem>>, vector<1x16xi32>,
      %get3A_213 = arith.constant 1 : i32
      %get3A_214 = arith.index_cast %get3A_213 : i32 to index
      %get3A_215 = arith.constant 112 : index
      %get3A_216 = tpu.vector_load %arg7[%get3A_214, %get3A_215] {strides = array<i32>} : memref<8x128xi32, #tpu.memory_space<vmem>>, vector<1x16xi32>,
      %get3A_217 = vector.shape_cast %get3A_216 : vector<1x16xi32> to vector<16xi32>
      %add3A_218 = vector.broadcast %arg0 : i32 to vector<16xi32>
      %add3A_219 = arith.addi %get3A_217, %add3A_218 : vector<16xi32>
      %swap3A_220 = arith.constant 1 : i32
      %swap3A_221 = arith.index_cast %swap3A_220 : i32 to index
      %swap3A_222 = arith.constant 112 : index
      %swap3A_223 = tpu.vector_load %arg7[%swap3A_221, %swap3A_222] {strides = array<i32>} : memref<8x128xi32, #tpu.memory_space<vmem>>, vector<1x16xi32>,
      %swap3A_224 = vector.shape_cast %swap3A_223 : vector<1x16xi32> to vector<16xi32>
      %swap3A_225 = vector.shape_cast %add3A_219 : vector<16xi32> to vector<1x16xi32>
      tpu.vector_store %arg7[%swap3A_221, %swap3A_222], %swap3A_225 {strides = array<i32>} : memref<8x128xi32, #tpu.memory_space<vmem>>, vector<1x16xi32>,
      %dma_start3A = arith.constant 0 : i32
      %dma_start3A_226 = arith.constant 0 : i32
      %dma_start3A_227 = tpu.memref_slice %arg7[%dma_start3A, %dma_start3A_226] : memref<8x128xi32, #tpu.memory_space<vmem>> -> memref<1x128xi32, #tpu.memory_space<vmem>>
      %dma_start3A_228 = tpu.memref_squeeze %dma_start3A_227 : memref<1x128xi32, #tpu.memory_space<vmem>> -> memref<128xi32, #tpu.memory_space<vmem>>
      %dma_start3A_229 = arith.constant 0 : i32
      %dma_start3A_230 = arith.constant 0 : i32
      %dma_start3A_231 = tpu.memref_slice %arg2[%dma_start3A_229, %dma_start3A_230] : memref<20000x128xf32, #tpu.memory_space<hbm>> -> memref<20000x128xf32, #tpu.memory_space<hbm>>
      tpu.enqueue_indirect_dma source(%dma_start3A_231 : memref<20000x128xf32, #tpu.memory_space<hbm>>) target(%arg9 : memref<128x128xf32, #tpu.memory_space<vmem>>) offsets(%dma_start3A_228 : memref<128xi32, #tpu.memory_space<vmem>>) semaphore(%arg11 : memref<!tpu.dma_semaphore, #tpu.memory_space<semaphore_mem>>)
      %dma_start3A_232 = arith.constant 1 : i32
      %dma_start3A_233 = arith.constant 0 : i32
      %dma_start3A_234 = tpu.memref_slice %arg7[%dma_start3A_232, %dma_start3A_233] : memref<8x128xi32, #tpu.memory_space<vmem>> -> memref<1x128xi32, #tpu.memory_space<vmem>>
      %dma_start3A_235 = tpu.memref_squeeze %dma_start3A_234 : memref<1x128xi32, #tpu.memory_space<vmem>> -> memref<128xi32, #tpu.memory_space<vmem>>
      %dma_start3A_236 = arith.constant 0 : i32
      %dma_start3A_237 = arith.constant 0 : i32
      %dma_start3A_238 = tpu.memref_slice %arg2[%dma_start3A_236, %dma_start3A_237] : memref<20000x128xf32, #tpu.memory_space<hbm>> -> memref<20000x128xf32, #tpu.memory_space<hbm>>
      tpu.enqueue_indirect_dma source(%dma_start3A_238 : memref<20000x128xf32, #tpu.memory_space<hbm>>) target(%arg10 : memref<128x128xf32, #tpu.memory_space<vmem>>) offsets(%dma_start3A_235 : memref<128xi32, #tpu.memory_space<vmem>>) semaphore(%arg12 : memref<!tpu.dma_semaphore, #tpu.memory_space<semaphore_mem>>)
      %dma_wait3A = arith.constant 0 : i32
      %dma_wait3A_239 = arith.constant 0 : i32
      %dma_wait3A_240 = tpu.memref_slice %arg7[%dma_wait3A, %dma_wait3A_239] : memref<8x128xi32, #tpu.memory_space<vmem>> -> memref<1x128xi32, #tpu.memory_space<vmem>>
      %dma_wait3A_241 = tpu.memref_squeeze %dma_wait3A_240 : memref<1x128xi32, #tpu.memory_space<vmem>> -> memref<128xi32, #tpu.memory_space<vmem>>
      %dma_wait3A_242 = arith.constant 0 : i32
      %dma_wait3A_243 = arith.constant 0 : i32
      %dma_wait3A_244 = tpu.memref_slice %arg2[%dma_wait3A_242, %dma_wait3A_243] : memref<20000x128xf32, #tpu.memory_space<hbm>> -> memref<20000x128xf32, #tpu.memory_space<hbm>>
      tpu.wait_indirect_dma semaphore(%arg11 : memref<!tpu.dma_semaphore, #tpu.memory_space<semaphore_mem>>) src(%dma_wait3A_244 : memref<20000x128xf32, #tpu.memory_space<hbm>>) dst(%arg9 : memref<128x128xf32, #tpu.memory_space<vmem>>)
      %dma_start3A_245 = arith.constant 0 : i32
      %dma_start3A_246 = arith.constant 0 : i32
      %dma_start3A_247 = tpu.memref_slice %arg8[%dma_start3A_245, %dma_start3A_246] : memref<8x128xi32, #tpu.memory_space<vmem>> -> memref<1x128xi32, #tpu.memory_space<vmem>>
      %dma_start3A_248 = tpu.memref_squeeze %dma_start3A_247 : memref<1x128xi32, #tpu.memory_space<vmem>> -> memref<128xi32, #tpu.memory_space<vmem>>
      %dma_start3A_249 = arith.constant 0 : i32
      %dma_start3A_250 = arith.constant 0 : i32
      %dma_start3A_251 = tpu.memref_slice %arg15[%dma_start3A_249, %dma_start3A_250] : memref<10000x128xf32, #tpu.memory_space<vmem_shared>> -> memref<10000x128xf32, #tpu.memory_space<vmem_shared>>
      tpu.enqueue_indirect_dma source(%arg9 : memref<128x128xf32, #tpu.memory_space<vmem>>) target(%dma_start3A_251 : memref<10000x128xf32, #tpu.memory_space<vmem_shared>>) offsets(%dma_start3A_248 : memref<128xi32, #tpu.memory_space<vmem>>) semaphore(%arg13 : memref<!tpu.dma_semaphore, #tpu.memory_space<semaphore_mem>>) {add = true}
      %dma_wait3A_252 = arith.constant 1 : i32
      %dma_wait3A_253 = arith.constant 0 : i32
      %dma_wait3A_254 = tpu.memref_slice %arg7[%dma_wait3A_252, %dma_wait3A_253] : memref<8x128xi32, #tpu.memory_space<vmem>> -> memref<1x128xi32, #tpu.memory_space<vmem>>
      %dma_wait3A_255 = tpu.memref_squeeze %dma_wait3A_254 : memref<1x128xi32, #tpu.memory_space<vmem>> -> memref<128xi32, #tpu.memory_space<vmem>>
      %dma_wait3A_256 = arith.constant 0 : i32
      %dma_wait3A_257 = arith.constant 0 : i32
      %dma_wait3A_258 = tpu.memref_slice %arg2[%dma_wait3A_256, %dma_wait3A_257] : memref<20000x128xf32, #tpu.memory_space<hbm>> -> memref<20000x128xf32, #tpu.memory_space<hbm>>
      tpu.wait_indirect_dma semaphore(%arg12 : memref<!tpu.dma_semaphore, #tpu.memory_space<semaphore_mem>>) src(%dma_wait3A_258 : memref<20000x128xf32, #tpu.memory_space<hbm>>) dst(%arg10 : memref<128x128xf32, #tpu.memory_space<vmem>>)
      %dma_start3A_259 = arith.constant 1 : i32
      %dma_start3A_260 = arith.constant 0 : i32
      %dma_start3A_261 = tpu.memref_slice %arg8[%dma_start3A_259, %dma_start3A_260] : memref<8x128xi32, #tpu.memory_space<vmem>> -> memref<1x128xi32, #tpu.memory_space<vmem>>
      %dma_start3A_262 = tpu.memref_squeeze %dma_start3A_261 : memref<1x128xi32, #tpu.memory_space<vmem>> -> memref<128xi32, #tpu.memory_space<vmem>>
      %dma_start3A_263 = arith.constant 0 : i32
      %dma_start3A_264 = arith.constant 0 : i32
      %dma_start3A_265 = tpu.memref_slice %arg15[%dma_start3A_263, %dma_start3A_264] : memref<10000x128xf32, #tpu.memory_space<vmem_shared>> -> memref<10000x128xf32, #tpu.memory_space<vmem_shared>>
      tpu.enqueue_indirect_dma source(%arg10 : memref<128x128xf32, #tpu.memory_space<vmem>>) target(%dma_start3A_265 : memref<10000x128xf32, #tpu.memory_space<vmem_shared>>) offsets(%dma_start3A_262 : memref<128xi32, #tpu.memory_space<vmem>>) semaphore(%arg14 : memref<!tpu.dma_semaphore, #tpu.memory_space<semaphore_mem>>) {add = true}
      %dma_wait3A_266 = arith.constant 0 : i32
      %dma_wait3A_267 = arith.constant 0 : i32
      %dma_wait3A_268 = tpu.memref_slice %arg8[%dma_wait3A_266, %dma_wait3A_267] : memref<8x128xi32, #tpu.memory_space<vmem>> -> memref<1x128xi32, #tpu.memory_space<vmem>>
      %dma_wait3A_269 = tpu.memref_squeeze %dma_wait3A_268 : memref<1x128xi32, #tpu.memory_space<vmem>> -> memref<128xi32, #tpu.memory_space<vmem>>
      %dma_wait3A_270 = arith.constant 0 : i32
      %dma_wait3A_271 = arith.constant 0 : i32
      %dma_wait3A_272 = tpu.memref_slice %arg15[%dma_wait3A_270, %dma_wait3A_271] : memref<10000x128xf32, #tpu.memory_space<vmem_shared>> -> memref<10000x128xf32, #tpu.memory_space<vmem_shared>>
      tpu.wait_indirect_dma semaphore(%arg13 : memref<!tpu.dma_semaphore, #tpu.memory_space<semaphore_mem>>) src(%arg9 : memref<128x128xf32, #tpu.memory_space<vmem>>) dst(%dma_wait3A_272 : memref<10000x128xf32, #tpu.memory_space<vmem_shared>>)
      %dma_wait3A_273 = arith.constant 1 : i32
      %dma_wait3A_274 = arith.constant 0 : i32
      %dma_wait3A_275 = tpu.memref_slice %arg8[%dma_wait3A_273, %dma_wait3A_274] : memref<8x128xi32, #tpu.memory_space<vmem>> -> memref<1x128xi32, #tpu.memory_space<vmem>>
      %dma_wait3A_276 = tpu.memref_squeeze %dma_wait3A_275 : memref<1x128xi32, #tpu.memory_space<vmem>> -> memref<128xi32, #tpu.memory_space<vmem>>
      %dma_wait3A_277 = arith.constant 0 : i32
      %dma_wait3A_278 = arith.constant 0 : i32
      %dma_wait3A_279 = tpu.memref_slice %arg15[%dma_wait3A_277, %dma_wait3A_278] : memref<10000x128xf32, #tpu.memory_space<vmem_shared>> -> memref<10000x128xf32, #tpu.memory_space<vmem_shared>>
      tpu.wait_indirect_dma semaphore(%arg14 : memref<!tpu.dma_semaphore, #tpu.memory_space<semaphore_mem>>) src(%arg10 : memref<128x128xf32, #tpu.memory_space<vmem>>) dst(%dma_wait3A_279 : memref<10000x128xf32, #tpu.memory_space<vmem_shared>>)
    } else {
    }
    %barrier3A_12 = arith.constant 0 : index
    tpu.barrier barrier_id(%barrier3A_12)
    %mul3A_13 = arith.constant 10000 : i32
    %mul3A_14 = arith.muli %arg0, %mul3A_13 : i32
    %add3A = arith.addi %mul3A_14, %mul3A_0 : i32
    "tpu.region"() ({
      %run_scoped3A = tpu.sem_alloc : memref<!tpu.dma_semaphore, #tpu.memory_space<semaphore_mem>>
      %dma_start3A = arith.constant 0 : i32
      %dma_start3A_20 = tpu.memref_slice %arg6[%add3A, %dma_start3A] : memref<20000x128xf32, #tpu.memory_space<hbm>> -> memref<624x128xf32, #tpu.memory_space<hbm>>
      %dma_start3A_21 = arith.constant 0 : i32
      %dma_start3A_22 = tpu.memref_slice %arg15[%mul3A_0, %dma_start3A_21] : memref<10000x128xf32, #tpu.memory_space<vmem_shared>> -> memref<624x128xf32, #tpu.memory_space<vmem_shared>>
      tpu.enqueue_dma source(%dma_start3A_22 : memref<624x128xf32, #tpu.memory_space<vmem_shared>>) target(%dma_start3A_20 : memref<624x128xf32, #tpu.memory_space<hbm>>) target_semaphore(%run_scoped3A : memref<!tpu.dma_semaphore, #tpu.memory_space<semaphore_mem>>)
      %dma_wait3A = arith.constant 0 : i32
      %dma_wait3A_23 = tpu.memref_slice %arg6[%add3A, %dma_wait3A] : memref<20000x128xf32, #tpu.memory_space<hbm>> -> memref<624x128xf32, #tpu.memory_space<hbm>>
      %dma_wait3A_24 = arith.constant 0 : i32
      %dma_wait3A_25 = tpu.memref_slice %arg15[%mul3A_0, %dma_wait3A_24] : memref<10000x128xf32, #tpu.memory_space<vmem_shared>> -> memref<624x128xf32, #tpu.memory_space<vmem_shared>>
      tpu.wait_dma2 semaphore(%run_scoped3A : memref<!tpu.dma_semaphore, #tpu.memory_space<semaphore_mem>>) src(%dma_wait3A_25 : memref<624x128xf32, #tpu.memory_space<vmem_shared>>) dst(%dma_wait3A_23 : memref<624x128xf32, #tpu.memory_space<hbm>>)
      tpu.yield
    }) : () -> ()
    %eq3A_15 = arith.constant 15 : i32
    %eq3A_16 = arith.cmpi eq, %arg1, %eq3A_15 : i32
    %convert_element_type3A_17 = arith.extui %eq3A_16 : i1 to i32
    %cond3A_18 = arith.constant 0 : i32
    %cond3A_19 = arith.cmpi ne, %convert_element_type3A_17, %cond3A_18 : i32
    scf.if %cond3A_19 {
      %add3A_20 = arith.constant 9984 : i32
      %add3A_21 = arith.addi %mul3A_14, %add3A_20 : i32
      "tpu.region"() ({
        %run_scoped3A = tpu.sem_alloc : memref<!tpu.dma_semaphore, #tpu.memory_space<semaphore_mem>>
        %dma_start3A = arith.constant 0 : i32
        %dma_start3A_22 = tpu.memref_slice %arg6[%add3A_21, %dma_start3A] : memref<20000x128xf32, #tpu.memory_space<hbm>> -> memref<16x128xf32, #tpu.memory_space<hbm>>
        %dma_start3A_23 = arith.constant 9984 : i32
        %dma_start3A_24 = arith.constant 0 : i32
        %dma_start3A_25 = tpu.memref_slice %arg15[%dma_start3A_23, %dma_start3A_24] : memref<10000x128xf32, #tpu.memory_space<vmem_shared>> -> memref<16x128xf32, #tpu.memory_space<vmem_shared>>
        tpu.enqueue_dma source(%dma_start3A_25 : memref<16x128xf32, #tpu.memory_space<vmem_shared>>) target(%dma_start3A_22 : memref<16x128xf32, #tpu.memory_space<hbm>>) target_semaphore(%run_scoped3A : memref<!tpu.dma_semaphore, #tpu.memory_space<semaphore_mem>>)
        %dma_wait3A = arith.constant 0 : i32
        %dma_wait3A_26 = tpu.memref_slice %arg6[%add3A_21, %dma_wait3A] : memref<20000x128xf32, #tpu.memory_space<hbm>> -> memref<16x128xf32, #tpu.memory_space<hbm>>
        %dma_wait3A_27 = arith.constant 9984 : i32
        %dma_wait3A_28 = arith.constant 0 : i32
        %dma_wait3A_29 = tpu.memref_slice %arg15[%dma_wait3A_27, %dma_wait3A_28] : memref<10000x128xf32, #tpu.memory_space<vmem_shared>> -> memref<16x128xf32, #tpu.memory_space<vmem_shared>>
        tpu.wait_dma2 semaphore(%run_scoped3A : memref<!tpu.dma_semaphore, #tpu.memory_space<semaphore_mem>>) src(%dma_wait3A_29 : memref<16x128xf32, #tpu.memory_space<vmem_shared>>) dst(%dma_wait3A_26 : memref<16x128xf32, #tpu.memory_space<hbm>>)
        tpu.yield
      }) : () -> ()
    } else {
    }
    return
  }
}

module attributes {stable_mosaic.version = 14 : i64} {
  func.func @body(%arg0: i32, %arg1: memref<400x256xf32, #tpu.memory_space<vmem>>, %arg2: memref<400x128xf32, #tpu.memory_space<vmem>>, %arg3: memref<400x128xf32, #tpu.memory_space<vmem>>, %arg4: memref<400x128xf32, #tpu.memory_space<vmem>>, %arg5: memref<400x128xf32, #tpu.memory_space<vmem>>, %arg6: memref<256x512xf32, #tpu.memory_space<vmem>>, %arg7: memref<128x512xf32, #tpu.memory_space<vmem>>, %arg8: memref<128x512xf32, #tpu.memory_space<vmem>>, %arg9: memref<1x512xf32, #tpu.memory_space<vmem>>, %arg10: memref<512x128xf32, #tpu.memory_space<vmem>>, %arg11: memref<1x128xf32, #tpu.memory_space<vmem>>, %arg12: memref<400x128xf32, #tpu.memory_space<vmem>>) attributes {dimension_semantics = [#tpu.dimension_semantics<arbitrary>], iteration_bounds = array<i64: 25>, scalar_prefetch = 0 : i64, scratch_operands = 0 : i64, tpu.core_type = #tpu.core_type<tc>, window_params = [{transform_indices = @transform_0, window_bounds = array<i64: 400, 256>}, {transform_indices = @transform_1, window_bounds = array<i64: 400, 128>}, {transform_indices = @transform_2, window_bounds = array<i64: 400, 128>}, {transform_indices = @transform_3, window_bounds = array<i64: 400, 128>}, {transform_indices = @transform_4, window_bounds = array<i64: 400, 128>}, {pipeline_mode = #tpu.pipeline_mode<synchronous>, transform_indices = @transform_5, window_bounds = array<i64: 256, 512>}, {pipeline_mode = #tpu.pipeline_mode<synchronous>, transform_indices = @transform_6, window_bounds = array<i64: 128, 512>}, {pipeline_mode = #tpu.pipeline_mode<synchronous>, transform_indices = @transform_7, window_bounds = array<i64: 128, 512>}, {pipeline_mode = #tpu.pipeline_mode<synchronous>, transform_indices = @transform_8, window_bounds = array<i64: 1, 512>}, {pipeline_mode = #tpu.pipeline_mode<synchronous>, transform_indices = @transform_9, window_bounds = array<i64: 512, 128>}, {pipeline_mode = #tpu.pipeline_mode<synchronous>, transform_indices = @transform_10, window_bounds = array<i64: 1, 128>}, {transform_indices = @transform_11, window_bounds = array<i64: 400, 128>}]} {
    %get3A = arith.constant 0 : index
    %get3A_0 = arith.constant 0 : index
    %get3A_1 = vector.load %arg4[%get3A, %get3A_0] : memref<400x128xf32, #tpu.memory_space<vmem>>, vector<400x1xf32>
    %get3A_2 = arith.constant 0 : index
    %get3A_3 = arith.constant 0 : index
    %get3A_4 = vector.load %arg5[%get3A_2, %get3A_3] : memref<400x128xf32, #tpu.memory_space<vmem>>, vector<400x1xf32>
    %add3A = arith.addf %get3A_1, %get3A_4 : vector<400x1xf32>
    %max3A = arith.constant 1.000000e+00 : f32
    %max3A_5 = vector.broadcast %max3A : f32 to vector<400x1xf32>
    %max3A_6 = arith.maximumf %add3A, %max3A_5 : vector<400x1xf32>
    %div3A = arith.constant 1.000000e+00 : f32
    %div3A_7 = vector.broadcast %div3A : f32 to vector<400x1xf32>
    %div3A_8 = arith.divf %div3A_7, %max3A_6 : vector<400x1xf32>
    %get3A_9 = arith.constant 0 : index
    %get3A_10 = arith.constant 0 : index
    %get3A_11 = vector.load %arg1[%get3A_9, %get3A_10] : memref<400x256xf32, #tpu.memory_space<vmem>>, vector<400x256xf32>
    %convert_element_type3A = arith.truncf %get3A_11 : vector<400x256xf32> to vector<400x256xbf16>
    %get3A_12 = arith.constant 0 : index
    %get3A_13 = arith.constant 0 : index
    %get3A_14 = vector.load %arg6[%get3A_12, %get3A_13] : memref<256x512xf32, #tpu.memory_space<vmem>>, vector<256x512xf32>
    %convert_element_type3A_15 = arith.truncf %get3A_14 : vector<256x512xf32> to vector<256x512xbf16>
    %dot_general3A = arith.constant dense<0.000000e+00> : vector<400x512xf32>
    %dot_general3A_16 = tpu.matmul %convert_element_type3A, %convert_element_type3A_15, %dot_general3A {dimension_numbers = #tpu.dot_dimension_numbers<[1], [0], [0], [1], [0, 0, 1, 1], [], []>, transpose_lhs_hint = false} : vector<400x256xbf16>, vector<256x512xbf16>, vector<400x512xf32> -> vector<400x512xf32>
    %get3A_17 = arith.constant 0 : index
    %get3A_18 = arith.constant 0 : index
    %get3A_19 = vector.load %arg2[%get3A_17, %get3A_18] : memref<400x128xf32, #tpu.memory_space<vmem>>, vector<400x128xf32>
    %mul3A = vector.broadcast %div3A_8 : vector<400x1xf32> to vector<400x128xf32>
    %mul3A_20 = arith.mulf %get3A_19, %mul3A : vector<400x128xf32>
    %convert_element_type3A_21 = arith.truncf %mul3A_20 : vector<400x128xf32> to vector<400x128xbf16>
    %get3A_22 = arith.constant 0 : index
    %get3A_23 = arith.constant 0 : index
    %get3A_24 = vector.load %arg7[%get3A_22, %get3A_23] : memref<128x512xf32, #tpu.memory_space<vmem>>, vector<128x512xf32>
    %convert_element_type3A_25 = arith.truncf %get3A_24 : vector<128x512xf32> to vector<128x512xbf16>
    %dot_general3A_26 = arith.constant dense<0.000000e+00> : vector<400x512xf32>
    %dot_general3A_27 = tpu.matmul %convert_element_type3A_21, %convert_element_type3A_25, %dot_general3A_26 {dimension_numbers = #tpu.dot_dimension_numbers<[1], [0], [0], [1], [0, 0, 1, 1], [], []>, transpose_lhs_hint = false} : vector<400x128xbf16>, vector<128x512xbf16>, vector<400x512xf32> -> vector<400x512xf32>
    %add3A_28 = arith.addf %dot_general3A_16, %dot_general3A_27 : vector<400x512xf32>
    %get3A_29 = arith.constant 0 : index
    %get3A_30 = arith.constant 0 : index
    %get3A_31 = vector.load %arg3[%get3A_29, %get3A_30] : memref<400x128xf32, #tpu.memory_space<vmem>>, vector<400x128xf32>
    %mul3A_32 = vector.broadcast %div3A_8 : vector<400x1xf32> to vector<400x128xf32>
    %mul3A_33 = arith.mulf %get3A_31, %mul3A_32 : vector<400x128xf32>
    %convert_element_type3A_34 = arith.truncf %mul3A_33 : vector<400x128xf32> to vector<400x128xbf16>
    %get3A_35 = arith.constant 0 : index
    %get3A_36 = arith.constant 0 : index
    %get3A_37 = vector.load %arg8[%get3A_35, %get3A_36] : memref<128x512xf32, #tpu.memory_space<vmem>>, vector<128x512xf32>
    %convert_element_type3A_38 = arith.truncf %get3A_37 : vector<128x512xf32> to vector<128x512xbf16>
    %dot_general3A_39 = arith.constant dense<0.000000e+00> : vector<400x512xf32>
    %dot_general3A_40 = tpu.matmul %convert_element_type3A_34, %convert_element_type3A_38, %dot_general3A_39 {dimension_numbers = #tpu.dot_dimension_numbers<[1], [0], [0], [1], [0, 0, 1, 1], [], []>, transpose_lhs_hint = false} : vector<400x128xbf16>, vector<128x512xbf16>, vector<400x512xf32> -> vector<400x512xf32>
    %add3A_41 = arith.addf %add3A_28, %dot_general3A_40 : vector<400x512xf32>
    %get3A_42 = arith.constant 0 : index
    %get3A_43 = arith.constant 0 : index
    %get3A_44 = vector.load %arg9[%get3A_42, %get3A_43] : memref<1x512xf32, #tpu.memory_space<vmem>>, vector<1x512xf32>
    %add3A_45 = vector.broadcast %get3A_44 : vector<1x512xf32> to vector<400x512xf32>
    %add3A_46 = arith.addf %add3A_41, %add3A_45 : vector<400x512xf32>
    %max3A_47 = arith.constant 0.000000e+00 : f32
    %max3A_48 = vector.broadcast %max3A_47 : f32 to vector<400x512xf32>
    %max3A_49 = arith.maximumf %add3A_46, %max3A_48 : vector<400x512xf32>
    %convert_element_type3A_50 = arith.truncf %max3A_49 : vector<400x512xf32> to vector<400x512xbf16>
    %get3A_51 = arith.constant 0 : index
    %get3A_52 = arith.constant 0 : index
    %get3A_53 = vector.load %arg10[%get3A_51, %get3A_52] : memref<512x128xf32, #tpu.memory_space<vmem>>, vector<512x128xf32>
    %convert_element_type3A_54 = arith.truncf %get3A_53 : vector<512x128xf32> to vector<512x128xbf16>
    %dot_general3A_55 = arith.constant dense<0.000000e+00> : vector<400x128xf32>
    %dot_general3A_56 = tpu.matmul %convert_element_type3A_50, %convert_element_type3A_54, %dot_general3A_55 {dimension_numbers = #tpu.dot_dimension_numbers<[1], [0], [0], [1], [0, 0, 1, 1], [], []>, transpose_lhs_hint = false} : vector<400x512xbf16>, vector<512x128xbf16>, vector<400x128xf32> -> vector<400x128xf32>
    %get3A_57 = arith.constant 0 : index
    %get3A_58 = arith.constant 0 : index
    %get3A_59 = vector.load %arg11[%get3A_57, %get3A_58] : memref<1x128xf32, #tpu.memory_space<vmem>>, vector<1x128xf32>
    %add3A_60 = vector.broadcast %get3A_59 : vector<1x128xf32> to vector<400x128xf32>
    %add3A_61 = arith.addf %dot_general3A_56, %add3A_60 : vector<400x128xf32>
    %swap3A = arith.constant 0 : index
    %swap3A_62 = arith.constant 0 : index
    %swap3A_63 = vector.load %arg12[%swap3A, %swap3A_62] : memref<400x128xf32, #tpu.memory_space<vmem>>, vector<400x128xf32>
    tpu.vector_store %arg12[%swap3A, %swap3A_62], %add3A_61 {strides = array<i32>} : memref<400x128xf32, #tpu.memory_space<vmem>>, vector<400x128xf32>,
    return
  }
  func.func @transform_0(%arg0: i32) -> (i32, i32) {
    %c0_i32 = arith.constant 0 : i32
    %c0_i32_0 = arith.constant 0 : i32
    return %arg0, %c0_i32 : i32, i32
  }
  func.func @transform_1(%arg0: i32) -> (i32, i32) {
    %c0_i32 = arith.constant 0 : i32
    %c0_i32_0 = arith.constant 0 : i32
    return %arg0, %c0_i32 : i32, i32
  }
  func.func @transform_2(%arg0: i32) -> (i32, i32) {
    %add3A = arith.constant 25 : i32
    %add3A_0 = arith.addi %arg0, %add3A : i32
    %c0_i32 = arith.constant 0 : i32
    %c0_i32_1 = arith.constant 0 : i32
    return %add3A_0, %c0_i32 : i32, i32
  }
  func.func @transform_3(%arg0: i32) -> (i32, i32) {
    %c0_i32 = arith.constant 0 : i32
    %c0_i32_0 = arith.constant 0 : i32
    return %arg0, %c0_i32 : i32, i32
  }
  func.func @transform_4(%arg0: i32) -> (i32, i32) {
    %add3A = arith.constant 25 : i32
    %add3A_0 = arith.addi %arg0, %add3A : i32
    %c0_i32 = arith.constant 0 : i32
    %c0_i32_1 = arith.constant 0 : i32
    return %add3A_0, %c0_i32 : i32, i32
  }
  func.func @transform_5(%arg0: i32) -> (i32, i32) {
    %c0_i32 = arith.constant 0 : i32
    %c0_i32_0 = arith.constant 0 : i32
    %c0_i32_1 = arith.constant 0 : i32
    return %c0_i32, %c0_i32_0 : i32, i32
  }
  func.func @transform_6(%arg0: i32) -> (i32, i32) {
    %c0_i32 = arith.constant 0 : i32
    %c0_i32_0 = arith.constant 0 : i32
    %c0_i32_1 = arith.constant 0 : i32
    return %c0_i32, %c0_i32_0 : i32, i32
  }
  func.func @transform_7(%arg0: i32) -> (i32, i32) {
    %c0_i32 = arith.constant 0 : i32
    %c0_i32_0 = arith.constant 0 : i32
    %c0_i32_1 = arith.constant 0 : i32
    return %c0_i32, %c0_i32_0 : i32, i32
  }
  func.func @transform_8(%arg0: i32) -> (i32, i32) {
    %c0_i32 = arith.constant 0 : i32
    %c0_i32_0 = arith.constant 0 : i32
    %c0_i32_1 = arith.constant 0 : i32
    return %c0_i32, %c0_i32_0 : i32, i32
  }
  func.func @transform_9(%arg0: i32) -> (i32, i32) {
    %c0_i32 = arith.constant 0 : i32
    %c0_i32_0 = arith.constant 0 : i32
    %c0_i32_1 = arith.constant 0 : i32
    return %c0_i32, %c0_i32_0 : i32, i32
  }
  func.func @transform_10(%arg0: i32) -> (i32, i32) {
    %c0_i32 = arith.constant 0 : i32
    %c0_i32_0 = arith.constant 0 : i32
    %c0_i32_1 = arith.constant 0 : i32
    return %c0_i32, %c0_i32_0 : i32, i32
  }
  func.func @transform_11(%arg0: i32) -> (i32, i32) {
    %c0_i32 = arith.constant 0 : i32
    %c0_i32_0 = arith.constant 0 : i32
    return %arg0, %c0_i32 : i32, i32
  }
}

</mosaic_0001>

<sc_bundles>
// kernel: kernel.5.cloned.1.call-start
scs
__scs_entry_jumppad:
0x0: {  	(pc) =	sbr.rel $0x88, $3  }
0x1: {  	(tag) =	ssettag $0x0;
	lr =	simm.s32 $0x1  }
0x2: {  	[smem:$0x3F9A] =	sst lr;
	_ =	strace $0xD0000000  }
0x3: {  	_ = 	snop  }
0x4: {  	_ = 	snop  }
0x5: {  	_ = 	snop  }
0x6: {  	_ = 	snop  }
0x7: {  	_ = 	snop  }
__scs_overlays_trampoline_lowered:
0x8: {  	[smem:$0x3FA9] =	sst s0  }
0x9: {  	[smem:$0x3FAA] =	sst s1  }
0xa: {  	[smem:$0x3FAB] =	sst s2  }
0xb: {  	[smem:$0x3FAC] =	sst s3  }
0xc: {  	[smem:$0x3FAD] =	sst s4  }
0xd: {  	[smem:$0x3FAE] =	sst s5  }
0xe: {  	[smem:$0x3FAF] =	sst s6  }
0xf: {  	[smem:$0x3FB0] =	sst s7  }
0x10: {  	[smem:$0x3FB1] =	sst s8  }
0x11: {  	[smem:$0x3FB2] =	sst s9;
	s0 =	simm.s32 @!p0 $0x0  }
0x12: {  	s1 =	sld [smem:$0x3F98];
	s0 =	simm.s32 @p0 $0x1  }
0x13: {  	[smem:$0x3FB3] =	sst s0;
	s0 =	simm.s32 @!p1 $0x0  }
0x14: {  	s2 =	sld [smem:$0x3F97];
	s0 =	simm.s32 @p1 $0x1  }
0x15: {  	[smem:$0x3FB4] =	sst s0;
	s0 =	simm.s32 @!p2 $0x0  }
0x16: {  	s3 =	sld [smem:$0x3FDB];
	s0 =	simm.s32 @p2 $0x1  }
0x17: {  	s4 =	simm.s32 $0x1BF5;
	[smem:$0x3FB6] =	sst s0  }
0x18: {  	s0 =	sld [smem:$0x3F99];
	_ =	swait.ge [sflag:s4], $0x0  }
0x19: {  	s7 =	sld [smem:$0x3F9A]  }
0x1a: {  	s8 =	sadd.s32 $0xFFFFE003, lr  }
0x1b: {  	s9 =	sadd.s32 $0xFFFFFEF7, lr;
	s5 =	simm.s32 $0xFFFFFFFF;
	p2 =	slt.u32 s8, $0xFFFFF086  }
0x1c: {  	p1 =	slt.u32 s9, $0xF7A;
	s5 =	simm.s32 @!p2 $0x0  }
0x1d: {  	s5 =	simm.s32 @p1 $0x1;
	p0 =	seq.s32 s7, s2  }
0x1e: {  	s7 =	smul.u32 @!p0 $0xF7A, s2;
	p2 =	seq.s32 @!p0 s5, $0x0  }
0x1f: {  	s9 =	smul.u32 $0xF7A, s1;
	s8 =	simm.s32 @!p0 $0x1BF5;
	p2 =	por !p2, p0  }
0x20: {  	[sflag:s8] =	ssyncset.s32 @!p0 $0xFFFFF086;
	s6 =	sadd.s32 @!p0 s3, s7;
	s7 =	simm.s32 @!p0 $0x108  }
0x21: {  	s3 =	sadd.s32 s3, s9;
	s6 =	sadd.s32 @!p0 $0x88, s6;
	s7 =	simm.s32 @p2 $0x1082  }
0x22: {  	[simem:s7], [sflag:s8] =	dma.local @!p0 [hbm:s6], $0xF7A  }
0x23: {  	s9 =	sor.u32 $0xD0000000, s2;
	s6 =	simm.s32 $0x108;
	_ =	swait.ge @!p0 [sflag:s8], $0x0  }
0x24: {  	s3 =	sadd.s32 $0x88, s3;
	s6 =	simm.s32 @!p1 $0x1082;
	[sflag:s4] =	ssyncset.s32 $0xFFFFF086  }
0x25: {  	[simem:s6], [sflag:s4] =	dma.local [hbm:s3], $0xF7A  }
0x26: {  	[smem:$0x3F9A] =	sst s1;
	(tag) =	ssettag s2;
	_ =	strace s9  }
0x27: {  	s1 =	sld [smem:$0x3FAA]  }
0x28: {  	s2 =	sld [smem:$0x3FAB]  }
0x29: {  	s4 =	sld [smem:$0x3FAD]  }
0x2a: {  	p0 =	seq.s32 s5, $0x0;
	s5 =	sld [smem:$0x3FAE]  }
0x2b: {  	s6 =	sld [smem:$0x3FAF]  }
0x2c: {  	s7 =	sld [smem:$0x3FB0]  }
0x2d: {  	s3 =	simm.s32 $0x108;
	s8 =	sld [smem:$0x3FB1]  }
0x2e: {  	s3 =	simm.s32 @!p0 $0x1082;
	s9 =	sld [smem:$0x3FB2]  }
0x2f: {  	lr =	sadd.s32 s0, s3;
	s0 =	sld [smem:$0x3FA9]  }
0x30: {  	s3 =	sld [smem:$0x3FAC]  }
0x31: {  	[smem:$0x3FB5] =	sst s10  }
0x32: {  	s10 =	sld [smem:$0x3FB3];
	_ =	sdelay $0x3  }
0x33: {  	p0 =	seq.s32 s10, $0x1;
	s10 =	sld [smem:$0x3FB5];
	_ =	sdelay $0x3  }
0x34: {  	[smem:$0x3FB5] =	sst s10  }
0x35: {  	s10 =	sld [smem:$0x3FB4];
	_ =	sdelay $0x3  }
0x36: {  	p1 =	seq.s32 s10, $0x1;
	s10 =	sld [smem:$0x3FB5];
	_ =	sdelay $0x3  }
0x37: {  	[smem:$0x3FB5] =	sst s10  }
0x38: {  	s10 =	sld [smem:$0x3FB6]  }
0x39: {  	_ = 	snop;
	(pc) =	sbr.ind lr, $3  }
0x3a: {  	_ = 	snop  }
0x3b: {  	_ = 	snop  }
0x3c: {  	p2 =	seq.s32 s10, $0x1;
	s10 =	sld [smem:$0x3FB5]  }
0x3d: {  	_ =	shalt  }
0x3e: {  	_ =	shalt  }
0x3f: {  	_ =	shalt  }
0x40: {  	_ =	shalt  }
0x41: {  	_ =	shalt  }
0x42: {  	_ =	shalt  }
0x43: {  	_ =	shalt  }
0x44: {  	_ =	shalt  }
0x45: {  	_ =	shalt  }
0x46: {  	_ =	shalt  }
0x47: {  	_ =	shalt  }
0x48: {  	_ =	shalt  }
0x49: {  	_ =	shalt  }
0x4a: {  	_ =	shalt  }
0x4b: {  	_ =	shalt  }
0x4c: {  	_ =	shalt  }
0x4d: {  	_ =	shalt  }
0x4e: {  	_ =	shalt  }
0x4f: {  	_ =	shalt  }
0x50: {  	_ =	shalt  }
0x51: {  	_ =	shalt  }
0x52: {  	_ =	shalt  }
0x53: {  	_ =	shalt  }
0x54: {  	_ =	shalt  }
0x55: {  	_ =	shalt  }
0x56: {  	_ =	shalt  }
0x57: {  	_ =	shalt  }
0x58: {  	_ =	shalt  }
0x59: {  	_ =	shalt  }
0x5a: {  	_ =	shalt  }
0x5b: {  	_ =	shalt  }
0x5c: {  	_ =	shalt  }
0x5d: {  	_ =	shalt  }
0x5e: {  	_ =	shalt  }
0x5f: {  	_ =	shalt  }
0x60: {  	_ =	shalt  }
0x61: {  	_ =	shalt  }
0x62: {  	_ =	shalt  }
0x63: {  	_ =	shalt  }
0x64: {  	_ =	shalt  }
0x65: {  	_ =	shalt  }
0x66: {  	_ =	shalt  }
0x67: {  	_ =	shalt  }
0x68: {  	_ =	shalt  }
0x69: {  	_ =	shalt  }
0x6a: {  	_ =	shalt  }
0x6b: {  	_ =	shalt  }
0x6c: {  	_ =	shalt  }
0x6d: {  	_ =	shalt  }
0x6e: {  	_ =	shalt  }
0x6f: {  	_ =	shalt  }
0x70: {  	_ =	shalt  }
0x71: {  	_ =	shalt  }
0x72: {  	_ =	shalt  }
0x73: {  	_ =	shalt  }
0x74: {  	_ =	shalt  }
0x75: {  	_ =	shalt  }
0x76: {  	_ =	shalt  }
0x77: {  	_ =	shalt  }
0x78: {  	_ =	shalt  }
0x79: {  	_ =	shalt  }
0x7a: {  	_ =	shalt  }
0x7b: {  	_ =	shalt  }
0x7c: {  	_ =	shalt  }
0x7d: {  	_ =	shalt  }
0x7e: {  	_ =	shalt  }
0x7f: {  	_ =	shalt  }
0x80: {  	_ =	shalt  }
0x81: {  	_ =	shalt  }
0x82: {  	_ =	shalt  }
0x83: {  	_ =	shalt  }
0x84: {  	_ =	shalt  }
0x85: {  	_ =	shalt  }
0x86: {  	_ =	shalt  }
0x87: {  	_ =	shalt  }
.Lfunc_end0:
.L_simem_size_0:
called_computation_lowered:
.L_overlay_start_0:
0x88: {  	s2 =	sld [smem:$0x3FD9]  }
0x89: {  	s3 =	sld [smem:$0x3FFE];
	_ =	sdelay $0x1  }
0x8a: {  	s1 =	srdreg.scid  }
0x8b: {  	s0 =	sand.u32 $0x1, s1  }
0x8c: {  	s17 =	sshll.u32 s0, $0xA;
	s2 =	sadd.s32 s3, s2  }
0x8d: {  	s2 =	sadd.s32 s2, s17  }
0x8e: {  	[smem:$0x3FC1] =	sst s2  }
0x8f: {  	_ = 	snop  }
0x90: {  	s2 =	sld [smem:$0x3FD0];
	(tm) =	ssettm $0x1  }
0x91: {  	s18 =	sld [smem:$0x3FFB];
	_ =	sdelay $0x3  }
0x92: {  	_ =	strace s18  }
0x93: {  	s3 =	sld [smem:$0x3FFC];
	_ =	sdelay $0x3  }
0x94: {  	_ =	strace s3  }
0x95: {  	s3 =	sld [smem:$0x3FFD];
	_ =	sdelay $0x3  }
0x96: {  	_ =	strace s3  }
0x97: {  	_ =	strace $0x8FFFFFFF  }
0x98: {  	s19 =	sld [smem:$0x3FDB];
	_ =	sdelay $0x1  }
0x99: {  	s4 =	simm.s32 $_scs_section_size  }
0x9a: {  	s5 =	simm.s32 $_size__tile_overlayer_lowered;
	s6 =	simm.s32 $_tile_overlayer_lowered  }
0x9b: {  	s22 =	simm.s32 $0x1BFF;
	s21 =	sshll.u32 s6, $0x1;
	s3 =	sadd.s32 s4, s19  }
0x9c: {  	s7 =	simm.s32 $0x0;
	s20 =	sshll.u32 s5, $0x1;
	s5 =	sadd.s32 s21, s3  }
0x9d: {  	[timem:s7], [sflag:s22] =	dma.local [hbm:s5], s20  }
0x9e: {  	_ =	swait.ge [sflag:s22], s20  }
0x9f: {  	s4 =	ssub.s32 $0x0, s20;
	[sflag:s22] =	ssyncset.done $0x0  }
0xa0: {  	[sflag:s22] =	ssyncadd.s32 s4;
	_ =	sdelay $0x1  }
0xa1: {  	s23 =	simm.s32 $0x1B8B  }
0xa2: {  	_ =	swait.ge [sflag:s23], $0x1  }
0xa3: {  	[sflag:s23] =	ssyncset.done $0x0  }
0xa4: {  	s25 =	simm.s32 $0x1B8E;
	s24 =	sld [smem:$0x3FFE];
	[sflag:s23] =	ssyncadd.s32 $0xFFFFFFFF  }
0xa5: {  	s26 =	simm.s32 $execute0_lowered;
	[smem:$0x3FD2] =	sst s25  }
0xa6: {  	s5 =	sshll.u32 s26, $0x1;
	_ =	strace $0x80000046;
	[dreg:$0x1] =	wrdreg $0xFFFFFFFF  }
0xa7: {  	s28 =	simm.s32 $_size_execute0_lowered;
	s3 =	sadd.s32 s3, s5;
	[dreg:$0x0] =	wrdreg $0x0  }
0xa8: {  	s5 =	sshll.u32 s28, $0x1;
	[dreg:$0x2] =	wrdreg s3  }
0xa9: {  	[dreg:$0x3] =	wrdreg s5  }
0xaa: {  	[dreg:$0x4] =	wrdreg $0xC0  }
0xab: {  	_ =	task [dreg:s7], $0x5FFFF  }
0xac: {  	[dreg:$0x1] =	wrdreg $0xFFFFFFFF  }
0xad: {  	[dreg:$0x0] =	wrdreg $0x60  }
0xae: {  	[dreg:$0x2] =	wrdreg s24  }
0xaf: {  	[dreg:$0x3] =	wrdreg s2  }
0xb0: {  	[dreg:$0x4] =	wrdreg $0x88000  }
0xb1: {  	[dreg:$0x5] =	wrdreg $0x9  }
0xb2: {  	_ =	task.clear_ibuf [dreg:s7], $0x6FFFF;
	_ =	strace $0x90000046  }
0xb3: {  	s29 =	simm.s32 $0x9;
	_ =	strace $0x80000048  }
0xb4: {  	_ =	swait.ge [sflag:s29], $0x1  }
0xb5: {  	[sflag:s29] =	ssyncadd.s32 $0xFFFFFFFF  }
0xb6: {  	_ =	strace $0x90000048  }
0xb7: {  	_ =	sfence  }
0xb8: {  	s30 =	sld [smem:$0x0];
	_ =	sdelay $0x2  }
0xb9: {  	s31 =	sshll.u32 s1, $0xD;
	s1 =	sshrl.u32 s1, $0x2  }
0xba: {  	s3 =	sand.u32 $0x4000, s31;
	s1 =	sadd.s32 s1, s30  }
0xbb: {  	s0 =	sor.u32 s3, s0;
	s1 =	sshll.u32 s1, $0x11  }
0xbc: {  	s0 =	sor.u32 s1, s0  }
0xbd: {  	s0 =	sadd.s32 $0x8F2B, s0  }
0xbe: {  	[sflag:s0] =	ssyncadd.remote.s32 $0x1  }
0xbf: {  	_ =	sfence.sel $0xFFFF  }
0xc0: {  	[dreg:$0x0] =	wrdreg $0xFFFFFFFF;
	(pc) =	sbr.abs _section_cstart, $3  }
0xc1: {  	[dreg:$0x1] =	wrdreg $0xFFFFFFFF  }
0xc2: {  	_ =	task.clear_ibuf [dreg:s7], $0x2FFFF;
	_ =	strace $0x9FFFFFFF  }
0xc3: {  	(tm) =	ssettm $0x7FFFFFFF  }
tec
execute0_lowered:
.L_overlay_start_1:
0x0: {  	(tag) =	ssettag $0x1  }
0x1: {  	s0 =	rddreg [dreg:$0x0]  }
0x2: {  	s2 =	rddreg [dreg:$0x1]  }
0x3: {  	s1 =	rddreg [dreg:$0x2]  }
0x4: {  	s3 =	simm.s32 $0x0;
	s14 =	stileid.u32;
	s5 =	srdreg.scid  }
0x5: {  	s28 =	simm.s32 $0x2;
	s29 =	simm.s32 $0x480;
	s30 =	simm.s32 $0x4  }
0x6: {  	s31 =	simm.s32 $0x180;
	[smem:$0x7FF] =	sst s3;
	s4 =	sadd.s32 $0xBA00, s0  }
0x7: {  	s6 =	sshll.u32 s14, $0x7;
	s5 =	sand.u32 $0x1, s5;
	s8 =	smul.u32 $0x4E000, s14  }
0x8: {  	s9 =	sadd.s32 $0x59C00, s0;
	s11 =	smul.u32 $0x2700, s14;
	s18 =	sshll.u32 s14, $0x6  }
0x9: {  	s20 =	sadd.s32 $0x6800, s0;
	p0 =	sne.s32 s14, $0xF;
	s14 =	simm.s32 $0x0  }
0xa: {  	_ =	strace $0x80000047;
	s7 =	sadd.s32 s6, s0;
	s13 =	ssub.s32 $0x2, s5  }
0xb: {  	s16 =	smul.u32 $0x27100, s5;
	s6 =	sadd.s32 $0x138000, s1;
	[dreg:$0x9] =	wrdreg s20  }
0xc: {  	s0 =	sadd.s32 $0xB800, s0;
	s20 =	simm.s32 $0x400;
	s10 =	sshrl.u32 s13, $0x1  }
0xd: {  	s15 =	sshrl.u32 s8, $0x2;
	s17 =	sadd.s32 s2, s11;
	[dreg:$0xa] =	wrdreg s0  }
0xe: {  	s2 =	sadd.s32 $0x27000, s2;
	[dreg:$0x6] =	wrdreg s6;
	s8 =	simm.s32 $0x780  }
0xf: {  	s10 =	ssub.s32 s13, s10;
	s12 =	sadd.s32 s15, s1;
	[dreg:$0x4] =	wrdreg s17  }
0x10: {  	s17 =	sor.u32 $0x1C05, s18;
	s11 =	sadd.s32 s11, s16;
	s13 =	smul.u32 $0x138800, s5  }
0x11: {  	[dreg:$0x7] =	wrdreg s2;
	s21 =	sadd.s32 s16, s9;
	s15 =	sadd.s32 $0x6A00, s7  }
0x12: {  	s16 =	sadd.s32 $0x1A00, s7;
	s18 =	simm.s32 $0x5;
	s2 =	simm.s32 $0x200  }
0x13: {  	v0 =	vmov s5;
	s7 =	simm.s32 $0x380;
	s5 =	simm.s32 $0x700;
	s19 =	sadd.s32 s9, s11  }
0x14: {  	s23 =	sadd.s32 $0x24900, s21;
	s25 =	smax.u32 s10, $0x1;
	[dreg:$0x5] =	wrdreg s17  }
0x15: {  	s26 =	sshrl.u32 s12, $0x3;
	s21 =	simm.s32 $0x80;
	[dreg:$0x8] =	wrdreg s19  }
0x16: {  	s10 =	simm.s32 $0x280;
	s11 =	simm.s32 $0x600;
	[dreg:$0xb] =	wrdreg s23  }
0x17: {  	s12 =	simm.s32 $0x300;
	s22 =	sshrl.u32 s13, $0x3;
	[dreg:$0xd] =	wrdreg s25  }
.Ltmp0:
0x18: {  	[dreg:$0xe] =	wrdreg s26;
	s23 =	simm.s32 $0x4800;
	(pc) =	sbr.rel .LBB2_1-.Ltmp0, $4  }
0x19: {  	s25 =	simm.s32 $0x3;
	s26 =	simm.s32 $0x100;
	s24 =	sadd.s32 s9, s22  }
0x1a: {  	s13 =	simm.s32 $0x680;
	s22 =	simm.s32 $0x800;
	s0 =	sadd.s32 $0x27000, s24  }
0x1b: {  	s9 =	simm.s32 $0x580;
	[dreg:$0xc] =	wrdreg s0;
	s0 =	sshrl.u32 @!p0 s6, $0x3  }
0x1c: {  	s24 =	simm.s32 $0x1;
	[dreg:$0xf] =	wrdreg s0;
	s0 =	simm.s32 $0x500  }
.LBB2_7:
0x1d: {  	[bflag:$0x0] =	sbarrier.arrive $0xFFFF  }
0x1e: {  	s17 =	rddreg [dreg:$0x5]  }
0x1f: {  	s6 =	rddreg [dreg:$0x8]  }
0x20: {  	s19 =	rddreg [dreg:$0xe]  }
0x21: {  	[hbm:s6], [sflag:s17] =	dma.local [spmem:s19], $0x2700  }
0x22: {  	_ =	swait.ge [sflag:s18], $0x2700  }
0x23: {  	[sflag:s18] =	ssyncset.done $0x0  }
0x24: {  	[sflag:s18] =	ssyncadd.s32 $0xFFFFD900  }
.LBB2_8:
0x25: {  	s14 =	sadd.s32 $0x1, s14;
	s6 =	rddreg [dreg:$0xd]  }
0x26: {  	p1 =	sne.s32 s14, s6  }
.Ltmp1:
0x27: {  	_ = 	snop;
	(pc) =	sbr.rel @!p1 .LBB2_9-.Ltmp1, $1  }
0x28: {  	_ =	sdelay $0x3  }
.LBB2_1:
0x29: {  	s6 =	rddreg [dreg:$0x4]  }
0x2a: {  	s19 =	rddreg [dreg:$0xe]  }
0x2b: {  	[spmem:s19], [sflag:s17] =	dma.local [hbm:s6], $0x2700  }
0x2c: {  	_ =	swait.ge [sflag:s18], $0x2700  }
0x2d: {  	[sflag:s18] =	ssyncset.done $0x0;
	s6 =	rddreg [dreg:$0x7]  }
0x2e: {  	s19 =	rddreg [dreg:$0xf];
	[sflag:s18] =	ssyncadd.s32 $0xFFFFD900  }
0x2f: {  	[spmem:s19], [sflag:s17] =	dma.local @!p0 [hbm:s6], $0x100  }
0x30: {  	s17 =	simm.s32 @!p0 $0x5  }
.Ltmp2:
0x31: {  	_ =	swait.ge @!p0 [sflag:s17], $0x100;
	(pc) =	sbr.rel .LBB2_2-.Ltmp2, $4  }
0x32: {  	[sflag:s17] =	ssyncset.done @!p0 $0x0  }
0x33: {  	[sflag:s17] =	ssyncadd.s32 @!p0 $0xFFFFFF00  }
0x34: {  	[bflag:$0x0] =	sbarrier.arrive $0xFFFF  }
0x35: {  	s19 =	stileid.u32;
	s17 =	simm.s32 $0x0  }
.LBB2_4:
0x36: {  	s17 =	sadd.s32 $0x800, s17  }
0x37: {  	p1 =	sne.s32 s17, $0x5000  }
.Ltmp3:
0x38: {  	_ = 	snop;
	(pc) =	sbr.rel @!p1 .LBB2_5-.Ltmp3, $2  }
0x39: {  	_ =	sdelay $0x2  }
0x3a: {  	s19 =	sadd.s32 $0x10, s19  }
.LBB2_2:
0x3b: {  	p1 =	sgt.u32 s19, $0x9B  }
.Ltmp4:
0x3c: {  	_ = 	snop;
	(pc) =	sbr.rel @p1 .LBB2_4-.Ltmp4, $1  }
0x3d: {  	_ =	sdelay $0x3  }
0x3e: {  	s6 =	sadd.s32 s17, s16  }
0x3f: {  	[tilespmem:s3], [sflag:$0x5] =	stream.linear.gather [hbm4b:s6+s3], $0x400, $0x38;
	[tilespmem:$0x1C080] =	vst v63  }
0x40: {  	_ =	swait.ge [sflag:s18], $0x400  }
0x41: {  	[sflag:s18] =	ssyncset.done $0x0  }
0x42: {  	s6 =	sadd.s32 s17, s15;
	[sflag:s18] =	ssyncadd.s32 $0xFFFFFC00  }
0x43: {  	[tilespmem:s20], [sflag:$0x5] =	stream.linear.gather [hbm4b:s6+s3], $0x400, $0x38;
	[tilespmem:$0x1C080] =	vst v63  }
0x44: {  	_ =	swait.ge [sflag:s18], $0x400  }
0x45: {  	[sflag:s18] =	ssyncset.done $0x0  }
0x46: {  	[sflag:s18] =	ssyncadd.s32 $0xFFFFFC00  }
0x47: {  	v1 =	vld [tilespmem:$0x0]  }
0x48: {  	v2 =	vld [tilespmem:$0x10]  }
0x49: {  	v3 =	vld [tilespmem:$0x20]  }
0x4a: {  	v4 =	vld [tilespmem:$0x30]  }
0x4b: {  	v5 =	vld [tilespmem:$0x40]  }
0x4c: {  	v6 =	vld [tilespmem:$0x50];
	v1 =	vadd.s32 v0, v1  }
0x4d: {  	[tilespmem:$0x0] =	vst v1;
	v1 =	vadd.s32 v0, v2;
	v2 =	vld [tilespmem:$0x60]  }
0x4e: {  	[tilespmem:$0x10] =	vst v1;
	v1 =	vadd.s32 v0, v3;
	v3 =	vld [tilespmem:$0x70]  }
0x4f: {  	v30 =	vld [tilespmem:$0x80];
	[tilespmem:$0x20] =	vst v1;
	v1 =	vadd.s32 v0, v4  }
0x50: {  	v31 =	vld [tilespmem:$0x90];
	[tilespmem:$0x30] =	vst v1;
	v1 =	vadd.s32 v0, v5  }
0x51: {  	v32 =	vld [tilespmem:$0xA0];
	[tilespmem:$0x40] =	vst v1;
	v1 =	vadd.s32 v0, v6  }
0x52: {  	[tilespmem:$0x50] =	vst v1;
	v1 =	vadd.s32 v0, v2;
	v2 =	vld [tilespmem:$0xB0]  }
0x53: {  	[tilespmem:$0x60] =	vst v1;
	v1 =	vadd.s32 v0, v3;
	v3 =	vld [tilespmem:$0xC0]  }
0x54: {  	v33 =	vld [tilespmem:$0xD0];
	[tilespmem:$0x70] =	vst v1;
	v1 =	vadd.s32 v0, v30  }
0x55: {  	v34 =	vld [tilespmem:$0xE0];
	[tilespmem:$0x80] =	vst v1;
	v1 =	vadd.s32 v0, v31  }
0x56: {  	v35 =	vld [tilespmem:$0xF0];
	[tilespmem:$0x90] =	vst v1;
	v1 =	vadd.s32 v0, v32  }
0x57: {  	[tilespmem:$0xA0] =	vst v1;
	v1 =	vadd.s32 v0, v2;
	v2 =	vld [tilespmem:$0x100]  }
0x58: {  	[tilespmem:$0xB0] =	vst v1;
	v1 =	vadd.s32 v0, v3;
	v3 =	vld [tilespmem:$0x110]  }
0x59: {  	v36 =	vld [tilespmem:$0x120];
	[tilespmem:$0xC0] =	vst v1;
	v1 =	vadd.s32 v0, v33  }
0x5a: {  	v37 =	vld [tilespmem:$0x130];
	[tilespmem:$0xD0] =	vst v1;
	v1 =	vadd.s32 v0, v34  }
0x5b: {  	v38 =	vld [tilespmem:$0x140];
	[tilespmem:$0xE0] =	vst v1;
	v1 =	vadd.s32 v0, v35  }
0x5c: {  	[tilespmem:$0xF0] =	vst v1;
	v1 =	vadd.s32 v0, v2;
	v2 =	vld [tilespmem:$0x150]  }
0x5d: {  	[tilespmem:$0x100] =	vst v1;
	v1 =	vadd.s32 v0, v3;
	v3 =	vld [tilespmem:$0x160]  }
0x5e: {  	v39 =	vld [tilespmem:$0x170];
	[tilespmem:$0x110] =	vst v1;
	v1 =	vadd.s32 v0, v36  }
0x5f: {  	v40 =	vld [tilespmem:$0x180];
	[tilespmem:$0x120] =	vst v1;
	v1 =	vadd.s32 v0, v37  }
0x60: {  	v41 =	vld [tilespmem:$0x190];
	[tilespmem:$0x130] =	vst v1;
	v1 =	vadd.s32 v0, v38  }
0x61: {  	[tilespmem:$0x140] =	vst v1;
	v1 =	vadd.s32 v0, v2;
	v2 =	vld [tilespmem:$0x1A0]  }
0x62: {  	[tilespmem:$0x150] =	vst v1;
	v1 =	vadd.s32 v0, v3;
	v3 =	vld [tilespmem:$0x1B0]  }
0x63: {  	v42 =	vld [tilespmem:$0x1C0];
	[tilespmem:$0x160] =	vst v1;
	v1 =	vadd.s32 v0, v39  }
0x64: {  	v43 =	vld [tilespmem:$0x1D0];
	[tilespmem:$0x170] =	vst v1;
	v1 =	vadd.s32 v0, v40  }
0x65: {  	v44 =	vld [tilespmem:$0x1E0];
	[tilespmem:$0x180] =	vst v1;
	v1 =	vadd.s32 v0, v41  }
0x66: {  	[tilespmem:$0x190] =	vst v1;
	v1 =	vadd.s32 v0, v2;
	v2 =	vld [tilespmem:$0x1F0]  }
0x67: {  	[tilespmem:$0x1A0] =	vst v1;
	v1 =	vadd.s32 v0, v3;
	v3 =	vld [tilespmem:$0x200]  }
0x68: {  	v45 =	vld [tilespmem:$0x210];
	[tilespmem:$0x1B0] =	vst v1;
	v1 =	vadd.s32 v0, v42  }
0x69: {  	v46 =	vld [tilespmem:$0x220];
	[tilespmem:$0x1C0] =	vst v1;
	v1 =	vadd.s32 v0, v43  }
0x6a: {  	v47 =	vld [tilespmem:$0x230];
	[tilespmem:$0x1D0] =	vst v1;
	v1 =	vadd.s32 v0, v44  }
0x6b: {  	[tilespmem:$0x1E0] =	vst v1;
	v1 =	vadd.s32 v0, v2;
	v2 =	vld [tilespmem:$0x240]  }
0x6c: {  	[tilespmem:$0x1F0] =	vst v1;
	v1 =	vadd.s32 v0, v3;
	v3 =	vld [tilespmem:$0x250]  }
0x6d: {  	v48 =	vld [tilespmem:$0x260];
	[tilespmem:$0x200] =	vst v1;
	v1 =	vadd.s32 v0, v45  }
0x6e: {  	v49 =	vld [tilespmem:$0x270];
	[tilespmem:$0x210] =	vst v1;
	v1 =	vadd.s32 v0, v46  }
0x6f: {  	v50 =	vld [tilespmem:$0x280];
	[tilespmem:$0x220] =	vst v1;
	v1 =	vadd.s32 v0, v47  }
0x70: {  	[tilespmem:$0x230] =	vst v1;
	v1 =	vadd.s32 v0, v2;
	v2 =	vld [tilespmem:$0x290]  }
0x71: {  	[tilespmem:$0x240] =	vst v1;
	v1 =	vadd.s32 v0, v3;
	v3 =	vld [tilespmem:$0x2A0]  }
0x72: {  	v51 =	vld [tilespmem:$0x2B0];
	[tilespmem:$0x250] =	vst v1;
	v1 =	vadd.s32 v0, v48  }
0x73: {  	v52 =	vld [tilespmem:$0x2C0];
	[tilespmem:$0x260] =	vst v1;
	v1 =	vadd.s32 v0, v49  }
0x74: {  	v53 =	vld [tilespmem:$0x2D0];
	[tilespmem:$0x270] =	vst v1;
	v1 =	vadd.s32 v0, v50  }
0x75: {  	[tilespmem:$0x280] =	vst v1;
	v1 =	vadd.s32 v0, v2;
	v2 =	vld [tilespmem:$0x2E0]  }
0x76: {  	[tilespmem:$0x290] =	vst v1;
	v1 =	vadd.s32 v0, v3;
	v3 =	vld [tilespmem:$0x2F0]  }
0x77: {  	v54 =	vld [tilespmem:$0x300];
	[tilespmem:$0x2A0] =	vst v1;
	v1 =	vadd.s32 v0, v51  }
0x78: {  	v55 =	vld [tilespmem:$0x310];
	[tilespmem:$0x2B0] =	vst v1;
	v1 =	vadd.s32 v0, v52  }
0x79: {  	v56 =	vld [tilespmem:$0x320];
	[tilespmem:$0x2C0] =	vst v1;
	v1 =	vadd.s32 v0, v53  }
0x7a: {  	[tilespmem:$0x2D0] =	vst v1;
	v1 =	vadd.s32 v0, v2;
	v2 =	vld [tilespmem:$0x330]  }
0x7b: {  	[tilespmem:$0x2E0] =	vst v1;
	v1 =	vadd.s32 v0, v3;
	v3 =	vld [tilespmem:$0x340]  }
0x7c: {  	v57 =	vld [tilespmem:$0x350];
	[tilespmem:$0x2F0] =	vst v1;
	v1 =	vadd.s32 v0, v54  }
0x7d: {  	v58 =	vld [tilespmem:$0x360];
	[tilespmem:$0x300] =	vst v1;
	v1 =	vadd.s32 v0, v55  }
0x7e: {  	v59 =	vld [tilespmem:$0x370];
	[tilespmem:$0x310] =	vst v1;
	v1 =	vadd.s32 v0, v56  }
0x7f: {  	[tilespmem:$0x320] =	vst v1;
	v1 =	vadd.s32 v0, v2;
	v2 =	vld [tilespmem:$0x380]  }
0x80: {  	[tilespmem:$0x330] =	vst v1;
	v1 =	vadd.s32 v0, v3;
	v3 =	vld [tilespmem:$0x390]  }
0x81: {  	v60 =	vld [tilespmem:$0x3A0];
	[tilespmem:$0x340] =	vst v1;
	v1 =	vadd.s32 v0, v57  }
0x82: {  	v61 =	vld [tilespmem:$0x3B0];
	[tilespmem:$0x350] =	vst v1;
	v1 =	vadd.s32 v0, v58  }
0x83: {  	v62 =	vld [tilespmem:$0x3C0];
	[tilespmem:$0x360] =	vst v1;
	v1 =	vadd.s32 v0, v59  }
0x84: {  	[tilespmem:$0x370] =	vst v1;
	v1 =	vadd.s32 v0, v2;
	v2 =	vld [tilespmem:$0x3D0]  }
0x85: {  	[tilespmem:$0x380] =	vst v1;
	v1 =	vadd.s32 v0, v3;
	v3 =	vld [tilespmem:$0x3E0]  }
0x86: {  	v63 =	vld [tilespmem:$0x3F0];
	[tilespmem:$0x390] =	vst v1;
	v1 =	vadd.s32 v0, v60  }
0x87: {  	[tilespmem:$0x3A0] =	vst v1;
	v1 =	vadd.s32 v0, v61  }
0x88: {  	[tilespmem:$0x3B0] =	vst v1;
	v1 =	vadd.s32 v0, v62  }
0x89: {  	[tilespmem:$0x3C0] =	vst v1;
	v1 =	vadd.s32 v0, v2  }
0x8a: {  	[tilespmem:$0x3D0] =	vst v1;
	v1 =	vadd.s32 v0, v3  }
0x8b: {  	[tilespmem:$0x3E0] =	vst v1;
	v1 =	vadd.s32 v0, v63  }
0x8c: {  	[tilespmem:$0x3F0] =	vst v1  }
0x8d: {  	[tilespmem:s22], [sflag:$0x1] =	stream.indirect.gather [hbm4b:s4+s21], $0x80, s3, s21, $0xb8;
	[tilespmem:$0x1C080] =	vst v63  }
0x8e: {  	_ = 	snop  }
0x8f: {  	[tilespmem:s23], [sflag:$0x2] =	stream.indirect.gather [hbm4b:s4+s21], $0x80, s21, s21, $0xb8;
	[tilespmem:$0x1C080] =	vst v63  }
0x90: {  	_ =	swait.ge [sflag:s24], $0x4000  }
0x91: {  	[sflag:s24] =	ssyncset.done $0x0  }
0x92: {  	[sflag:s24] =	ssyncadd.s32 $0xFFFFC000  }
0x93: {  	[spmem:s1] =	stream.indirect.scatter.add.f32 [tilespmem:s22], [sflag:$0x3], $0x80, s20, s21, $0xb8;
	[tilespmem:$0x1C080] =	vst v63  }
0x94: {  	_ =	swait.ge [sflag:s25], $0x4000  }
0x95: {  	[sflag:s25] =	ssyncset.done $0x0  }
0x96: {  	[sflag:s25] =	ssyncadd.s32 $0xFFFFC000  }
0x97: {  	[tilespmem:s22], [sflag:$0x1] =	stream.indirect.gather [hbm4b:s4+s21], $0x80, s26, s21, $0xb8;
	[tilespmem:$0x1C080] =	vst v63  }
0x98: {  	_ =	swait.ge [sflag:s28], $0x4000  }
0x99: {  	[sflag:s28] =	ssyncset.done $0x0  }
0x9a: {  	[sflag:s28] =	ssyncadd.s32 $0xFFFFC000  }
0x9b: {  	[spmem:s1] =	stream.indirect.scatter.add.f32 [tilespmem:s23], [sflag:$0x4], $0x80, s29, s21, $0xb8;
	[tilespmem:$0x1C080] =	vst v63  }
0x9c: {  	_ =	swait.ge [sflag:s30], $0x4000  }
0x9d: {  	[sflag:s30] =	ssyncset.done $0x0  }
0x9e: {  	[sflag:s30] =	ssyncadd.s32 $0xFFFFC000  }
0x9f: {  	[tilespmem:s23], [sflag:$0x2] =	stream.indirect.gather [hbm4b:s4+s21], $0x80, s31, s21, $0xb8;
	[tilespmem:$0x1C080] =	vst v63  }
0xa0: {  	_ =	swait.ge [sflag:s24], $0x4000  }
0xa1: {  	[sflag:s24] =	ssyncset.done $0x0  }
0xa2: {  	[sflag:s24] =	ssyncadd.s32 $0xFFFFC000  }
0xa3: {  	[spmem:s1] =	stream.indirect.scatter.add.f32 [tilespmem:s22], [sflag:$0x3], $0x80, s0, s21, $0xb8;
	[tilespmem:$0x1C080] =	vst v63  }
0xa4: {  	_ =	swait.ge [sflag:s25], $0x4000  }
0xa5: {  	[sflag:s25] =	ssyncset.done $0x0  }
0xa6: {  	[sflag:s25] =	ssyncadd.s32 $0xFFFFC000  }
0xa7: {  	[tilespmem:s22], [sflag:$0x1] =	stream.indirect.gather [hbm4b:s4+s21], $0x80, s2, s21, $0xb8;
	[tilespmem:$0x1C080] =	vst v63  }
0xa8: {  	_ =	swait.ge [sflag:s28], $0x4000  }
0xa9: {  	[sflag:s28] =	ssyncset.done $0x0  }
0xaa: {  	[sflag:s28] =	ssyncadd.s32 $0xFFFFC000  }
0xab: {  	[spmem:s1] =	stream.indirect.scatter.add.f32 [tilespmem:s23], [sflag:$0x4], $0x80, s9, s21, $0xb8;
	[tilespmem:$0x1C080] =	vst v63  }
0xac: {  	_ =	swait.ge [sflag:s30], $0x4000  }
0xad: {  	[sflag:s30] =	ssyncset.done $0x0  }
0xae: {  	[sflag:s30] =	ssyncadd.s32 $0xFFFFC000  }
0xaf: {  	[tilespmem:s23], [sflag:$0x2] =	stream.indirect.gather [hbm4b:s4+s21], $0x80, s10, s21, $0xb8;
	[tilespmem:$0x1C080] =	vst v63  }
0xb0: {  	_ =	swait.ge [sflag:s24], $0x4000  }
0xb1: {  	[sflag:s24] =	ssyncset.done $0x0  }
0xb2: {  	[sflag:s24] =	ssyncadd.s32 $0xFFFFC000  }
0xb3: {  	[spmem:s1] =	stream.indirect.scatter.add.f32 [tilespmem:s22], [sflag:$0x3], $0x80, s11, s21, $0xb8;
	[tilespmem:$0x1C080] =	vst v63  }
0xb4: {  	_ =	swait.ge [sflag:s25], $0x4000  }
0xb5: {  	[sflag:s25] =	ssyncset.done $0x0  }
0xb6: {  	[sflag:s25] =	ssyncadd.s32 $0xFFFFC000  }
0xb7: {  	[tilespmem:s22], [sflag:$0x1] =	stream.indirect.gather [hbm4b:s4+s21], $0x80, s12, s21, $0xb8;
	[tilespmem:$0x1C080] =	vst v63  }
0xb8: {  	_ =	swait.ge [sflag:s28], $0x4000  }
0xb9: {  	[sflag:s28] =	ssyncset.done $0x0  }
0xba: {  	[sflag:s28] =	ssyncadd.s32 $0xFFFFC000  }
0xbb: {  	[spmem:s1] =	stream.indirect.scatter.add.f32 [tilespmem:s23], [sflag:$0x4], $0x80, s13, s21, $0xb8;
	[tilespmem:$0x1C080] =	vst v63  }
0xbc: {  	_ =	swait.ge [sflag:s30], $0x4000  }
0xbd: {  	[sflag:s30] =	ssyncset.done $0x0  }
0xbe: {  	[sflag:s30] =	ssyncadd.s32 $0xFFFFC000  }
0xbf: {  	[tilespmem:s23], [sflag:$0x2] =	stream.indirect.gather [hbm4b:s4+s21], $0x80, s7, s21, $0xb8;
	[tilespmem:$0x1C080] =	vst v63  }
0xc0: {  	_ =	swait.ge [sflag:s24], $0x4000  }
0xc1: {  	[sflag:s24] =	ssyncset.done $0x0  }
0xc2: {  	[sflag:s24] =	ssyncadd.s32 $0xFFFFC000  }
0xc3: {  	[spmem:s1] =	stream.indirect.scatter.add.f32 [tilespmem:s22], [sflag:$0x3], $0x80, s5, s21, $0xb8;
	[tilespmem:$0x1C080] =	vst v63  }
0xc4: {  	_ =	swait.ge [sflag:s28], $0x4000  }
0xc5: {  	[sflag:s28] =	ssyncset.done $0x0  }
0xc6: {  	[sflag:s28] =	ssyncadd.s32 $0xFFFFC000  }
0xc7: {  	[spmem:s1] =	stream.indirect.scatter.add.f32 [tilespmem:s23], [sflag:$0x4], $0x80, s8, s21, $0xb8;
	[tilespmem:$0x1C080] =	vst v63  }
0xc8: {  	_ =	swait.ge [sflag:s25], $0x4000  }
.Ltmp5:
0xc9: {  	[sflag:s25] =	ssyncset.done $0x0;
	(pc) =	sbr.rel .LBB2_4-.Ltmp5, $4  }
0xca: {  	[sflag:s25] =	ssyncadd.s32 $0xFFFFC000  }
0xcb: {  	_ =	swait.ge [sflag:s30], $0x4000  }
0xcc: {  	[sflag:s30] =	ssyncset.done $0x0  }
0xcd: {  	[sflag:s30] =	ssyncadd.s32 $0xFFFFC000  }
.LBB2_5:
.Ltmp6:
0xce: {  	(pc) =	sbr.rel @p0 .LBB2_7-.Ltmp6, $1  }
0xcf: {  	_ =	sdelay $0x3  }
0xd0: {  	s6 =	rddreg [dreg:$0x9]  }
0xd1: {  	[tilespmem:s3], [sflag:$0x5] =	stream.linear.gather [hbm4b:s6+s3], $0x100, $0x38;
	[tilespmem:$0x1C080] =	vst v63  }
0xd2: {  	_ =	swait.ge [sflag:s18], $0x100  }
0xd3: {  	[sflag:s18] =	ssyncset.done $0x0  }
0xd4: {  	s17 =	rddreg [dreg:$0xa];
	[sflag:s18] =	ssyncadd.s32 $0xFFFFFF00  }
0xd5: {  	[tilespmem:s20], [sflag:$0x5] =	stream.linear.gather [hbm4b:s17+s3], $0x100, $0x38;
	[tilespmem:$0x1C080] =	vst v63  }
0xd6: {  	_ =	swait.ge [sflag:s18], $0x100  }
0xd7: {  	[sflag:s18] =	ssyncset.done $0x0  }
0xd8: {  	[sflag:s18] =	ssyncadd.s32 $0xFFFFFF00  }
0xd9: {  	v1 =	vld [tilespmem:$0x0]  }
0xda: {  	v2 =	vld [tilespmem:$0x10]  }
0xdb: {  	v3 =	vld [tilespmem:$0x20]  }
0xdc: {  	v4 =	vld [tilespmem:$0x30]  }
0xdd: {  	v5 =	vld [tilespmem:$0x40]  }
0xde: {  	v6 =	vld [tilespmem:$0x50];
	v1 =	vadd.s32 v0, v1  }
0xdf: {  	[tilespmem:$0x0] =	vst v1;
	v1 =	vadd.s32 v0, v2;
	v2 =	vld [tilespmem:$0x60]  }
0xe0: {  	[tilespmem:$0x10] =	vst v1;
	v1 =	vadd.s32 v0, v3;
	v3 =	vld [tilespmem:$0x70]  }
0xe1: {  	v58 =	vld [tilespmem:$0x80];
	[tilespmem:$0x20] =	vst v1;
	v1 =	vadd.s32 v0, v4  }
0xe2: {  	v59 =	vld [tilespmem:$0x90];
	[tilespmem:$0x30] =	vst v1;
	v1 =	vadd.s32 v0, v5  }
0xe3: {  	v60 =	vld [tilespmem:$0xA0];
	[tilespmem:$0x40] =	vst v1;
	v1 =	vadd.s32 v0, v6  }
0xe4: {  	[tilespmem:$0x50] =	vst v1;
	v1 =	vadd.s32 v0, v2;
	v2 =	vld [tilespmem:$0xB0]  }
0xe5: {  	[tilespmem:$0x60] =	vst v1;
	v1 =	vadd.s32 v0, v3;
	v3 =	vld [tilespmem:$0xC0]  }
0xe6: {  	v61 =	vld [tilespmem:$0xD0];
	[tilespmem:$0x70] =	vst v1;
	v1 =	vadd.s32 v0, v58  }
0xe7: {  	v62 =	vld [tilespmem:$0xE0];
	[tilespmem:$0x80] =	vst v1;
	v1 =	vadd.s32 v0, v59  }
0xe8: {  	v63 =	vld [tilespmem:$0xF0];
	[tilespmem:$0x90] =	vst v1;
	v1 =	vadd.s32 v0, v60  }
0xe9: {  	[tilespmem:$0xA0] =	vst v1;
	v1 =	vadd.s32 v0, v2  }
0xea: {  	[tilespmem:$0xB0] =	vst v1;
	v1 =	vadd.s32 v0, v3  }
0xeb: {  	[tilespmem:$0xC0] =	vst v1;
	v1 =	vadd.s32 v0, v61  }
0xec: {  	[tilespmem:$0xD0] =	vst v1;
	v1 =	vadd.s32 v0, v62  }
0xed: {  	[tilespmem:$0xE0] =	vst v1;
	v1 =	vadd.s32 v0, v63  }
0xee: {  	[tilespmem:$0xF0] =	vst v1  }
0xef: {  	[tilespmem:s22], [sflag:$0x1] =	stream.indirect.gather [hbm4b:s4+s21], $0x80, s3, s21, $0xb8;
	[tilespmem:$0x1C080] =	vst v63  }
0xf0: {  	_ = 	snop  }
0xf1: {  	[tilespmem:s23], [sflag:$0x2] =	stream.indirect.gather [hbm4b:s4+s21], $0x80, s21, s21, $0xb8;
	[tilespmem:$0x1C080] =	vst v63  }
0xf2: {  	_ =	swait.ge [sflag:s24], $0x4000  }
0xf3: {  	[sflag:s24] =	ssyncset.done $0x0  }
0xf4: {  	[sflag:s24] =	ssyncadd.s32 $0xFFFFC000  }
0xf5: {  	[spmem:s1] =	stream.indirect.scatter.add.f32 [tilespmem:s22], [sflag:$0x3], $0x80, s20, s21, $0xb8;
	[tilespmem:$0x1C080] =	vst v63  }
0xf6: {  	_ =	swait.ge [sflag:s28], $0x4000  }
0xf7: {  	[sflag:s28] =	ssyncset.done $0x0  }
0xf8: {  	[sflag:s28] =	ssyncadd.s32 $0xFFFFC000  }
0xf9: {  	[spmem:s1] =	stream.indirect.scatter.add.f32 [tilespmem:s23], [sflag:$0x4], $0x80, s29, s21, $0xb8;
	[tilespmem:$0x1C080] =	vst v63  }
0xfa: {  	_ =	swait.ge [sflag:s25], $0x4000  }
0xfb: {  	[sflag:s25] =	ssyncset.done $0x0  }
0xfc: {  	[sflag:s25] =	ssyncadd.s32 $0xFFFFC000  }
0xfd: {  	_ =	swait.ge [sflag:s30], $0x4000  }
0xfe: {  	[sflag:s30] =	ssyncset.done $0x0  }
0xff: {  	[sflag:s30] =	ssyncadd.s32 $0xFFFFC000  }
0x100: {  	[bflag:$0x0] =	sbarrier.arrive $0xFFFF  }
0x101: {  	s17 =	rddreg [dreg:$0x5]  }
0x102: {  	s6 =	rddreg [dreg:$0xb]  }
0x103: {  	s19 =	rddreg [dreg:$0xe]  }
0x104: {  	[hbm:s6], [sflag:s17] =	dma.local [spmem:s19], $0x2700  }
0x105: {  	_ =	swait.ge [sflag:s18], $0x2700  }
0x106: {  	[sflag:s18] =	ssyncset.done $0x0  }
0x107: {  	s19 =	rddreg [dreg:$0x6];
	[sflag:s18] =	ssyncadd.s32 $0xFFFFD900  }
.Ltmp7:
0x108: {  	s6 =	sshrl.u32 s19, $0x3;
	s19 =	rddreg [dreg:$0xc];
	(pc) =	sbr.rel .LBB2_8-.Ltmp7, $4  }
0x109: {  	[hbm:s19], [sflag:s17] =	dma.local [spmem:s6], $0x100  }
0x10a: {  	_ =	swait.ge [sflag:s18], $0x100  }
0x10b: {  	[sflag:s18] =	ssyncset.done $0x0  }
0x10c: {  	[sflag:s18] =	ssyncadd.s32 $0xFFFFFF00  }
.LBB2_9:
0x10d: {  	_ =	sfence.sel $0x180000  }
0x10e: {  	[bflag:$0x0] =	sbarrier.arrive $0xFFFF  }
0x10f: {  	_ =	strace $0x90000047  }
0x110: {  	s0 =	stileid.u32;
	[bflag:$0x2] =	sbarrier.arrive $0xFFFF  }
0x111: {  	p0 =	sne.s32 s0, $0x0;
	s0 =	rddreg [dreg:$0x3]  }
0x112: {  	s0 =	sadd.s32 @!p0 $0x100000, s0  }
0x113: {  	[sflag:s0] =	ssyncadd.tile.s32 @!p0 $0x1;
	_ =	shalt  }
.Lfunc_end2:
_tile_overlayer_lowered:
.L_overlay_start_2:
0x114: {  	(tag) =	ssettag $0x2  }
0x115: {  	s0 =	rddreg [dreg:$0x0];
	s2 =	stileid.u32  }
0x116: {  	s1 =	rddreg [dreg:$0x1];
	p0 =	sne.s32 s2, $0x0  }
0x117: {  	s3 =	rddreg [dreg:$0x2];
	[bflag:$0x3] =	sbarrier.arrive $0xFFFF;
	s2 =	simm.s32 @!p0 $0x1C05  }
0x118: {  	[timem:s3], [sflag:s2] =	dma.local @!p0 [hbm:s0], s1  }
0x119: {  	s0 =	simm.s32 @!p0 $0x5  }
0x11a: {  	_ =	swait.ge @!p0 [sflag:s0], s1  }
0x11b: {  	s1 =	ssub.s32 @!p0 $0x0, s1;
	[sflag:s0] =	ssyncset.done @!p0 $0x0  }
0x11c: {  	[sflag:s0] =	ssyncadd.s32 @!p0 s1  }
0x11d: {  	[bflag:$0x3] =	sbarrier.arrive $0xFFFF  }
0x11e: {  	_ =	shalt  }

// kernel: kernel.8.cloned.1.call-start
scs
__scs_entry_jumppad:
0x0: {  	(pc) =	sbr.rel $0x88, $3  }
0x1: {  	(tag) =	ssettag $0x0;
	lr =	simm.s32 $0x1  }
0x2: {  	[smem:$0x3F9A] =	sst lr;
	_ =	strace $0xD0000000  }
0x3: {  	_ = 	snop  }
0x4: {  	_ = 	snop  }
0x5: {  	_ = 	snop  }
0x6: {  	_ = 	snop  }
0x7: {  	_ = 	snop  }
__scs_overlays_trampoline_lowered:
0x8: {  	[smem:$0x3FA9] =	sst s0  }
0x9: {  	[smem:$0x3FAA] =	sst s1  }
0xa: {  	[smem:$0x3FAB] =	sst s2  }
0xb: {  	[smem:$0x3FAC] =	sst s3  }
0xc: {  	[smem:$0x3FAD] =	sst s4  }
0xd: {  	[smem:$0x3FAE] =	sst s5  }
0xe: {  	[smem:$0x3FAF] =	sst s6  }
0xf: {  	[smem:$0x3FB0] =	sst s7  }
0x10: {  	[smem:$0x3FB1] =	sst s8  }
0x11: {  	[smem:$0x3FB2] =	sst s9;
	s0 =	simm.s32 @!p0 $0x0  }
0x12: {  	s1 =	sld [smem:$0x3F98];
	s0 =	simm.s32 @p0 $0x1  }
0x13: {  	[smem:$0x3FB3] =	sst s0;
	s0 =	simm.s32 @!p1 $0x0  }
0x14: {  	s2 =	sld [smem:$0x3F97];
	s0 =	simm.s32 @p1 $0x1  }
0x15: {  	[smem:$0x3FB4] =	sst s0;
	s0 =	simm.s32 @!p2 $0x0  }
0x16: {  	s3 =	sld [smem:$0x3FDB];
	s0 =	simm.s32 @p2 $0x1  }
0x17: {  	s4 =	simm.s32 $0x1BF5;
	[smem:$0x3FB6] =	sst s0  }
0x18: {  	s0 =	sld [smem:$0x3F99];
	_ =	swait.ge [sflag:s4], $0x0  }
0x19: {  	s7 =	sld [smem:$0x3F9A]  }
0x1a: {  	s8 =	sadd.s32 $0xFFFFE003, lr  }
0x1b: {  	s9 =	sadd.s32 $0xFFFFFEF7, lr;
	s5 =	simm.s32 $0xFFFFFFFF;
	p2 =	slt.u32 s8, $0xFFFFF086  }
0x1c: {  	p1 =	slt.u32 s9, $0xF7A;
	s5 =	simm.s32 @!p2 $0x0  }
0x1d: {  	s5 =	simm.s32 @p1 $0x1;
	p0 =	seq.s32 s7, s2  }
0x1e: {  	s7 =	smul.u32 @!p0 $0xF7A, s2;
	p2 =	seq.s32 @!p0 s5, $0x0  }
0x1f: {  	s9 =	smul.u32 $0xF7A, s1;
	s8 =	simm.s32 @!p0 $0x1BF5;
	p2 =	por !p2, p0  }
0x20: {  	[sflag:s8] =	ssyncset.s32 @!p0 $0xFFFFF086;
	s6 =	sadd.s32 @!p0 s3, s7;
	s7 =	simm.s32 @!p0 $0x108  }
0x21: {  	s3 =	sadd.s32 s3, s9;
	s6 =	sadd.s32 @!p0 $0x88, s6;
	s7 =	simm.s32 @p2 $0x1082  }
0x22: {  	[simem:s7], [sflag:s8] =	dma.local @!p0 [hbm:s6], $0xF7A  }
0x23: {  	s9 =	sor.u32 $0xD0000000, s2;
	s6 =	simm.s32 $0x108;
	_ =	swait.ge @!p0 [sflag:s8], $0x0  }
0x24: {  	s3 =	sadd.s32 $0x88, s3;
	s6 =	simm.s32 @!p1 $0x1082;
	[sflag:s4] =	ssyncset.s32 $0xFFFFF086  }
0x25: {  	[simem:s6], [sflag:s4] =	dma.local [hbm:s3], $0xF7A  }
0x26: {  	[smem:$0x3F9A] =	sst s1;
	(tag) =	ssettag s2;
	_ =	strace s9  }
0x27: {  	s1 =	sld [smem:$0x3FAA]  }
0x28: {  	s2 =	sld [smem:$0x3FAB]  }
0x29: {  	s4 =	sld [smem:$0x3FAD]  }
0x2a: {  	p0 =	seq.s32 s5, $0x0;
	s5 =	sld [smem:$0x3FAE]  }
0x2b: {  	s6 =	sld [smem:$0x3FAF]  }
0x2c: {  	s7 =	sld [smem:$0x3FB0]  }
0x2d: {  	s3 =	simm.s32 $0x108;
	s8 =	sld [smem:$0x3FB1]  }
0x2e: {  	s3 =	simm.s32 @!p0 $0x1082;
	s9 =	sld [smem:$0x3FB2]  }
0x2f: {  	lr =	sadd.s32 s0, s3;
	s0 =	sld [smem:$0x3FA9]  }
0x30: {  	s3 =	sld [smem:$0x3FAC]  }
0x31: {  	[smem:$0x3FB5] =	sst s10  }
0x32: {  	s10 =	sld [smem:$0x3FB3];
	_ =	sdelay $0x3  }
0x33: {  	p0 =	seq.s32 s10, $0x1;
	s10 =	sld [smem:$0x3FB5];
	_ =	sdelay $0x3  }
0x34: {  	[smem:$0x3FB5] =	sst s10  }
0x35: {  	s10 =	sld [smem:$0x3FB4];
	_ =	sdelay $0x3  }
0x36: {  	p1 =	seq.s32 s10, $0x1;
	s10 =	sld [smem:$0x3FB5];
	_ =	sdelay $0x3  }
0x37: {  	[smem:$0x3FB5] =	sst s10  }
0x38: {  	s10 =	sld [smem:$0x3FB6]  }
0x39: {  	_ = 	snop;
	(pc) =	sbr.ind lr, $3  }
0x3a: {  	_ = 	snop  }
0x3b: {  	_ = 	snop  }
0x3c: {  	p2 =	seq.s32 s10, $0x1;
	s10 =	sld [smem:$0x3FB5]  }
0x3d: {  	_ =	shalt  }
0x3e: {  	_ =	shalt  }
0x3f: {  	_ =	shalt  }
0x40: {  	_ =	shalt  }
0x41: {  	_ =	shalt  }
0x42: {  	_ =	shalt  }
0x43: {  	_ =	shalt  }
0x44: {  	_ =	shalt  }
0x45: {  	_ =	shalt  }
0x46: {  	_ =	shalt  }
0x47: {  	_ =	shalt  }
0x48: {  	_ =	shalt  }
0x49: {  	_ =	shalt  }
0x4a: {  	_ =	shalt  }
0x4b: {  	_ =	shalt  }
0x4c: {  	_ =	shalt  }
0x4d: {  	_ =	shalt  }
0x4e: {  	_ =	shalt  }
0x4f: {  	_ =	shalt  }
0x50: {  	_ =	shalt  }
0x51: {  	_ =	shalt  }
0x52: {  	_ =	shalt  }
0x53: {  	_ =	shalt  }
0x54: {  	_ =	shalt  }
0x55: {  	_ =	shalt  }
0x56: {  	_ =	shalt  }
0x57: {  	_ =	shalt  }
0x58: {  	_ =	shalt  }
0x59: {  	_ =	shalt  }
0x5a: {  	_ =	shalt  }
0x5b: {  	_ =	shalt  }
0x5c: {  	_ =	shalt  }
0x5d: {  	_ =	shalt  }
0x5e: {  	_ =	shalt  }
0x5f: {  	_ =	shalt  }
0x60: {  	_ =	shalt  }
0x61: {  	_ =	shalt  }
0x62: {  	_ =	shalt  }
0x63: {  	_ =	shalt  }
0x64: {  	_ =	shalt  }
0x65: {  	_ =	shalt  }
0x66: {  	_ =	shalt  }
0x67: {  	_ =	shalt  }
0x68: {  	_ =	shalt  }
0x69: {  	_ =	shalt  }
0x6a: {  	_ =	shalt  }
0x6b: {  	_ =	shalt  }
0x6c: {  	_ =	shalt  }
0x6d: {  	_ =	shalt  }
0x6e: {  	_ =	shalt  }
0x6f: {  	_ =	shalt  }
0x70: {  	_ =	shalt  }
0x71: {  	_ =	shalt  }
0x72: {  	_ =	shalt  }
0x73: {  	_ =	shalt  }
0x74: {  	_ =	shalt  }
0x75: {  	_ =	shalt  }
0x76: {  	_ =	shalt  }
0x77: {  	_ =	shalt  }
0x78: {  	_ =	shalt  }
0x79: {  	_ =	shalt  }
0x7a: {  	_ =	shalt  }
0x7b: {  	_ =	shalt  }
0x7c: {  	_ =	shalt  }
0x7d: {  	_ =	shalt  }
0x7e: {  	_ =	shalt  }
0x7f: {  	_ =	shalt  }
0x80: {  	_ =	shalt  }
0x81: {  	_ =	shalt  }
0x82: {  	_ =	shalt  }
0x83: {  	_ =	shalt  }
0x84: {  	_ =	shalt  }
0x85: {  	_ =	shalt  }
0x86: {  	_ =	shalt  }
0x87: {  	_ =	shalt  }
.Lfunc_end0:
.L_simem_size_0:
called_computation.1_lowered:
.L_overlay_start_0:
0x88: {  	s2 =	sld [smem:$0x3FD9]  }
0x89: {  	s3 =	sld [smem:$0x3FFE];
	_ =	sdelay $0x1  }
0x8a: {  	s1 =	srdreg.scid  }
0x8b: {  	s0 =	sand.u32 $0x1, s1  }
0x8c: {  	s17 =	sshll.u32 s0, $0xA;
	s2 =	sadd.s32 s3, s2  }
0x8d: {  	s2 =	sadd.s32 s2, s17  }
0x8e: {  	[smem:$0x3FC1] =	sst s2  }
0x8f: {  	_ = 	snop  }
0x90: {  	s18 =	sld [smem:$0x3FD0];
	(tm) =	ssettm $0x1  }
0x91: {  	s19 =	sld [smem:$0x3FFB];
	_ =	sdelay $0x3  }
0x92: {  	_ =	strace s19  }
0x93: {  	s2 =	sld [smem:$0x3FFC];
	_ =	sdelay $0x3  }
0x94: {  	_ =	strace s2  }
0x95: {  	s2 =	sld [smem:$0x3FFD];
	_ =	sdelay $0x3  }
0x96: {  	_ =	strace s2  }
0x97: {  	_ =	strace $0x8FFFFFFF  }
0x98: {  	s20 =	sld [smem:$0x3FDB];
	_ =	sdelay $0x1  }
0x99: {  	s4 =	simm.s32 $_scs_section_size  }
0x9a: {  	s5 =	simm.s32 $_size__tile_overlayer_lowered;
	s6 =	simm.s32 $_tile_overlayer_lowered  }
0x9b: {  	s7 =	simm.s32 $0x1BFF;
	s21 =	sshll.u32 s6, $0x1;
	s4 =	sadd.s32 s4, s20  }
0x9c: {  	s22 =	simm.s32 $0x0;
	s5 =	sshll.u32 s5, $0x1;
	s6 =	sadd.s32 s21, s4  }
0x9d: {  	[timem:s22], [sflag:s7] =	dma.local [hbm:s6], s5  }
0x9e: {  	_ =	swait.ge [sflag:s7], s5  }
0x9f: {  	s5 =	ssub.s32 $0x0, s5;
	[sflag:s7] =	ssyncset.done $0x0  }
0xa0: {  	[sflag:s7] =	ssyncadd.s32 s5;
	_ =	sdelay $0x1  }
0xa1: {  	s23 =	simm.s32 $0x1B8B  }
0xa2: {  	_ =	swait.ge [sflag:s23], $0x1  }
0xa3: {  	[sflag:s23] =	ssyncset.done $0x0  }
0xa4: {  	[sflag:s23] =	ssyncadd.s32 $0xFFFFFFFF  }
0xa5: {  	s5 =	sld [smem:$0x0]  }
0xa6: {  	s6 =	sand.u32 $0xFFFFFFFE, s1  }
0xa7: {  	p0 =	sne.s32 s1, s6  }
0xa8: {  	s6 =	sshll.u32 @p0 s6, $0xE  }
0xa9: {  	s6 =	sadd.s32 @p0 $0x11B8D, s6;
	s7 =	sshll.u32 @p0 s5, $0x11  }
0xaa: {  	s6 =	sor.u32 @p0 s7, s6  }
0xab: {  	[sflag:s6] =	ssyncadd.remote.s32 @p0 $0x1;
	_ =	sdelay $0x1  }
0xac: {  	s6 =	simm.s32 @p0 $0x1B8D  }
0xad: {  	_ =	swait.eq @p0 [sflag:s6], $0x1  }
0xae: {  	[sflag:s6] =	ssyncadd.s32 @p0 $0xFFFFFFFF  }
0xaf: {  	s7 =	sshll.u32 @!p0 s1, $0xE  }
0xb0: {  	s7 =	sor.u32 @!p0 $0x4000, s7;
	s6 =	simm.s32 @!p0 $0x1B8D  }
0xb1: {  	s5 =	sshll.u32 @!p0 s5, $0x11;
	s7 =	sadd.s32 @!p0 $0x11B8D, s7;
	_ =	swait.eq @!p0 [sflag:s6], $0x1  }
0xb2: {  	s5 =	sor.u32 @!p0 s5, s7;
	[sflag:s6] =	ssyncadd.s32 @!p0 $0xFFFFFFFF  }
0xb3: {  	s25 =	simm.s32 $0x1B8E;
	s24 =	sld [smem:$0x3FFE];
	[sflag:s5] =	ssyncadd.remote.s32 @!p0 $0x1  }
0xb4: {  	s26 =	simm.s32 $execute0_lowered;
	[smem:$0x3FD2] =	sst s25  }
0xb5: {  	s6 =	sshll.u32 s26, $0x1;
	_ =	strace $0x80000049;
	[dreg:$0x1] =	wrdreg $0xFFFFFFFF  }
0xb6: {  	s28 =	simm.s32 $_size_execute0_lowered;
	s4 =	sadd.s32 s4, s6;
	[dreg:$0x0] =	wrdreg $0x0  }
0xb7: {  	s6 =	sshll.u32 s28, $0x1;
	[dreg:$0x2] =	wrdreg s4  }
0xb8: {  	[dreg:$0x3] =	wrdreg s6  }
0xb9: {  	[dreg:$0x4] =	wrdreg $0xC0  }
0xba: {  	_ =	task [dreg:s22], $0x5FFFF  }
0xbb: {  	[dreg:$0x1] =	wrdreg $0xFFFFFFFF  }
0xbc: {  	[dreg:$0x0] =	wrdreg $0x60  }
0xbd: {  	[dreg:$0x2] =	wrdreg s24  }
0xbe: {  	[dreg:$0x3] =	wrdreg s18  }
0xbf: {  	[dreg:$0x4] =	wrdreg $0x44000  }
0xc0: {  	[dreg:$0x5] =	wrdreg $0xA  }
0xc1: {  	_ =	task.clear_ibuf [dreg:s22], $0x6FFFF;
	_ =	strace $0x90000049  }
0xc2: {  	s29 =	simm.s32 $0xA;
	_ =	strace $0x8000004B  }
0xc3: {  	_ =	swait.ge [sflag:s29], $0x1  }
0xc4: {  	[sflag:s29] =	ssyncadd.s32 $0xFFFFFFFF  }
0xc5: {  	_ =	strace $0x9000004B  }
0xc6: {  	_ =	sfence  }
0xc7: {  	s30 =	sld [smem:$0x0];
	_ =	sdelay $0x2  }
0xc8: {  	s31 =	sshll.u32 s1, $0xD;
	s1 =	sshrl.u32 s1, $0x2  }
0xc9: {  	s4 =	sand.u32 $0x4000, s31;
	s1 =	sadd.s32 s1, s30  }
0xca: {  	s0 =	sor.u32 s4, s0;
	s1 =	sshll.u32 s1, $0x11  }
0xcb: {  	s0 =	sor.u32 s1, s0  }
0xcc: {  	s0 =	sadd.s32 $0x8F2B, s0  }
0xcd: {  	[sflag:s0] =	ssyncadd.remote.s32 $0x1  }
0xce: {  	_ =	sfence.sel $0xFFFF  }
0xcf: {  	[dreg:$0x0] =	wrdreg $0xFFFFFFFF;
	(pc) =	sbr.abs _section_cstart, $3  }
0xd0: {  	[dreg:$0x1] =	wrdreg $0xFFFFFFFF  }
0xd1: {  	_ =	task.clear_ibuf [dreg:s22], $0x2FFFF;
	_ =	strace $0x9FFFFFFF  }
0xd2: {  	(tm) =	ssettm $0x7FFFFFFF  }
0xd3: {  	_ =	shalt  }
tec
execute0_lowered:
.L_overlay_start_1:
0x0: {  	(tag) =	ssettag $0x1  }
0x1: {  	s8 =	rddreg [dreg:$0x0]  }
0x2: {  	s7 =	rddreg [dreg:$0x1]  }
0x3: {  	s0 =	srdreg.scid;
	s1 =	rddreg [dreg:$0x2]  }
0x4: {  	s2 =	simm.s32 $0x0;
	s9 =	sand.u32 $0x1, s0;
	s0 =	rddreg [dreg:$0x3]  }
0x5: {  	[smem:$0x7FF] =	sst s2;
	s4 =	sadd.s32 $0xA7E00, s8  }
0x6: {  	s11 =	sadd.s32 $0xA8600, s8;
	s16 =	sadd.s32 $0x138000, s1;
	s3 =	smul.u32 $0x2700, s9  }
0x7: {  	_ =	strace $0x8000004A;
	s5 =	ssub.s32 $0x2, s9;
	s15 =	smul.u32 $0x27100, s9  }
0x8: {  	p1 =	seq.s32 s9, $0x1;
	s9 =	smul.u32 $0x138800, s9;
	s12 =	sshrl.u32 s5, $0x1  }
0x9: {  	s10 =	sadd.s32 s3, s8;
	s3 =	stileid.u32;
	s12 =	ssub.s32 s5, s12  }
0xa: {  	s8 =	sadd.s32 $0xB800, s8;
	s30 =	sshrl.u32 s9, $0x3;
	s6 =	smul.u32 $0x4E000, s3  }
0xb: {  	s13 =	smul.u32 $0x2700, s3;
	p0 =	seq.s32 s3, $0xF;
	s17 =	sshll.u32 s3, $0x7  }
0xc: {  	s29 =	sshll.u32 s3, $0x6;
	p0 =	por !p0, !p1;
	s31 =	sadd.s32 s17, s10  }
0xd: {  	p1 =	sne.s32 s3, $0xF;
	s17 =	simm.s32 $0x0;
	s28 =	sshrl.u32 s6, $0x2  }
0xe: {  	s5 =	sadd.s32 s7, s13;
	s6 =	sor.u32 $0x1C02, s29;
	s7 =	sadd.s32 $0x27000, s7  }
0xf: {  	p0 =	por !p0, !p0;
	s13 =	sadd.s32 s13, s15;
	s15 =	sshrl.u32 @!p1 s16, $0x3  }
0x10: {  	s16 =	simm.s32 $0x400;
	s9 =	sadd.s32 s11, s13;
	s11 =	sadd.s32 s11, s30  }
0x11: {  	s14 =	sadd.s32 s28, s1;
	s10 =	sadd.s32 $0x27000, s11;
	s11 =	smax.u32 s12, $0x1  }
0x12: {  	s12 =	sadd.s32 $0x6A00, s31;
	s13 =	sshrl.u32 s14, $0x3;
	s14 =	simm.s32 $0x2  }
.LBB2_1:
0x13: {  	[spmem:s13], [sflag:s6] =	dma.local [hbm:s5], $0x2700  }
0x14: {  	_ =	swait.ge [sflag:s14], $0x2700  }
0x15: {  	[sflag:s14] =	ssyncset.done $0x0  }
0x16: {  	s18 =	simm.s32 @!p1 $0x2;
	[sflag:s14] =	ssyncadd.s32 $0xFFFFD900  }
0x17: {  	[spmem:s15], [sflag:s6] =	dma.local @!p1 [hbm:s7], $0x100  }
0x18: {  	_ =	swait.ge @!p1 [sflag:s18], $0x100  }
0x19: {  	[sflag:s18] =	ssyncset.done @!p1 $0x0  }
0x1a: {  	[sflag:s18] =	ssyncadd.s32 @!p1 $0xFFFFFF00  }
0x1b: {  	[tilespmem:s16], [sflag:$0x2] =	stream.linear.gather [hbm4b:s4+s2], $0x4000, $0x38;
	[tilespmem:$0x17C80] =	vst v63  }
0x1c: {  	_ =	swait.ge [sflag:s14], $0x4000  }
0x1d: {  	s30 =	sadd.s32 $0x0, s3;
	[sflag:s14] =	ssyncset.done $0x0  }
0x1e: {  	p2 =	sgt.u32 s30, $0x4D;
	[sflag:s14] =	ssyncadd.s32 $0xFFFFC000  }
0x1f: {  	s19 =	simm.s32 @!p2 $0x2;
	s18 =	simm.s32 @!p2 $0x0;
	[bflag:$0x0] =	sbarrier.arrive $0xFFFF  }
0x20: {  	[tilespmem:s18], [sflag:$0x2] =	stream.linear.gather @!p2 [hbm4b:s12+s18], $0x400, $0x38;
	[tilespmem:$0x17C80] =	vst v63  }
0x21: {  	_ =	swait.ge @!p2 [sflag:s19], $0x400  }
0x22: {  	[sflag:s19] =	ssyncset.done @!p2 $0x0;
	p2 =	por p2, p2  }
0x23: {  	[sflag:s19] =	ssyncadd.s32 @!p2 $0xFFFFFC00;
	s19 =	simm.s32 @!p2 $0x80;
	s21 =	simm.s32 @!p2 $0x400  }
0x24: {  	[spmem:s1] =	stream.indirect.scatter.add.f32 @!p2 [tilespmem:s21], [sflag:$0x1], $0x80, s18, s19, $0xb8;
	[tilespmem:$0x17C80] =	vst v63  }
0x25: {  	_ = 	snop  }
0x26: {  	[spmem:s1] =	stream.indirect.scatter.add.f32 @!p2 [tilespmem:s21], [sflag:$0x1], $0x80, s19, s19, $0xb8;
	[tilespmem:$0x17C80] =	vst v63  }
0x27: {  	s18 =	simm.s32 @!p2 $0x100  }
0x28: {  	[spmem:s1] =	stream.indirect.scatter.add.f32 @!p2 [tilespmem:s21], [sflag:$0x1], $0x80, s18, s19, $0xb8;
	[tilespmem:$0x17C80] =	vst v63  }
0x29: {  	s18 =	simm.s32 @!p2 $0x180  }
0x2a: {  	[spmem:s1] =	stream.indirect.scatter.add.f32 @!p2 [tilespmem:s21], [sflag:$0x1], $0x80, s18, s19, $0xb8;
	[tilespmem:$0x17C80] =	vst v63  }
0x2b: {  	s18 =	simm.s32 @!p2 $0x200  }
0x2c: {  	[spmem:s1] =	stream.indirect.scatter.add.f32 @!p2 [tilespmem:s21], [sflag:$0x1], $0x80, s18, s19, $0xb8;
	[tilespmem:$0x17C80] =	vst v63  }
0x2d: {  	s18 =	simm.s32 @!p2 $0x280  }
0x2e: {  	[spmem:s1] =	stream.indirect.scatter.add.f32 @!p2 [tilespmem:s21], [sflag:$0x1], $0x80, s18, s19, $0xb8;
	[tilespmem:$0x17C80] =	vst v63  }
0x2f: {  	s18 =	simm.s32 @!p2 $0x300  }
0x30: {  	[spmem:s1] =	stream.indirect.scatter.add.f32 @!p2 [tilespmem:s21], [sflag:$0x1], $0x80, s18, s19, $0xb8;
	[tilespmem:$0x17C80] =	vst v63  }
0x31: {  	s20 =	simm.s32 @!p2 $0x1;
	s18 =	simm.s32 @!p2 $0x380  }
0x32: {  	[spmem:s1] =	stream.indirect.scatter.add.f32 @!p2 [tilespmem:s21], [sflag:$0x1], $0x80, s18, s19, $0xb8;
	[tilespmem:$0x17C80] =	vst v63  }
0x33: {  	_ =	swait.ge @!p2 [sflag:s20], $0x4000  }
0x34: {  	[sflag:s20] =	ssyncset.done @!p2 $0x0  }
0x35: {  	[sflag:s20] =	ssyncadd.s32 @!p2 $0xFFFFC000  }
0x36: {  	_ =	swait.ge @!p2 [sflag:s20], $0x4000  }
0x37: {  	[sflag:s20] =	ssyncset.done @!p2 $0x0  }
0x38: {  	[sflag:s20] =	ssyncadd.s32 @!p2 $0xFFFFC000  }
0x39: {  	_ =	swait.ge @!p2 [sflag:s20], $0x4000  }
0x3a: {  	[sflag:s20] =	ssyncset.done @!p2 $0x0  }
0x3b: {  	[sflag:s20] =	ssyncadd.s32 @!p2 $0xFFFFC000  }
0x3c: {  	_ =	swait.ge @!p2 [sflag:s20], $0x4000  }
0x3d: {  	[sflag:s20] =	ssyncset.done @!p2 $0x0  }
0x3e: {  	[sflag:s20] =	ssyncadd.s32 @!p2 $0xFFFFC000  }
0x3f: {  	_ =	swait.ge @!p2 [sflag:s20], $0x4000  }
0x40: {  	[sflag:s20] =	ssyncset.done @!p2 $0x0  }
0x41: {  	[sflag:s20] =	ssyncadd.s32 @!p2 $0xFFFFC000  }
0x42: {  	_ =	swait.ge @!p2 [sflag:s20], $0x4000  }
0x43: {  	[sflag:s20] =	ssyncset.done @!p2 $0x0  }
0x44: {  	[sflag:s20] =	ssyncadd.s32 @!p2 $0xFFFFC000  }
0x45: {  	_ =	swait.ge @!p2 [sflag:s20], $0x4000  }
0x46: {  	[sflag:s20] =	ssyncset.done @!p2 $0x0  }
0x47: {  	s31 =	sadd.s32 $0x10, s3;
	[sflag:s20] =	ssyncadd.s32 @!p2 $0xFFFFC000  }
0x48: {  	p4 =	sgt.u32 s31, $0x4D;
	_ =	swait.ge @!p2 [sflag:s20], $0x4000  }
0x49: {  	s18 =	simm.s32 $0x20;
	s19 =	sadd.s32 $0x800, s12;
	[sflag:s20] =	ssyncset.done @!p2 $0x0  }
.LBB2_2:
0x4a: {  	s22 =	simm.s32 @!p4 $0x0;
	s23 =	simm.s32 @!p4 $0x2;
	[sflag:s20] =	ssyncadd.s32 @!p2 $0xFFFFC000  }
0x4b: {  	[tilespmem:s22], [sflag:$0x2] =	stream.linear.gather @!p4 [hbm4b:s19+s22], $0x400, $0x38;
	[tilespmem:$0x17C80] =	vst v63  }
0x4c: {  	s21 =	smov.u32 s18;
	s18 =	sadd.s32 $0x10, s18;
	_ =	swait.ge @!p4 [sflag:s23], $0x400  }
0x4d: {  	p2 =	por p4, p4;
	p3 =	sne.s32 s18, $0x50;
	[sflag:s23] =	ssyncset.done @!p4 $0x0  }
0x4e: {  	s24 =	simm.s32 @!p2 $0x400;
	[sflag:s23] =	ssyncadd.s32 @!p2 $0xFFFFFC00;
	s23 =	simm.s32 @!p2 $0x80  }
0x4f: {  	[spmem:s1] =	stream.indirect.scatter.add.f32 @!p2 [tilespmem:s24], [sflag:$0x1], $0x80, s22, s23, $0xb8;
	[tilespmem:$0x17C80] =	vst v63  }
0x50: {  	_ = 	snop  }
0x51: {  	[spmem:s1] =	stream.indirect.scatter.add.f32 @!p2 [tilespmem:s24], [sflag:$0x1], $0x80, s23, s23, $0xb8;
	[tilespmem:$0x17C80] =	vst v63  }
0x52: {  	s20 =	simm.s32 @!p2 $0x100  }
0x53: {  	[spmem:s1] =	stream.indirect.scatter.add.f32 @!p2 [tilespmem:s24], [sflag:$0x1], $0x80, s20, s23, $0xb8;
	[tilespmem:$0x17C80] =	vst v63  }
0x54: {  	s20 =	simm.s32 @!p2 $0x180  }
0x55: {  	[spmem:s1] =	stream.indirect.scatter.add.f32 @!p2 [tilespmem:s24], [sflag:$0x1], $0x80, s20, s23, $0xb8;
	[tilespmem:$0x17C80] =	vst v63  }
0x56: {  	s20 =	simm.s32 @!p2 $0x200  }
0x57: {  	[spmem:s1] =	stream.indirect.scatter.add.f32 @!p2 [tilespmem:s24], [sflag:$0x1], $0x80, s20, s23, $0xb8;
	[tilespmem:$0x17C80] =	vst v63  }
0x58: {  	s20 =	simm.s32 @!p2 $0x280  }
0x59: {  	[spmem:s1] =	stream.indirect.scatter.add.f32 @!p2 [tilespmem:s24], [sflag:$0x1], $0x80, s20, s23, $0xb8;
	[tilespmem:$0x17C80] =	vst v63  }
0x5a: {  	s20 =	simm.s32 @!p2 $0x300  }
0x5b: {  	[spmem:s1] =	stream.indirect.scatter.add.f32 @!p2 [tilespmem:s24], [sflag:$0x1], $0x80, s20, s23, $0xb8;
	[tilespmem:$0x17C80] =	vst v63  }
0x5c: {  	s22 =	simm.s32 @!p2 $0x380;
	s20 =	simm.s32 @!p2 $0x1  }
0x5d: {  	[spmem:s1] =	stream.indirect.scatter.add.f32 @!p2 [tilespmem:s24], [sflag:$0x1], $0x80, s22, s23, $0xb8;
	[tilespmem:$0x17C80] =	vst v63  }
0x5e: {  	_ =	swait.ge @!p2 [sflag:s20], $0x4000  }
0x5f: {  	[sflag:s20] =	ssyncset.done @!p2 $0x0  }
0x60: {  	[sflag:s20] =	ssyncadd.s32 @!p2 $0xFFFFC000  }
0x61: {  	_ =	swait.ge @!p2 [sflag:s20], $0x4000  }
0x62: {  	[sflag:s20] =	ssyncset.done @!p2 $0x0  }
0x63: {  	[sflag:s20] =	ssyncadd.s32 @!p2 $0xFFFFC000  }
0x64: {  	_ =	swait.ge @!p2 [sflag:s20], $0x4000  }
0x65: {  	[sflag:s20] =	ssyncset.done @!p2 $0x0  }
0x66: {  	[sflag:s20] =	ssyncadd.s32 @!p2 $0xFFFFC000  }
0x67: {  	_ =	swait.ge @!p2 [sflag:s20], $0x4000  }
0x68: {  	[sflag:s20] =	ssyncset.done @!p2 $0x0  }
0x69: {  	[sflag:s20] =	ssyncadd.s32 @!p2 $0xFFFFC000  }
0x6a: {  	_ =	swait.ge @!p2 [sflag:s20], $0x4000  }
0x6b: {  	[sflag:s20] =	ssyncset.done @!p2 $0x0  }
0x6c: {  	[sflag:s20] =	ssyncadd.s32 @!p2 $0xFFFFC000  }
0x6d: {  	_ =	swait.ge @!p2 [sflag:s20], $0x4000  }
0x6e: {  	[sflag:s20] =	ssyncset.done @!p2 $0x0  }
0x6f: {  	[sflag:s20] =	ssyncadd.s32 @!p2 $0xFFFFC000  }
.Ltmp0:
0x70: {  	_ =	swait.ge @!p2 [sflag:s20], $0x4000;
	(pc) =	sbr.rel @p3 .LBB2_2-.Ltmp0, $4  }
0x71: {  	[sflag:s20] =	ssyncset.done @!p2 $0x0  }
0x72: {  	[sflag:s20] =	ssyncadd.s32 @!p2 $0xFFFFC000  }
0x73: {  	s21 =	sadd.s32 s21, s3;
	_ =	swait.ge @!p2 [sflag:s20], $0x4000  }
0x74: {  	s19 =	sadd.s32 $0x800, s19;
	p4 =	sgt.u32 s21, $0x4D;
	[sflag:s20] =	ssyncset.done @!p2 $0x0  }
0x75: {  	s18 =	simm.s32 @!p4 $0x0;
	s21 =	simm.s32 @!p4 $0x2;
	[sflag:s20] =	ssyncadd.s32 @!p2 $0xFFFFC000  }
0x76: {  	[tilespmem:s18], [sflag:$0x2] =	stream.linear.gather @!p4 [hbm4b:s19+s18], $0x400, $0x38;
	[tilespmem:$0x17C80] =	vst v63  }
0x77: {  	_ =	swait.ge @!p4 [sflag:s21], $0x400  }
0x78: {  	p2 =	por p4, p4;
	[sflag:s21] =	ssyncset.done @!p4 $0x0  }
0x79: {  	s19 =	simm.s32 @!p2 $0x80;
	s20 =	simm.s32 @!p2 $0x400;
	[sflag:s21] =	ssyncadd.s32 @!p2 $0xFFFFFC00  }
0x7a: {  	[spmem:s1] =	stream.indirect.scatter.add.f32 @!p2 [tilespmem:s20], [sflag:$0x1], $0x80, s18, s19, $0xb8;
	[tilespmem:$0x17C80] =	vst v63  }
0x7b: {  	_ = 	snop  }
0x7c: {  	[spmem:s1] =	stream.indirect.scatter.add.f32 @!p2 [tilespmem:s20], [sflag:$0x1], $0x80, s19, s19, $0xb8;
	[tilespmem:$0x17C80] =	vst v63  }
0x7d: {  	s18 =	simm.s32 @!p2 $0x100  }
0x7e: {  	[spmem:s1] =	stream.indirect.scatter.add.f32 @!p2 [tilespmem:s20], [sflag:$0x1], $0x80, s18, s19, $0xb8;
	[tilespmem:$0x17C80] =	vst v63  }
0x7f: {  	s18 =	simm.s32 @!p2 $0x180  }
0x80: {  	[spmem:s1] =	stream.indirect.scatter.add.f32 @!p2 [tilespmem:s20], [sflag:$0x1], $0x80, s18, s19, $0xb8;
	[tilespmem:$0x17C80] =	vst v63  }
0x81: {  	s18 =	simm.s32 @!p2 $0x200  }
0x82: {  	[spmem:s1] =	stream.indirect.scatter.add.f32 @!p2 [tilespmem:s20], [sflag:$0x1], $0x80, s18, s19, $0xb8;
	[tilespmem:$0x17C80] =	vst v63  }
0x83: {  	s18 =	simm.s32 @!p2 $0x280  }
0x84: {  	[spmem:s1] =	stream.indirect.scatter.add.f32 @!p2 [tilespmem:s20], [sflag:$0x1], $0x80, s18, s19, $0xb8;
	[tilespmem:$0x17C80] =	vst v63  }
0x85: {  	s18 =	simm.s32 @!p2 $0x300  }
0x86: {  	[spmem:s1] =	stream.indirect.scatter.add.f32 @!p2 [tilespmem:s20], [sflag:$0x1], $0x80, s18, s19, $0xb8;
	[tilespmem:$0x17C80] =	vst v63  }
0x87: {  	s21 =	simm.s32 @!p2 $0x1;
	s18 =	simm.s32 @!p2 $0x380  }
0x88: {  	[spmem:s1] =	stream.indirect.scatter.add.f32 @!p2 [tilespmem:s20], [sflag:$0x1], $0x80, s18, s19, $0xb8;
	[tilespmem:$0x17C80] =	vst v63  }
0x89: {  	_ =	swait.ge @!p2 [sflag:s21], $0x4000  }
0x8a: {  	[sflag:s21] =	ssyncset.done @!p2 $0x0  }
0x8b: {  	[sflag:s21] =	ssyncadd.s32 @!p2 $0xFFFFC000  }
0x8c: {  	_ =	swait.ge @!p2 [sflag:s21], $0x4000  }
0x8d: {  	[sflag:s21] =	ssyncset.done @!p2 $0x0  }
0x8e: {  	[sflag:s21] =	ssyncadd.s32 @!p2 $0xFFFFC000  }
0x8f: {  	_ =	swait.ge @!p2 [sflag:s21], $0x4000  }
0x90: {  	[sflag:s21] =	ssyncset.done @!p2 $0x0  }
0x91: {  	[sflag:s21] =	ssyncadd.s32 @!p2 $0xFFFFC000  }
0x92: {  	_ =	swait.ge @!p2 [sflag:s21], $0x4000  }
0x93: {  	[sflag:s21] =	ssyncset.done @!p2 $0x0  }
0x94: {  	[sflag:s21] =	ssyncadd.s32 @!p2 $0xFFFFC000  }
0x95: {  	_ =	swait.ge @!p2 [sflag:s21], $0x4000  }
0x96: {  	[sflag:s21] =	ssyncset.done @!p2 $0x0  }
0x97: {  	[sflag:s21] =	ssyncadd.s32 @!p2 $0xFFFFC000  }
0x98: {  	_ =	swait.ge @!p2 [sflag:s21], $0x4000  }
0x99: {  	[sflag:s21] =	ssyncset.done @!p2 $0x0  }
0x9a: {  	[sflag:s21] =	ssyncadd.s32 @!p2 $0xFFFFC000  }
0x9b: {  	_ =	swait.ge @!p2 [sflag:s21], $0x4000  }
0x9c: {  	[sflag:s21] =	ssyncset.done @!p2 $0x0  }
0x9d: {  	[sflag:s21] =	ssyncadd.s32 @!p2 $0xFFFFC000  }
0x9e: {  	_ =	swait.ge @!p2 [sflag:s21], $0x4000  }
0x9f: {  	[sflag:s21] =	ssyncset.done @!p2 $0x0  }
0xa0: {  	s18 =	simm.s32 @p0 $0x0;
	s19 =	simm.s32 @p0 $0x2;
	[sflag:s21] =	ssyncadd.s32 @!p2 $0xFFFFC000  }
0xa1: {  	[tilespmem:s18], [sflag:$0x2] =	stream.linear.gather @p0 [hbm4b:s8+s18], $0x100, $0x38;
	[tilespmem:$0x17C80] =	vst v63  }
0xa2: {  	_ =	swait.ge @p0 [sflag:s19], $0x100  }
0xa3: {  	[sflag:s19] =	ssyncset.done @p0 $0x0  }
0xa4: {  	s20 =	simm.s32 @p0 $0x400;
	[sflag:s19] =	ssyncadd.s32 @p0 $0xFFFFFF00;
	s19 =	simm.s32 @p0 $0x80  }
0xa5: {  	[spmem:s1] =	stream.indirect.scatter.add.f32 @p0 [tilespmem:s20], [sflag:$0x1], $0x80, s18, s19, $0xb8;
	[tilespmem:$0x17C80] =	vst v63  }
0xa6: {  	s18 =	simm.s32 @p0 $0x1  }
0xa7: {  	[spmem:s1] =	stream.indirect.scatter.add.f32 @p0 [tilespmem:s20], [sflag:$0x1], $0x80, s19, s19, $0xb8;
	[tilespmem:$0x17C80] =	vst v63  }
0xa8: {  	_ =	swait.ge @p0 [sflag:s18], $0x4000  }
0xa9: {  	[sflag:s18] =	ssyncset.done @p0 $0x0  }
0xaa: {  	[sflag:s18] =	ssyncadd.s32 @p0 $0xFFFFC000  }
0xab: {  	_ =	swait.ge @p0 [sflag:s18], $0x4000  }
0xac: {  	[sflag:s18] =	ssyncset.done @p0 $0x0  }
0xad: {  	[sflag:s18] =	ssyncadd.s32 @p0 $0xFFFFC000  }
0xae: {  	[bflag:$0x0] =	sbarrier.arrive $0xFFFF  }
0xaf: {  	[hbm:s9], [sflag:s6] =	dma.local [spmem:s13], $0x2700  }
0xb0: {  	s17 =	sadd.s32 $0x1, s17;
	_ =	swait.ge [sflag:s14], $0x2700  }
0xb1: {  	p2 =	sne.s32 s17, s11;
	[sflag:s14] =	ssyncset.done $0x0  }
.Ltmp1:
0xb2: {  	s18 =	simm.s32 @!p1 $0x2;
	[sflag:s14] =	ssyncadd.s32 $0xFFFFD900;
	(pc) =	sbr.rel @p2 .LBB2_1-.Ltmp1, $4  }
0xb3: {  	[hbm:s10], [sflag:s6] =	dma.local @!p1 [spmem:s15], $0x100  }
0xb4: {  	_ =	swait.ge @!p1 [sflag:s18], $0x100  }
0xb5: {  	[sflag:s18] =	ssyncset.done @!p1 $0x0  }
0xb6: {  	[sflag:s18] =	ssyncadd.s32 @!p1 $0xFFFFFF00  }
0xb7: {  	_ =	sfence.sel $0x180000  }
0xb8: {  	[bflag:$0x0] =	sbarrier.arrive $0xFFFF  }
0xb9: {  	p0 =	sne.s32 s3, $0x0;
	_ =	strace $0x9000004A  }
0xba: {  	s0 =	sadd.s32 @!p0 $0x100000, s0;
	[bflag:$0x2] =	sbarrier.arrive $0xFFFF  }
0xbb: {  	[sflag:s0] =	ssyncadd.tile.s32 @!p0 $0x1;
	_ =	shalt  }
.Lfunc_end2:
_tile_overlayer_lowered:
.L_overlay_start_2:
0xbc: {  	(tag) =	ssettag $0x2  }
0xbd: {  	s0 =	rddreg [dreg:$0x0];
	s2 =	stileid.u32  }
0xbe: {  	s1 =	rddreg [dreg:$0x1];
	p0 =	sne.s32 s2, $0x0  }
0xbf: {  	s3 =	rddreg [dreg:$0x2];
	[bflag:$0x3] =	sbarrier.arrive $0xFFFF;
	s2 =	simm.s32 @!p0 $0x1C02  }
0xc0: {  	[timem:s3], [sflag:s2] =	dma.local @!p0 [hbm:s0], s1  }
0xc1: {  	s0 =	simm.s32 @!p0 $0x2  }
0xc2: {  	_ =	swait.ge @!p0 [sflag:s0], s1  }
0xc3: {  	s1 =	ssub.s32 @!p0 $0x0, s1;
	[sflag:s0] =	ssyncset.done @!p0 $0x0  }
0xc4: {  	[sflag:s0] =	ssyncadd.s32 @!p0 s1  }
0xc5: {  	[bflag:$0x3] =	sbarrier.arrive $0xFFFF  }
0xc6: {  	_ =	shalt  }

</sc_bundles>
